<compile_context>
chip_gen: v7x
topology: tpu7x:2x2x1
jax: 0.10.2.dev20260603
libtpu: 0.0.44.dev20260713+nightly
codegen_flags: <defaults>
</compile_context>

<pallas_src>
import functools

import jax
import jax.numpy as jnp
from jax import lax
from jax.experimental import pallas as pl
from jax.experimental.pallas import tpu as pltpu
from jax.experimental.pallas import tpu_sc as plsc

N_NODES = 10000
N_EDGES = 320000
IN_DIM = 128
EDGE_DIM = 16
NUM_HEADS = 8
D_HEAD = 16
OUT_DIM = NUM_HEADS * D_HEAD
INV_SQRT_D = 0.25

NCORES = 2
NW = NCORES * 16
EPW = N_EDGES // NW
CHUNK = 80
NCHUNK = EPW // CHUNK
NZROW = 1280
ZRPT = NZROW // 16

NHALF = 5120
NACC = 5248
RPT2 = NACC // 16
EPT2 = N_EDGES // 16
CHUNK2 = 80
NCHUNK2 = EPT2 // CHUNK2

_mesh = plsc.VectorSubcoreMesh(core_axis_name="c", subcore_axis_name="s",
                               num_cores=NCORES)

_GDN = lax.GatherDimensionNumbers(
    offset_dims=(), collapsed_slice_dims=(0,), start_index_map=(0,)
)


def _perm(v, idx):
    return lax.gather(
        v, idx[:, None], _GDN, slice_sizes=(1,),
        mode=lax.GatherScatterMode.PROMISE_IN_BOUNDS,
    )


def _rot8(v):
    return _perm(v, (lax.iota(jnp.int32, 16) + 8) & 15)


def _sum16(v):
    for r in (8, 4, 2, 1):
        v = v + _perm(v, (lax.iota(jnp.int32, 16) + r) & 15)
    return v


def _bcast_lane(v, h):
    return _perm(v, lax.iota(jnp.int32, 16) * 0 + h)


def _merge(a, b, d):
    lane = lax.iota(jnp.int32, 16)
    m = (lane & d) == 0
    c = jnp.where(m, a, b)
    e = jnp.where(m, b, a)
    return c + _perm(e, lane ^ d)



def _qkv_proj(x, Qw, Qb, Kw, Kb, Vw, Vb):
    def body(x_ref, qw, qb, kw, kb, vw, vb, qo, ko, vo):
        xb = x_ref[...]
        qo[...] = jnp.dot(xb, qw[...], preferred_element_type=jnp.float32) + qb[...]
        ko[...] = jnp.dot(xb, kw[...], preferred_element_type=jnp.float32) + kb[...]
        vo[...] = jnp.dot(xb, vw[...], preferred_element_type=jnp.float32) + vb[...]

    blk = 1000
    w_spec = pl.BlockSpec((IN_DIM, OUT_DIM), lambda i: (0, 0))
    b_spec = pl.BlockSpec((1, OUT_DIM), lambda i: (0, 0))
    r_spec = pl.BlockSpec((blk, IN_DIM), lambda i: (i, 0))
    o_spec = pl.BlockSpec((blk, OUT_DIM), lambda i: (i, 0))
    return pl.pallas_call(
        body,
        grid=(N_NODES // blk,),
        in_specs=[r_spec, w_spec, b_spec, w_spec, b_spec, w_spec, b_spec],
        out_specs=[o_spec, o_spec, o_spec],
        out_shape=[jax.ShapeDtypeStruct((N_NODES, OUT_DIM), jnp.float32)] * 3,
    )(x, Qw, Qb.reshape(1, OUT_DIM), Kw, Kb.reshape(1, OUT_DIM),
      Vw, Vb.reshape(1, OUT_DIM))


def _edge_proj(edge_attr, Ew, Eb):
    def body(a_ref, w_ref, b_ref, o_ref):
        o_ref[...] = (
            jnp.dot(a_ref[...], w_ref[...], preferred_element_type=jnp.float32)
            + b_ref[...]
        )

    blk = 4000
    return pl.pallas_call(
        body,
        grid=(N_EDGES // blk,),
        in_specs=[
            pl.BlockSpec((blk, EDGE_DIM), lambda i: (i, 0)),
            pl.BlockSpec((EDGE_DIM, OUT_DIM), lambda i: (0, 0)),
            pl.BlockSpec((1, OUT_DIM), lambda i: (0, 0)),
        ],
        out_specs=pl.BlockSpec((blk, OUT_DIM), lambda i: (i, 0)),
        out_shape=jax.ShapeDtypeStruct((N_EDGES, OUT_DIM), jnp.float32),
    )(edge_attr, Ew, Eb.reshape(1, OUT_DIM))


def _normalize(num, z0, z1):

    def body(n_ref, z0_ref, z1_ref, o_ref):
        n = n_ref[:N_NODES]
        z = z0_ref[:N_NODES] + z1_ref[:N_NODES]
        col = lax.broadcasted_iota(jnp.int32, (16, OUT_DIM), 1) // D_HEAD
        row = lax.broadcasted_iota(jnp.int32, (16, OUT_DIM), 0)
        expand = (col == row).astype(jnp.float32)
        zexp = jnp.dot(z, expand, preferred_element_type=jnp.float32)
        o_ref[...] = n / (zexp + 1e-6)

    return pl.pallas_call(
        body,
        grid=(1,),
        in_specs=[
            pl.BlockSpec((2 * NHALF, OUT_DIM), lambda i: (0, 0)),
            pl.BlockSpec((8 * NZROW, 16), lambda i: (0, 0)),
            pl.BlockSpec((8 * NZROW, 16), lambda i: (0, 0)),
        ],
        out_specs=pl.BlockSpec((N_NODES, OUT_DIM), lambda i: (0, 0)),
        out_shape=jax.ShapeDtypeStruct((N_NODES, OUT_DIM), jnp.float32),
    )(num, z0, z1)



@functools.partial(
    pl.kernel,
    mesh=_mesh,
    out_type=[
        jax.ShapeDtypeStruct((N_EDGES // 2, 16), jnp.float32),
        jax.ShapeDtypeStruct((N_EDGES, 16), jnp.float32),
        jax.ShapeDtypeStruct((NCORES * NZROW, OUT_DIM), jnp.float32),
    ],
    scratch_types=[
        pltpu.VMEM((25 * CHUNK,), jnp.int32),
        pltpu.VMEM((25 * CHUNK,), jnp.int32),
        pltpu.VMEM((CHUNK,), jnp.int32),
        pltpu.VMEM((CHUNK,), jnp.int32),
        pltpu.VMEM((CHUNK, OUT_DIM), jnp.float32),
        pltpu.VMEM((CHUNK, OUT_DIM), jnp.float32),
        pltpu.VMEM((CHUNK, OUT_DIM), jnp.float32),
        pltpu.VMEM((CHUNK // 2, 16), jnp.float32),
        pltpu.VMEM((CHUNK, 16), jnp.float32),
        pltpu.VMEM((CHUNK, OUT_DIM), jnp.float32),
        pltpu.VMEM_SHARED((NZROW, OUT_DIM), jnp.float32),
        pltpu.SemaphoreType.DMA,
        pltpu.SemaphoreType.DMA,
        pltpu.SemaphoreType.DMA,
    ],
)
def _score_pass(src_hbm, dst_hbm, q_hbm, k_hbm, e_hbm,
                eout_hbm, s_hbm, z_hbm,
                src_v, dst_v, dst8_v, dm_v, qr, kr, er, eob, sb, zb,
                z_sh, sem, isem, wsem):
    cid = lax.axis_index("c")
    sid = lax.axis_index("s")
    wid = cid * 16 + sid
    base0 = wid * EPW

    zero16 = jnp.zeros((16,), jnp.float32)

    def zrow(i, _):
        for j in range(OUT_DIM // 16):
            zb[i, pl.ds(j * 16, 16)] = zero16
        return _

    lax.fori_loop(0, CHUNK, zrow, None)

    stripe = pl.multiple_of(sid * ZRPT, 8)
    pltpu.sync_copy(zb, z_sh.at[pl.ds(stripe, CHUNK)])
    plsc.subcore_barrier()

    lane = lax.iota(jnp.int32, 16)

    def chunk_body(ci, _):
        base = pl.multiple_of(base0 + ci * CHUNK, 8)

        @pl.when(ci % 25 == 0)
        def _load_idx():
            cp_si = pltpu.async_copy(
                src_hbm.at[pl.ds(base, 25 * CHUNK)], src_v, isem)
            cp_di = pltpu.async_copy(
                dst_hbm.at[pl.ds(base, 25 * CHUNK)], dst_v, isem)
            cp_si.wait()
            cp_di.wait()

        off = pl.multiple_of((ci % 25) * CHUNK, 8)
        cp_q = pltpu.async_copy(q_hbm.at[dst_v.at[pl.ds(off, CHUNK)]], qr, sem)
        cp_k = pltpu.async_copy(k_hbm.at[src_v.at[pl.ds(off, CHUNK)]], kr, sem)
        cp_e = pltpu.async_copy(e_hbm.at[pl.ds(base, CHUNK)], er, sem)

        @pl.when(ci > 0)
        def _drain():
            pltpu.make_async_copy(sb, s_hbm.at[pl.ds(0, CHUNK)], wsem).wait()
            pltpu.make_async_copy(
                eob, eout_hbm.at[pl.ds(0, CHUNK // 2)], wsem
            ).wait()

        for j in range(CHUNK // 16):
            d = dst_v[pl.ds(off + j * 16, 16)]
            dst8_v[pl.ds(j * 16, 16)] = lax.shift_right_logical(d, 3)
            dm_v[pl.ds(j * 16, 16)] = d & 7
        cp_q.wait()
        cp_k.wait()
        cp_e.wait()

        def pair_body(r, _):
            e0 = 2 * r
            e1 = e0 + 1
            vs = []
            for e in (e0, e1):
                for h in range(NUM_HEADS):
                    lo = h * D_HEAD
                    vs.append(
                        qr[e, pl.ds(lo, D_HEAD)]
                        * kr[e, pl.ds(lo, D_HEAD)]
                        * er[e, pl.ds(lo, D_HEAD)]
                    )
            for d in (1, 2, 4, 8):
                vs = [_merge(vs[2 * j], vs[2 * j + 1], d)
                      for j in range(len(vs) // 2)]
            srow = vs[0] * INV_SQRT_D
            eob[r, :] = srow
            sp0 = jnp.exp(jnp.clip(srow, -5.0, 5.0))
            sp1 = _rot8(sp0)
            sb[e0, :] = sp0
            sb[e1, :] = sp1
            g16 = lax.shift_left(lax.shift_right_logical(e0, 4), 4)
            mv = dm_v[pl.ds(g16, 16)]
            l0 = e0 & 15
            m0 = _perm(mv, lax.iota(jnp.int32, 16) * 0 + l0)
            m1 = _perm(mv, lax.iota(jnp.int32, 16) * 0 + l0 + 1)
            one = jnp.ones((16,), jnp.int32)
            for k in range(8):
                c0 = (one - jnp.minimum(jnp.abs(m0 - k), 1)).astype(jnp.float32)
                c1 = (one - jnp.minimum(jnp.abs(m1 - k), 1)).astype(jnp.float32)
                zb[e0, pl.ds(k * 16, 16)] = sp0 * c0
                zb[e1, pl.ds(k * 16, 16)] = sp1 * c1
            return _

        lax.fori_loop(0, CHUNK // 2, pair_body, None)

        pltpu.sync_copy(zb, z_sh.at[dst8_v], add=True)
        pltpu.async_copy(sb, s_hbm.at[pl.ds(base, CHUNK)], wsem)
        pltpu.async_copy(
            eob, eout_hbm.at[pl.ds(pl.multiple_of(base // 2, 8), CHUNK // 2)],
            wsem,
        )
        return _

    lax.fori_loop(0, NCHUNK, chunk_body, None)

    pltpu.make_async_copy(sb, s_hbm.at[pl.ds(0, CHUNK)], wsem).wait()
    pltpu.make_async_copy(eob, eout_hbm.at[pl.ds(0, CHUNK // 2)], wsem).wait()

    plsc.subcore_barrier()
    dump = pl.multiple_of(cid * NZROW + sid * ZRPT, 8)
    pltpu.sync_copy(z_sh.at[pl.ds(stripe, ZRPT)], z_hbm.at[pl.ds(dump, ZRPT)])



@functools.partial(
    pl.kernel,
    mesh=_mesh,
    out_type=jax.ShapeDtypeStruct((2 * NHALF, OUT_DIM), jnp.float32),
    scratch_types=[
        pltpu.VMEM((25 * CHUNK2,), jnp.int32),
        pltpu.VMEM((25 * CHUNK2,), jnp.int32),
        pltpu.VMEM((CHUNK2,), jnp.int32),
        pltpu.VMEM((CHUNK2, OUT_DIM), jnp.float32),
        pltpu.VMEM((CHUNK2, 16), jnp.float32),
        pltpu.VMEM((CHUNK2, OUT_DIM), jnp.float32),
        pltpu.VMEM_SHARED((NACC, OUT_DIM), jnp.float32),
        pltpu.SemaphoreType.DMA,
        pltpu.SemaphoreType.DMA,
        pltpu.SemaphoreType.DMA,
    ],
)
def _msg_pass(src_hbm, dst_hbm, v_hbm, s_hbm,
              num_hbm,
              src_v, dst_v, dst2_v, vr, sb, msg, num_sh, sem, isem, wsem):
    cid = lax.axis_index("c")
    sid = lax.axis_index("s")
    base0 = sid * EPT2
    lo_node = cid * NHALF

    zero16 = jnp.zeros((16,), jnp.float32)

    def zrow(i, _):
        for j in range(OUT_DIM // 16):
            msg[i, pl.ds(j * 16, 16)] = zero16
        return _

    lax.fori_loop(0, CHUNK2, zrow, None)

    stripe = pl.multiple_of(sid * RPT2, 8)
    for j in range(RPT2 // CHUNK2):
        pltpu.sync_copy(msg, num_sh.at[pl.ds(stripe + j * CHUNK2, CHUNK2)])
    rem = RPT2 % CHUNK2
    if rem:
        pltpu.sync_copy(msg.at[pl.ds(0, rem)],
                        num_sh.at[pl.ds(stripe + RPT2 - rem, rem)])
    plsc.subcore_barrier()

    def chunk_body(ci, _):
        base = pl.multiple_of(base0 + ci * CHUNK2, 8)

        @pl.when(ci % 25 == 0)
        def _load_idx():
            cp_si = pltpu.async_copy(
                src_hbm.at[pl.ds(base, 25 * CHUNK2)], src_v, isem)
            cp_di = pltpu.async_copy(
                dst_hbm.at[pl.ds(base, 25 * CHUNK2)], dst_v, isem)
            cp_si.wait()
            cp_di.wait()

        off = pl.multiple_of((ci % 25) * CHUNK2, 8)
        cp_v = pltpu.async_copy(v_hbm.at[src_v.at[pl.ds(off, CHUNK2)]], vr, sem)
        cp_s = pltpu.async_copy(s_hbm.at[pl.ds(base, CHUNK2)], sb, sem)

        for j in range(CHUNK2 // 16):
            d = dst_v[pl.ds(off + j * 16, 16)]
            dloc = d - lo_node
            inr = (dloc >= 0) & (dloc < NHALF)
            dst2_v[pl.ds(j * 16, 16)] = jnp.where(inr, dloc, NHALF)

        cp_v.wait()
        cp_s.wait()

        def msg_body(e, _):
            sv = sb[e, :]
            for h in range(NUM_HEADS):
                lo = h * D_HEAD
                msg[e, pl.ds(lo, D_HEAD)] = (
                    vr[e, pl.ds(lo, D_HEAD)] * _bcast_lane(sv, h)
                )
            return _

        lax.fori_loop(0, CHUNK2, msg_body, None)

        pltpu.sync_copy(msg, num_sh.at[dst2_v], add=True)
        return _

    lax.fori_loop(0, NCHUNK2, chunk_body, None)

    plsc.subcore_barrier()
    srows = NHALF // 16
    sdump = pl.multiple_of(sid * srows, 8)
    pltpu.sync_copy(
        num_sh.at[pl.ds(sdump, srows)],
        num_hbm.at[pl.ds(pl.multiple_of(cid * NHALF + sid * srows, 8), srows)],
    )



def kernel(x, edge_index, edge_attr, Qw, Qb, Kw, Kb, Vw, Vb, Ew, Eb):
    ei = edge_index.astype(jnp.int32)
    src = ei[0]
    dst = ei[1]

    Q, K, V = _qkv_proj(x, Qw, Qb, Kw, Kb, Vw, Vb)
    proj_e = _edge_proj(edge_attr, Ew, Eb)

    eout_packed, s_pad, z_parts = _score_pass(src, dst, Q, K, proj_e)
    num = _msg_pass(src, dst, V, s_pad)
    z0 = z_parts[:NZROW].reshape(8 * NZROW, 16)
    z1 = z_parts[NZROW:].reshape(8 * NZROW, 16)
    out = _normalize(num, z0, z1)
    e_out = eout_packed.reshape(N_EDGES, NUM_HEADS)
    return (out, e_out)

# --- scband reference (transcript-rebuilt; emitter-appended) ---
"""Pipeline reference for scband-multi-head-attention-layer-82497731822089 (READ-ONLY COPY).

The authoritative reference and input builder live on the scoring server;
editing this copy changes nothing except your own understanding.
"""

import jax, jax.numpy as jnp
import numpy as np

N_NODES = 10000
N_EDGES = 320000
IN_DIM = 128
EDGE_DIM = 16
NUM_HEADS = 8
D_HEAD = 16
OUT_DIM = NUM_HEADS * D_HEAD


def setup_inputs(seed: int = 0) -> dict:
    key = jax.random.key(seed)
    ks = jax.random.split(key, 12)
    x = jax.random.normal(ks[0], (N_NODES, IN_DIM), dtype=jnp.float32)
    edge_index = jax.random.randint(ks[1], (2, N_EDGES), 0, N_NODES, dtype=jnp.int64)
    edge_attr = jax.random.normal(ks[2], (N_EDGES, EDGE_DIM), dtype=jnp.float32)
    s_in = 1.0 / np.sqrt(IN_DIM)
    s_e = 1.0 / np.sqrt(EDGE_DIM)
    Qw = jax.random.uniform(ks[3], (IN_DIM, OUT_DIM), jnp.float32, -s_in, s_in)
    Qb = jax.random.uniform(ks[4], (OUT_DIM,), jnp.float32, -s_in, s_in)
    Kw = jax.random.uniform(ks[5], (IN_DIM, OUT_DIM), jnp.float32, -s_in, s_in)
    Kb = jax.random.uniform(ks[6], (OUT_DIM,), jnp.float32, -s_in, s_in)
    Vw = jax.random.uniform(ks[7], (IN_DIM, OUT_DIM), jnp.float32, -s_in, s_in)
    Vb = jax.random.uniform(ks[8], (OUT_DIM,), jnp.float32, -s_in, s_in)
    Ew = jax.random.uniform(ks[9], (EDGE_DIM, OUT_DIM), jnp.float32, -s_e, s_e)
    Eb = jax.random.uniform(ks[10], (OUT_DIM,), jnp.float32, -s_e, s_e)
    return {"x": x, "edge_index": edge_index, "edge_attr": edge_attr,
            "Qw": Qw, "Qb": Qb, "Kw": Kw, "Kb": Kb, "Vw": Vw, "Vb": Vb,
            "Ew": Ew, "Eb": Eb}


def reference(x, edge_index, edge_attr, Qw, Qb, Kw, Kb, Vw, Vb, Ew, Eb):
    num_nodes = x.shape[0]
    num_edges = edge_index.shape[1]
    sqrt_d = D_HEAD ** 0.5
    Q = (x @ Qw + Qb).reshape(num_nodes, NUM_HEADS, D_HEAD)
    K = (x @ Kw + Kb).reshape(num_nodes, NUM_HEADS, D_HEAD)
    V = (x @ Vw + Vb).reshape(num_nodes, NUM_HEADS, D_HEAD)
    proj_e = (edge_attr @ Ew + Eb).reshape(num_edges, NUM_HEADS, D_HEAD)
    edge_src = edge_index[0]
    edge_dst = edge_index[1]
    K_j = K[edge_src]
    Q_i = Q[edge_dst]
    V_j = V[edge_src]
    score = Q_i * K_j / sqrt_d
    score = score * proj_e
    score = score.sum(axis=-1)
    e_out = score
    s = jnp.exp(jnp.clip(score, -5.0, 5.0))
    z = jax.ops.segment_sum(s, edge_dst, num_segments=num_nodes)
    alpha = s / (z[edge_dst] + 1e-06)
    message = V_j * alpha[:, :, None]
    out = jax.ops.segment_sum(message, edge_dst, num_segments=num_nodes)
    out = out.reshape(num_nodes, NUM_HEADS * D_HEAD)
    return (out, e_out)

if __name__ == "__main__":
    import jax
    _d = setup_inputs()
    print(jax.jit(kernel)(*tuple(_d.values())))

</pallas_src>

<mosaic_0001>
#map = affine_map<(d0, d1) -> (0)>
#map1 = affine_map<(d0, d1) -> (0, 0)>
module attributes {stable_mosaic.version = 14 : i64} {
  func.func @_msg_pass(%arg0: i32, %arg1: i32, %arg2: memref<320000xi32, #tpu.memory_space<hbm>>, %arg3: memref<320000xi32, #tpu.memory_space<hbm>>, %arg4: memref<10000x128xf32, #tpu.memory_space<hbm>>, %arg5: memref<320000x16xf32, #tpu.memory_space<hbm>>, %arg6: memref<10240x128xf32, #tpu.memory_space<hbm>>, %arg7: memref<2000xi32, #tpu.memory_space<vmem>>, %arg8: memref<2000xi32, #tpu.memory_space<vmem>>, %arg9: memref<80xi32, #tpu.memory_space<vmem>>, %arg10: memref<80x128xf32, #tpu.memory_space<vmem>>, %arg11: memref<80x16xf32, #tpu.memory_space<vmem>>, %arg12: memref<80x128xf32, #tpu.memory_space<vmem>>, %arg13: memref<5248x128xf32, #tpu.memory_space<vmem_shared>>, %arg14: memref<!tpu.dma_semaphore, #tpu.memory_space<semaphore_mem>>, %arg15: memref<!tpu.dma_semaphore, #tpu.memory_space<semaphore_mem>>, %arg16: memref<!tpu.dma_semaphore, #tpu.memory_space<semaphore_mem>>) attributes {dimension_semantics = [#tpu.dimension_semantics<core_parallel>, #tpu.dimension_semantics<subcore_parallel>], iteration_bounds = array<i64: 2, 16>, scalar_prefetch = 0 : i64, scratch_operands = 10 : i64, tpu.core_type = #tpu.core_type<sc_vector_subcore>, window_params = [{transform_indices = #map}, {transform_indices = #map}, {transform_indices = #map1}, {transform_indices = #map1}, {transform_indices = #map1}]} {
    %mul3A = arith.constant 20000 : i32
    %mul3A_0 = arith.muli %arg1, %mul3A : i32
    %mul3A_1 = arith.constant 5120 : i32
    %mul3A_2 = arith.muli %arg0, %mul3A_1 : i32
    %broadcast_in_dim3A = arith.constant 0.000000e+00 : f32
    %broadcast_in_dim3A_3 = vector.broadcast %broadcast_in_dim3A : f32 to vector<16xf32>
    %scan3A = arith.constant 0 : i32
    %scan3A_4 = arith.constant 80 : i32
    %scan3A_5 = arith.addi %scan3A, %scan3A_4 : i32
    %scan3A_6 = arith.constant 1 : i32
    scf.for %scan3A_35 = %scan3A to %scan3A_5 step %scan3A_6  : i32 {
      %swap3A = arith.index_cast %scan3A_35 : i32 to index
      %swap3A_36 = arith.constant 0 : index
      %swap3A_37 = tpu.vector_load %arg12[%swap3A, %swap3A_36] {strides = array<i32>} : memref<80x128xf32, #tpu.memory_space<vmem>>, vector<1x16xf32>,
      %swap3A_38 = vector.shape_cast %swap3A_37 : vector<1x16xf32> to vector<16xf32>
      %swap3A_39 = vector.shape_cast %broadcast_in_dim3A_3 : vector<16xf32> to vector<1x16xf32>
      tpu.vector_store %arg12[%swap3A, %swap3A_36], %swap3A_39 {strides = array<i32>} : memref<80x128xf32, #tpu.memory_space<vmem>>, vector<1x16xf32>,
      %swap3A_40 = arith.index_cast %scan3A_35 : i32 to index
      %swap3A_41 = arith.constant 16 : index
      %swap3A_42 = tpu.vector_load %arg12[%swap3A_40, %swap3A_41] {strides = array<i32>} : memref<80x128xf32, #tpu.memory_space<vmem>>, vector<1x16xf32>,
      %swap3A_43 = vector.shape_cast %swap3A_42 : vector<1x16xf32> to vector<16xf32>
      %swap3A_44 = vector.shape_cast %broadcast_in_dim3A_3 : vector<16xf32> to vector<1x16xf32>
      tpu.vector_store %arg12[%swap3A_40, %swap3A_41], %swap3A_44 {strides = array<i32>} : memref<80x128xf32, #tpu.memory_space<vmem>>, vector<1x16xf32>,
      %swap3A_45 = arith.index_cast %scan3A_35 : i32 to index
      %swap3A_46 = arith.constant 32 : index
      %swap3A_47 = tpu.vector_load %arg12[%swap3A_45, %swap3A_46] {strides = array<i32>} : memref<80x128xf32, #tpu.memory_space<vmem>>, vector<1x16xf32>,
      %swap3A_48 = vector.shape_cast %swap3A_47 : vector<1x16xf32> to vector<16xf32>
      %swap3A_49 = vector.shape_cast %broadcast_in_dim3A_3 : vector<16xf32> to vector<1x16xf32>
      tpu.vector_store %arg12[%swap3A_45, %swap3A_46], %swap3A_49 {strides = array<i32>} : memref<80x128xf32, #tpu.memory_space<vmem>>, vector<1x16xf32>,
      %swap3A_50 = arith.index_cast %scan3A_35 : i32 to index
      %swap3A_51 = arith.constant 48 : index
      %swap3A_52 = tpu.vector_load %arg12[%swap3A_50, %swap3A_51] {strides = array<i32>} : memref<80x128xf32, #tpu.memory_space<vmem>>, vector<1x16xf32>,
      %swap3A_53 = vector.shape_cast %swap3A_52 : vector<1x16xf32> to vector<16xf32>
      %swap3A_54 = vector.shape_cast %broadcast_in_dim3A_3 : vector<16xf32> to vector<1x16xf32>
      tpu.vector_store %arg12[%swap3A_50, %swap3A_51], %swap3A_54 {strides = array<i32>} : memref<80x128xf32, #tpu.memory_space<vmem>>, vector<1x16xf32>,
      %swap3A_55 = arith.index_cast %scan3A_35 : i32 to index
      %swap3A_56 = arith.constant 64 : index
      %swap3A_57 = tpu.vector_load %arg12[%swap3A_55, %swap3A_56] {strides = array<i32>} : memref<80x128xf32, #tpu.memory_space<vmem>>, vector<1x16xf32>,
      %swap3A_58 = vector.shape_cast %swap3A_57 : vector<1x16xf32> to vector<16xf32>
      %swap3A_59 = vector.shape_cast %broadcast_in_dim3A_3 : vector<16xf32> to vector<1x16xf32>
      tpu.vector_store %arg12[%swap3A_55, %swap3A_56], %swap3A_59 {strides = array<i32>} : memref<80x128xf32, #tpu.memory_space<vmem>>, vector<1x16xf32>,
      %swap3A_60 = arith.index_cast %scan3A_35 : i32 to index
      %swap3A_61 = arith.constant 80 : index
      %swap3A_62 = tpu.vector_load %arg12[%swap3A_60, %swap3A_61] {strides = array<i32>} : memref<80x128xf32, #tpu.memory_space<vmem>>, vector<1x16xf32>,
      %swap3A_63 = vector.shape_cast %swap3A_62 : vector<1x16xf32> to vector<16xf32>
      %swap3A_64 = vector.shape_cast %broadcast_in_dim3A_3 : vector<16xf32> to vector<1x16xf32>
      tpu.vector_store %arg12[%swap3A_60, %swap3A_61], %swap3A_64 {strides = array<i32>} : memref<80x128xf32, #tpu.memory_space<vmem>>, vector<1x16xf32>,
      %swap3A_65 = arith.index_cast %scan3A_35 : i32 to index
      %swap3A_66 = arith.constant 96 : index
      %swap3A_67 = tpu.vector_load %arg12[%swap3A_65, %swap3A_66] {strides = array<i32>} : memref<80x128xf32, #tpu.memory_space<vmem>>, vector<1x16xf32>,
      %swap3A_68 = vector.shape_cast %swap3A_67 : vector<1x16xf32> to vector<16xf32>
      %swap3A_69 = vector.shape_cast %broadcast_in_dim3A_3 : vector<16xf32> to vector<1x16xf32>
      tpu.vector_store %arg12[%swap3A_65, %swap3A_66], %swap3A_69 {strides = array<i32>} : memref<80x128xf32, #tpu.memory_space<vmem>>, vector<1x16xf32>,
      %swap3A_70 = arith.index_cast %scan3A_35 : i32 to index
      %swap3A_71 = arith.constant 112 : index
      %swap3A_72 = tpu.vector_load %arg12[%swap3A_70, %swap3A_71] {strides = array<i32>} : memref<80x128xf32, #tpu.memory_space<vmem>>, vector<1x16xf32>,
      %swap3A_73 = vector.shape_cast %swap3A_72 : vector<1x16xf32> to vector<16xf32>
      %swap3A_74 = vector.shape_cast %broadcast_in_dim3A_3 : vector<16xf32> to vector<1x16xf32>
      tpu.vector_store %arg12[%swap3A_70, %swap3A_71], %swap3A_74 {strides = array<i32>} : memref<80x128xf32, #tpu.memory_space<vmem>>, vector<1x16xf32>,
    }
    %scan3A_7 = arith.constant 80 : i32
    %mul3A_8 = arith.constant 328 : i32
    %mul3A_9 = arith.muli %arg1, %mul3A_8 : i32
    %multiple_of3A = tpu.assume_multiple %mul3A_9, 8 : i32
    %add3A = arith.constant 0 : i32
    %add3A_10 = arith.addi %multiple_of3A, %add3A : i32
    "tpu.region"() ({
      %run_scoped3A = tpu.sem_alloc : memref<!tpu.dma_semaphore, #tpu.memory_space<semaphore_mem>>
      %dma_start3A = arith.constant 0 : i32
      %dma_start3A_35 = tpu.memref_slice %arg13[%add3A_10, %dma_start3A] : memref<5248x128xf32, #tpu.memory_space<vmem_shared>> -> memref<80x128xf32, #tpu.memory_space<vmem_shared>>
      %dma_start3A_36 = arith.constant 0 : i32
      %dma_start3A_37 = tpu.memref_slice %arg13[%add3A_10, %dma_start3A_36] : memref<5248x128xf32, #tpu.memory_space<vmem_shared>> -> memref<80x128xf32, #tpu.memory_space<vmem_shared>>
      tpu.enqueue_dma source(%arg12 : memref<80x128xf32, #tpu.memory_space<vmem>>) target(%dma_start3A_37 : memref<80x128xf32, #tpu.memory_space<vmem_shared>>) target_semaphore(%run_scoped3A : memref<!tpu.dma_semaphore, #tpu.memory_space<semaphore_mem>>)
      %dma_wait3A = arith.constant 0 : i32
      %dma_wait3A_38 = tpu.memref_slice %arg13[%add3A_10, %dma_wait3A] : memref<5248x128xf32, #tpu.memory_space<vmem_shared>> -> memref<80x128xf32, #tpu.memory_space<vmem_shared>>
      %dma_wait3A_39 = arith.constant 0 : i32
      %dma_wait3A_40 = tpu.memref_slice %arg13[%add3A_10, %dma_wait3A_39] : memref<5248x128xf32, #tpu.memory_space<vmem_shared>> -> memref<80x128xf32, #tpu.memory_space<vmem_shared>>
      tpu.wait_dma2 semaphore(%run_scoped3A : memref<!tpu.dma_semaphore, #tpu.memory_space<semaphore_mem>>) src(%arg12 : memref<80x128xf32, #tpu.memory_space<vmem>>) dst(%dma_wait3A_40 : memref<80x128xf32, #tpu.memory_space<vmem_shared>>)
      tpu.yield
    }) : () -> ()
    %add3A_11 = arith.constant 80 : i32
    %add3A_12 = arith.addi %multiple_of3A, %add3A_11 : i32
    "tpu.region"() ({
      %run_scoped3A = tpu.sem_alloc : memref<!tpu.dma_semaphore, #tpu.memory_space<semaphore_mem>>
      %dma_start3A = arith.constant 0 : i32
      %dma_start3A_35 = tpu.memref_slice %arg13[%add3A_12, %dma_start3A] : memref<5248x128xf32, #tpu.memory_space<vmem_shared>> -> memref<80x128xf32, #tpu.memory_space<vmem_shared>>
      %dma_start3A_36 = arith.constant 0 : i32
      %dma_start3A_37 = tpu.memref_slice %arg13[%add3A_12, %dma_start3A_36] : memref<5248x128xf32, #tpu.memory_space<vmem_shared>> -> memref<80x128xf32, #tpu.memory_space<vmem_shared>>
      tpu.enqueue_dma source(%arg12 : memref<80x128xf32, #tpu.memory_space<vmem>>) target(%dma_start3A_37 : memref<80x128xf32, #tpu.memory_space<vmem_shared>>) target_semaphore(%run_scoped3A : memref<!tpu.dma_semaphore, #tpu.memory_space<semaphore_mem>>)
      %dma_wait3A = arith.constant 0 : i32
      %dma_wait3A_38 = tpu.memref_slice %arg13[%add3A_12, %dma_wait3A] : memref<5248x128xf32, #tpu.memory_space<vmem_shared>> -> memref<80x128xf32, #tpu.memory_space<vmem_shared>>
      %dma_wait3A_39 = arith.constant 0 : i32
      %dma_wait3A_40 = tpu.memref_slice %arg13[%add3A_12, %dma_wait3A_39] : memref<5248x128xf32, #tpu.memory_space<vmem_shared>> -> memref<80x128xf32, #tpu.memory_space<vmem_shared>>
      tpu.wait_dma2 semaphore(%run_scoped3A : memref<!tpu.dma_semaphore, #tpu.memory_space<semaphore_mem>>) src(%arg12 : memref<80x128xf32, #tpu.memory_space<vmem>>) dst(%dma_wait3A_40 : memref<80x128xf32, #tpu.memory_space<vmem_shared>>)
      tpu.yield
    }) : () -> ()
    %add3A_13 = arith.constant 160 : i32
    %add3A_14 = arith.addi %multiple_of3A, %add3A_13 : i32
    "tpu.region"() ({
      %run_scoped3A = tpu.sem_alloc : memref<!tpu.dma_semaphore, #tpu.memory_space<semaphore_mem>>
      %dma_start3A = arith.constant 0 : i32
      %dma_start3A_35 = tpu.memref_slice %arg13[%add3A_14, %dma_start3A] : memref<5248x128xf32, #tpu.memory_space<vmem_shared>> -> memref<80x128xf32, #tpu.memory_space<vmem_shared>>
      %dma_start3A_36 = arith.constant 0 : i32
      %dma_start3A_37 = tpu.memref_slice %arg13[%add3A_14, %dma_start3A_36] : memref<5248x128xf32, #tpu.memory_space<vmem_shared>> -> memref<80x128xf32, #tpu.memory_space<vmem_shared>>
      tpu.enqueue_dma source(%arg12 : memref<80x128xf32, #tpu.memory_space<vmem>>) target(%dma_start3A_37 : memref<80x128xf32, #tpu.memory_space<vmem_shared>>) target_semaphore(%run_scoped3A : memref<!tpu.dma_semaphore, #tpu.memory_space<semaphore_mem>>)
      %dma_wait3A = arith.constant 0 : i32
      %dma_wait3A_38 = tpu.memref_slice %arg13[%add3A_14, %dma_wait3A] : memref<5248x128xf32, #tpu.memory_space<vmem_shared>> -> memref<80x128xf32, #tpu.memory_space<vmem_shared>>
      %dma_wait3A_39 = arith.constant 0 : i32
      %dma_wait3A_40 = tpu.memref_slice %arg13[%add3A_14, %dma_wait3A_39] : memref<5248x128xf32, #tpu.memory_space<vmem_shared>> -> memref<80x128xf32, #tpu.memory_space<vmem_shared>>
      tpu.wait_dma2 semaphore(%run_scoped3A : memref<!tpu.dma_semaphore, #tpu.memory_space<semaphore_mem>>) src(%arg12 : memref<80x128xf32, #tpu.memory_space<vmem>>) dst(%dma_wait3A_40 : memref<80x128xf32, #tpu.memory_space<vmem_shared>>)
      tpu.yield
    }) : () -> ()
    %add3A_15 = arith.constant 240 : i32
    %add3A_16 = arith.addi %multiple_of3A, %add3A_15 : i32
    "tpu.region"() ({
      %run_scoped3A = tpu.sem_alloc : memref<!tpu.dma_semaphore, #tpu.memory_space<semaphore_mem>>
      %dma_start3A = arith.constant 0 : i32
      %dma_start3A_35 = tpu.memref_slice %arg13[%add3A_16, %dma_start3A] : memref<5248x128xf32, #tpu.memory_space<vmem_shared>> -> memref<80x128xf32, #tpu.memory_space<vmem_shared>>
      %dma_start3A_36 = arith.constant 0 : i32
      %dma_start3A_37 = tpu.memref_slice %arg13[%add3A_16, %dma_start3A_36] : memref<5248x128xf32, #tpu.memory_space<vmem_shared>> -> memref<80x128xf32, #tpu.memory_space<vmem_shared>>
      tpu.enqueue_dma source(%arg12 : memref<80x128xf32, #tpu.memory_space<vmem>>) target(%dma_start3A_37 : memref<80x128xf32, #tpu.memory_space<vmem_shared>>) target_semaphore(%run_scoped3A : memref<!tpu.dma_semaphore, #tpu.memory_space<semaphore_mem>>)
      %dma_wait3A = arith.constant 0 : i32
      %dma_wait3A_38 = tpu.memref_slice %arg13[%add3A_16, %dma_wait3A] : memref<5248x128xf32, #tpu.memory_space<vmem_shared>> -> memref<80x128xf32, #tpu.memory_space<vmem_shared>>
      %dma_wait3A_39 = arith.constant 0 : i32
      %dma_wait3A_40 = tpu.memref_slice %arg13[%add3A_16, %dma_wait3A_39] : memref<5248x128xf32, #tpu.memory_space<vmem_shared>> -> memref<80x128xf32, #tpu.memory_space<vmem_shared>>
      tpu.wait_dma2 semaphore(%run_scoped3A : memref<!tpu.dma_semaphore, #tpu.memory_space<semaphore_mem>>) src(%arg12 : memref<80x128xf32, #tpu.memory_space<vmem>>) dst(%dma_wait3A_40 : memref<80x128xf32, #tpu.memory_space<vmem_shared>>)
      tpu.yield
    }) : () -> ()
    %add3A_17 = arith.constant 328 : i32
    %add3A_18 = arith.addi %multiple_of3A, %add3A_17 : i32
    %sub3A = arith.constant 8 : i32
    %sub3A_19 = arith.subi %add3A_18, %sub3A : i32
    "tpu.region"() ({
      %run_scoped3A = tpu.sem_alloc : memref<!tpu.dma_semaphore, #tpu.memory_space<semaphore_mem>>
      %dma_start3A = arith.constant 0 : i32
      %dma_start3A_35 = arith.constant 0 : i32
      %dma_start3A_36 = tpu.memref_slice %arg12[%dma_start3A, %dma_start3A_35] : memref<80x128xf32, #tpu.memory_space<vmem>> -> memref<8x128xf32, #tpu.memory_space<vmem>>
      %dma_start3A_37 = arith.constant 0 : i32
      %dma_start3A_38 = tpu.memref_slice %arg13[%sub3A_19, %dma_start3A_37] : memref<5248x128xf32, #tpu.memory_space<vmem_shared>> -> memref<8x128xf32, #tpu.memory_space<vmem_shared>>
      %dma_start3A_39 = arith.constant 0 : i32
      %dma_start3A_40 = tpu.memref_slice %arg13[%sub3A_19, %dma_start3A_39] : memref<5248x128xf32, #tpu.memory_space<vmem_shared>> -> memref<8x128xf32, #tpu.memory_space<vmem_shared>>
      %dma_start3A_41 = arith.constant 0 : i32
      %dma_start3A_42 = arith.constant 0 : i32
      %dma_start3A_43 = tpu.memref_slice %arg12[%dma_start3A_41, %dma_start3A_42] : memref<80x128xf32, #tpu.memory_space<vmem>> -> memref<8x128xf32, #tpu.memory_space<vmem>>
      tpu.enqueue_dma source(%dma_start3A_43 : memref<8x128xf32, #tpu.memory_space<vmem>>) target(%dma_start3A_40 : memref<8x128xf32, #tpu.memory_space<vmem_shared>>) target_semaphore(%run_scoped3A : memref<!tpu.dma_semaphore, #tpu.memory_space<semaphore_mem>>)
      %dma_wait3A = arith.constant 0 : i32
      %dma_wait3A_44 = arith.constant 0 : i32
      %dma_wait3A_45 = tpu.memref_slice %arg12[%dma_wait3A, %dma_wait3A_44] : memref<80x128xf32, #tpu.memory_space<vmem>> -> memref<8x128xf32, #tpu.memory_space<vmem>>
      %dma_wait3A_46 = arith.constant 0 : i32
      %dma_wait3A_47 = tpu.memref_slice %arg13[%sub3A_19, %dma_wait3A_46] : memref<5248x128xf32, #tpu.memory_space<vmem_shared>> -> memref<8x128xf32, #tpu.memory_space<vmem_shared>>
      %dma_wait3A_48 = arith.constant 0 : i32
      %dma_wait3A_49 = tpu.memref_slice %arg13[%sub3A_19, %dma_wait3A_48] : memref<5248x128xf32, #tpu.memory_space<vmem_shared>> -> memref<8x128xf32, #tpu.memory_space<vmem_shared>>
      %dma_wait3A_50 = arith.constant 0 : i32
      %dma_wait3A_51 = arith.constant 0 : i32
      %dma_wait3A_52 = tpu.memref_slice %arg12[%dma_wait3A_50, %dma_wait3A_51] : memref<80x128xf32, #tpu.memory_space<vmem>> -> memref<8x128xf32, #tpu.memory_space<vmem>>
      tpu.wait_dma2 semaphore(%run_scoped3A : memref<!tpu.dma_semaphore, #tpu.memory_space<semaphore_mem>>) src(%dma_wait3A_52 : memref<8x128xf32, #tpu.memory_space<vmem>>) dst(%dma_wait3A_49 : memref<8x128xf32, #tpu.memory_space<vmem_shared>>)
      tpu.yield
    }) : () -> ()
    %barrier3A = arith.constant 0 : index
    tpu.barrier barrier_id(%barrier3A)
    %scan3A_20 = arith.constant 0 : i32
    %scan3A_21 = arith.constant 250 : i32
    %scan3A_22 = arith.addi %scan3A_20, %scan3A_21 : i32
    %scan3A_23 = arith.constant 1 : i32
    scf.for %scan3A_35 = %scan3A_20 to %scan3A_22 step %scan3A_23  : i32 {
      %mul3A_36 = arith.constant 80 : i32
      %mul3A_37 = arith.muli %scan3A_35, %mul3A_36 : i32
      %add3A_38 = arith.addi %mul3A_0, %mul3A_37 : i32
      %multiple_of3A_39 = tpu.assume_multiple %add3A_38, 8 : i32
      %jit3A = arith.constant 25 : i32
      %eq3A = arith.constant 0 : i32
      %eq3A_40 = arith.cmpi eq, %jit3A, %eq3A : i32
      %jit3A_41 = arith.constant 1 : i32
      %select_n3A = arith.select %eq3A_40, %jit3A_41, %jit3A : i32
      %rem3A = arith.remsi %scan3A_35, %select_n3A : i32
      %ne3A = arith.constant 0 : i32
      %ne3A_42 = arith.cmpi ne, %rem3A, %ne3A : i32
      %lt3A = arith.constant 0 : i32
      %lt3A_43 = arith.cmpi slt, %rem3A, %lt3A : i32
      %lt3A_44 = arith.constant 0 : i32
      %lt3A_45 = arith.cmpi slt, %select_n3A, %lt3A_44 : i32
      %ne3A_46 = arith.xori %lt3A_43, %lt3A_45 : i1
      %and3A = arith.andi %ne3A_46, %ne3A_42 : i1
      %add3A_47 = arith.addi %rem3A, %select_n3A : i32
      %select_n3A_48 = arith.select %and3A, %add3A_47, %rem3A : i32
      %eq3A_49 = arith.constant 0 : i32
      %eq3A_50 = arith.cmpi eq, %select_n3A_48, %eq3A_49 : i32
      %convert_element_type3A = arith.extui %eq3A_50 : i1 to i32
      %cond3A = arith.constant 0 : i32
      %cond3A_51 = arith.cmpi ne, %convert_element_type3A, %cond3A : i32
      scf.if %cond3A_51 {
        %dma_start3A_192 = tpu.memref_slice %arg2[%multiple_of3A_39] : memref<320000xi32, #tpu.memory_space<hbm>> -> memref<2000xi32, #tpu.memory_space<hbm>>
        %dma_start3A_193 = tpu.memref_slice %arg2[%multiple_of3A_39] : memref<320000xi32, #tpu.memory_space<hbm>> -> memref<2000xi32, #tpu.memory_space<hbm>>
        tpu.enqueue_dma source(%dma_start3A_193 : memref<2000xi32, #tpu.memory_space<hbm>>) target(%arg7 : memref<2000xi32, #tpu.memory_space<vmem>>) target_semaphore(%arg15 : memref<!tpu.dma_semaphore, #tpu.memory_space<semaphore_mem>>)
        %dma_start3A_194 = tpu.memref_slice %arg3[%multiple_of3A_39] : memref<320000xi32, #tpu.memory_space<hbm>> -> memref<2000xi32, #tpu.memory_space<hbm>>
        %dma_start3A_195 = tpu.memref_slice %arg3[%multiple_of3A_39] : memref<320000xi32, #tpu.memory_space<hbm>> -> memref<2000xi32, #tpu.memory_space<hbm>>
        tpu.enqueue_dma source(%dma_start3A_195 : memref<2000xi32, #tpu.memory_space<hbm>>) target(%arg8 : memref<2000xi32, #tpu.memory_space<vmem>>) target_semaphore(%arg15 : memref<!tpu.dma_semaphore, #tpu.memory_space<semaphore_mem>>)
        %dma_wait3A_196 = tpu.memref_slice %arg2[%multiple_of3A_39] : memref<320000xi32, #tpu.memory_space<hbm>> -> memref<2000xi32, #tpu.memory_space<hbm>>
        %dma_wait3A_197 = tpu.memref_slice %arg2[%multiple_of3A_39] : memref<320000xi32, #tpu.memory_space<hbm>> -> memref<2000xi32, #tpu.memory_space<hbm>>
        tpu.wait_dma2 semaphore(%arg15 : memref<!tpu.dma_semaphore, #tpu.memory_space<semaphore_mem>>) src(%dma_wait3A_197 : memref<2000xi32, #tpu.memory_space<hbm>>) dst(%arg7 : memref<2000xi32, #tpu.memory_space<vmem>>)
        %dma_wait3A_198 = tpu.memref_slice %arg3[%multiple_of3A_39] : memref<320000xi32, #tpu.memory_space<hbm>> -> memref<2000xi32, #tpu.memory_space<hbm>>
        %dma_wait3A_199 = tpu.memref_slice %arg3[%multiple_of3A_39] : memref<320000xi32, #tpu.memory_space<hbm>> -> memref<2000xi32, #tpu.memory_space<hbm>>
        tpu.wait_dma2 semaphore(%arg15 : memref<!tpu.dma_semaphore, #tpu.memory_space<semaphore_mem>>) src(%dma_wait3A_199 : memref<2000xi32, #tpu.memory_space<hbm>>) dst(%arg8 : memref<2000xi32, #tpu.memory_space<vmem>>)
      } else {
      }
      %jit3A_52 = arith.constant 25 : i32
      %eq3A_53 = arith.constant 0 : i32
      %eq3A_54 = arith.cmpi eq, %jit3A_52, %eq3A_53 : i32
      %jit3A_55 = arith.constant 1 : i32
      %select_n3A_56 = arith.select %eq3A_54, %jit3A_55, %jit3A_52 : i32
      %rem3A_57 = arith.remsi %scan3A_35, %select_n3A_56 : i32
      %ne3A_58 = arith.constant 0 : i32
      %ne3A_59 = arith.cmpi ne, %rem3A_57, %ne3A_58 : i32
      %lt3A_60 = arith.constant 0 : i32
      %lt3A_61 = arith.cmpi slt, %rem3A_57, %lt3A_60 : i32
      %lt3A_62 = arith.constant 0 : i32
      %lt3A_63 = arith.cmpi slt, %select_n3A_56, %lt3A_62 : i32
      %ne3A_64 = arith.xori %lt3A_61, %lt3A_63 : i1
      %and3A_65 = arith.andi %ne3A_64, %ne3A_59 : i1
      %add3A_66 = arith.addi %rem3A_57, %select_n3A_56 : i32
      %select_n3A_67 = arith.select %and3A_65, %add3A_66, %rem3A_57 : i32
      %mul3A_68 = arith.constant 80 : i32
      %mul3A_69 = arith.muli %select_n3A_67, %mul3A_68 : i32
      %multiple_of3A_70 = tpu.assume_multiple %mul3A_69, 8 : i32
      %dma_start3A = tpu.memref_slice %arg7[%multiple_of3A_70] : memref<2000xi32, #tpu.memory_space<vmem>> -> memref<80xi32, #tpu.memory_space<vmem>>
      %dma_start3A_71 = arith.constant 0 : i32
      %dma_start3A_72 = arith.constant 0 : i32
      %dma_start3A_73 = tpu.memref_slice %arg4[%dma_start3A_71, %dma_start3A_72] : memref<10000x128xf32, #tpu.memory_space<hbm>> -> memref<10000x128xf32, #tpu.memory_space<hbm>>
      tpu.enqueue_indirect_dma source(%dma_start3A_73 : memref<10000x128xf32, #tpu.memory_space<hbm>>) target(%arg10 : memref<80x128xf32, #tpu.memory_space<vmem>>) offsets(%dma_start3A : memref<80xi32, #tpu.memory_space<vmem>>) semaphore(%arg14 : memref<!tpu.dma_semaphore, #tpu.memory_space<semaphore_mem>>)
      %dma_start3A_74 = arith.constant 0 : i32
      %dma_start3A_75 = tpu.memref_slice %arg5[%multiple_of3A_39, %dma_start3A_74] : memref<320000x16xf32, #tpu.memory_space<hbm>> -> memref<80x16xf32, #tpu.memory_space<hbm>>
      %dma_start3A_76 = arith.constant 0 : i32
      %dma_start3A_77 = tpu.memref_slice %arg5[%multiple_of3A_39, %dma_start3A_76] : memref<320000x16xf32, #tpu.memory_space<hbm>> -> memref<80x16xf32, #tpu.memory_space<hbm>>
      tpu.enqueue_dma source(%dma_start3A_77 : memref<80x16xf32, #tpu.memory_space<hbm>>) target(%arg11 : memref<80x16xf32, #tpu.memory_space<vmem>>) target_semaphore(%arg14 : memref<!tpu.dma_semaphore, #tpu.memory_space<semaphore_mem>>)
      %add3A_78 = arith.constant 0 : i32
      %add3A_79 = arith.addi %multiple_of3A_70, %add3A_78 : i32
      %get3A = arith.index_cast %add3A_79 : i32 to index
      %get3A_80 = tpu.vector_load %arg8[%get3A] {strides = array<i32>} : memref<2000xi32, #tpu.memory_space<vmem>>, vector<16xi32>,
      %get3A_81 = vector.shape_cast %get3A_80 : vector<16xi32> to vector<16xi32>
      %sub3A_82 = vector.broadcast %mul3A_2 : i32 to vector<16xi32>
      %sub3A_83 = arith.subi %get3A_81, %sub3A_82 : vector<16xi32>
      %ge3A = arith.constant 0 : i32
      %ge3A_84 = vector.broadcast %ge3A : i32 to vector<16xi32>
      %ge3A_85 = arith.cmpi sge, %sub3A_83, %ge3A_84 : vector<16xi32>
      %lt3A_86 = arith.constant 5120 : i32
      %lt3A_87 = vector.broadcast %lt3A_86 : i32 to vector<16xi32>
      %lt3A_88 = arith.cmpi slt, %sub3A_83, %lt3A_87 : vector<16xi32>
      %and3A_89 = arith.andi %ge3A_85, %lt3A_88 : vector<16xi1>
      %jit3A_90 = arith.constant 5120 : i32
      %broadcast_in_dim3A_91 = vector.broadcast %jit3A_90 : i32 to vector<16xi32>
      %select_n3A_92 = arith.select %and3A_89, %sub3A_83, %broadcast_in_dim3A_91 : vector<16xi1>, vector<16xi32>
      %swap3A = arith.constant 0 : index
      %swap3A_93 = tpu.vector_load %arg9[%swap3A] {strides = array<i32>} : memref<80xi32, #tpu.memory_space<vmem>>, vector<16xi32>,
      %swap3A_94 = vector.shape_cast %swap3A_93 : vector<16xi32> to vector<16xi32>
      %swap3A_95 = vector.shape_cast %select_n3A_92 : vector<16xi32> to vector<16xi32>
      tpu.vector_store %arg9[%swap3A], %swap3A_95 {strides = array<i32>} : memref<80xi32, #tpu.memory_space<vmem>>, vector<16xi32>,
      %add3A_96 = arith.constant 16 : i32
      %add3A_97 = arith.addi %multiple_of3A_70, %add3A_96 : i32
      %get3A_98 = arith.index_cast %add3A_97 : i32 to index
      %get3A_99 = tpu.vector_load %arg8[%get3A_98] {strides = array<i32>} : memref<2000xi32, #tpu.memory_space<vmem>>, vector<16xi32>,
      %get3A_100 = vector.shape_cast %get3A_99 : vector<16xi32> to vector<16xi32>
      %sub3A_101 = vector.broadcast %mul3A_2 : i32 to vector<16xi32>
      %sub3A_102 = arith.subi %get3A_100, %sub3A_101 : vector<16xi32>
      %ge3A_103 = arith.constant 0 : i32
      %ge3A_104 = vector.broadcast %ge3A_103 : i32 to vector<16xi32>
      %ge3A_105 = arith.cmpi sge, %sub3A_102, %ge3A_104 : vector<16xi32>
      %lt3A_106 = arith.constant 5120 : i32
      %lt3A_107 = vector.broadcast %lt3A_106 : i32 to vector<16xi32>
      %lt3A_108 = arith.cmpi slt, %sub3A_102, %lt3A_107 : vector<16xi32>
      %and3A_109 = arith.andi %ge3A_105, %lt3A_108 : vector<16xi1>
      %jit3A_110 = arith.constant 5120 : i32
      %broadcast_in_dim3A_111 = vector.broadcast %jit3A_110 : i32 to vector<16xi32>
      %select_n3A_112 = arith.select %and3A_109, %sub3A_102, %broadcast_in_dim3A_111 : vector<16xi1>, vector<16xi32>
      %swap3A_113 = arith.constant 16 : index
      %swap3A_114 = tpu.vector_load %arg9[%swap3A_113] {strides = array<i32>} : memref<80xi32, #tpu.memory_space<vmem>>, vector<16xi32>,
      %swap3A_115 = vector.shape_cast %swap3A_114 : vector<16xi32> to vector<16xi32>
      %swap3A_116 = vector.shape_cast %select_n3A_112 : vector<16xi32> to vector<16xi32>
      tpu.vector_store %arg9[%swap3A_113], %swap3A_116 {strides = array<i32>} : memref<80xi32, #tpu.memory_space<vmem>>, vector<16xi32>,
      %add3A_117 = arith.constant 32 : i32
      %add3A_118 = arith.addi %multiple_of3A_70, %add3A_117 : i32
      %get3A_119 = arith.index_cast %add3A_118 : i32 to index
      %get3A_120 = tpu.vector_load %arg8[%get3A_119] {strides = array<i32>} : memref<2000xi32, #tpu.memory_space<vmem>>, vector<16xi32>,
      %get3A_121 = vector.shape_cast %get3A_120 : vector<16xi32> to vector<16xi32>
      %sub3A_122 = vector.broadcast %mul3A_2 : i32 to vector<16xi32>
      %sub3A_123 = arith.subi %get3A_121, %sub3A_122 : vector<16xi32>
      %ge3A_124 = arith.constant 0 : i32
      %ge3A_125 = vector.broadcast %ge3A_124 : i32 to vector<16xi32>
      %ge3A_126 = arith.cmpi sge, %sub3A_123, %ge3A_125 : vector<16xi32>
      %lt3A_127 = arith.constant 5120 : i32
      %lt3A_128 = vector.broadcast %lt3A_127 : i32 to vector<16xi32>
      %lt3A_129 = arith.cmpi slt, %sub3A_123, %lt3A_128 : vector<16xi32>
      %and3A_130 = arith.andi %ge3A_126, %lt3A_129 : vector<16xi1>
      %jit3A_131 = arith.constant 5120 : i32
      %broadcast_in_dim3A_132 = vector.broadcast %jit3A_131 : i32 to vector<16xi32>
      %select_n3A_133 = arith.select %and3A_130, %sub3A_123, %broadcast_in_dim3A_132 : vector<16xi1>, vector<16xi32>
      %swap3A_134 = arith.constant 32 : index
      %swap3A_135 = tpu.vector_load %arg9[%swap3A_134] {strides = array<i32>} : memref<80xi32, #tpu.memory_space<vmem>>, vector<16xi32>,
      %swap3A_136 = vector.shape_cast %swap3A_135 : vector<16xi32> to vector<16xi32>
      %swap3A_137 = vector.shape_cast %select_n3A_133 : vector<16xi32> to vector<16xi32>
      tpu.vector_store %arg9[%swap3A_134], %swap3A_137 {strides = array<i32>} : memref<80xi32, #tpu.memory_space<vmem>>, vector<16xi32>,
      %add3A_138 = arith.constant 48 : i32
      %add3A_139 = arith.addi %multiple_of3A_70, %add3A_138 : i32
      %get3A_140 = arith.index_cast %add3A_139 : i32 to index
      %get3A_141 = tpu.vector_load %arg8[%get3A_140] {strides = array<i32>} : memref<2000xi32, #tpu.memory_space<vmem>>, vector<16xi32>,
      %get3A_142 = vector.shape_cast %get3A_141 : vector<16xi32> to vector<16xi32>
      %sub3A_143 = vector.broadcast %mul3A_2 : i32 to vector<16xi32>
      %sub3A_144 = arith.subi %get3A_142, %sub3A_143 : vector<16xi32>
      %ge3A_145 = arith.constant 0 : i32
      %ge3A_146 = vector.broadcast %ge3A_145 : i32 to vector<16xi32>
      %ge3A_147 = arith.cmpi sge, %sub3A_144, %ge3A_146 : vector<16xi32>
      %lt3A_148 = arith.constant 5120 : i32
      %lt3A_149 = vector.broadcast %lt3A_148 : i32 to vector<16xi32>
      %lt3A_150 = arith.cmpi slt, %sub3A_144, %lt3A_149 : vector<16xi32>
      %and3A_151 = arith.andi %ge3A_147, %lt3A_150 : vector<16xi1>
      %jit3A_152 = arith.constant 5120 : i32
      %broadcast_in_dim3A_153 = vector.broadcast %jit3A_152 : i32 to vector<16xi32>
      %select_n3A_154 = arith.select %and3A_151, %sub3A_144, %broadcast_in_dim3A_153 : vector<16xi1>, vector<16xi32>
      %swap3A_155 = arith.constant 48 : index
      %swap3A_156 = tpu.vector_load %arg9[%swap3A_155] {strides = array<i32>} : memref<80xi32, #tpu.memory_space<vmem>>, vector<16xi32>,
      %swap3A_157 = vector.shape_cast %swap3A_156 : vector<16xi32> to vector<16xi32>
      %swap3A_158 = vector.shape_cast %select_n3A_154 : vector<16xi32> to vector<16xi32>
      tpu.vector_store %arg9[%swap3A_155], %swap3A_158 {strides = array<i32>} : memref<80xi32, #tpu.memory_space<vmem>>, vector<16xi32>,
      %add3A_159 = arith.constant 64 : i32
      %add3A_160 = arith.addi %multiple_of3A_70, %add3A_159 : i32
      %get3A_161 = arith.index_cast %add3A_160 : i32 to index
      %get3A_162 = tpu.vector_load %arg8[%get3A_161] {strides = array<i32>} : memref<2000xi32, #tpu.memory_space<vmem>>, vector<16xi32>,
      %get3A_163 = vector.shape_cast %get3A_162 : vector<16xi32> to vector<16xi32>
      %sub3A_164 = vector.broadcast %mul3A_2 : i32 to vector<16xi32>
      %sub3A_165 = arith.subi %get3A_163, %sub3A_164 : vector<16xi32>
      %ge3A_166 = arith.constant 0 : i32
      %ge3A_167 = vector.broadcast %ge3A_166 : i32 to vector<16xi32>
      %ge3A_168 = arith.cmpi sge, %sub3A_165, %ge3A_167 : vector<16xi32>
      %lt3A_169 = arith.constant 5120 : i32
      %lt3A_170 = vector.broadcast %lt3A_169 : i32 to vector<16xi32>
      %lt3A_171 = arith.cmpi slt, %sub3A_165, %lt3A_170 : vector<16xi32>
      %and3A_172 = arith.andi %ge3A_168, %lt3A_171 : vector<16xi1>
      %jit3A_173 = arith.constant 5120 : i32
      %broadcast_in_dim3A_174 = vector.broadcast %jit3A_173 : i32 to vector<16xi32>
      %select_n3A_175 = arith.select %and3A_172, %sub3A_165, %broadcast_in_dim3A_174 : vector<16xi1>, vector<16xi32>
      %swap3A_176 = arith.constant 64 : index
      %swap3A_177 = tpu.vector_load %arg9[%swap3A_176] {strides = array<i32>} : memref<80xi32, #tpu.memory_space<vmem>>, vector<16xi32>,
      %swap3A_178 = vector.shape_cast %swap3A_177 : vector<16xi32> to vector<16xi32>
      %swap3A_179 = vector.shape_cast %select_n3A_175 : vector<16xi32> to vector<16xi32>
      tpu.vector_store %arg9[%swap3A_176], %swap3A_179 {strides = array<i32>} : memref<80xi32, #tpu.memory_space<vmem>>, vector<16xi32>,
      %dma_wait3A = tpu.memref_slice %arg7[%multiple_of3A_70] : memref<2000xi32, #tpu.memory_space<vmem>> -> memref<80xi32, #tpu.memory_space<vmem>>
      %dma_wait3A_180 = arith.constant 0 : i32
      %dma_wait3A_181 = arith.constant 0 : i32
      %dma_wait3A_182 = tpu.memref_slice %arg4[%dma_wait3A_180, %dma_wait3A_181] : memref<10000x128xf32, #tpu.memory_space<hbm>> -> memref<10000x128xf32, #tpu.memory_space<hbm>>
      tpu.wait_indirect_dma semaphore(%arg14 : memref<!tpu.dma_semaphore, #tpu.memory_space<semaphore_mem>>) src(%dma_wait3A_182 : memref<10000x128xf32, #tpu.memory_space<hbm>>) dst(%arg10 : memref<80x128xf32, #tpu.memory_space<vmem>>)
      %dma_wait3A_183 = arith.constant 0 : i32
      %dma_wait3A_184 = tpu.memref_slice %arg5[%multiple_of3A_39, %dma_wait3A_183] : memref<320000x16xf32, #tpu.memory_space<hbm>> -> memref<80x16xf32, #tpu.memory_space<hbm>>
      %dma_wait3A_185 = arith.constant 0 : i32
      %dma_wait3A_186 = tpu.memref_slice %arg5[%multiple_of3A_39, %dma_wait3A_185] : memref<320000x16xf32, #tpu.memory_space<hbm>> -> memref<80x16xf32, #tpu.memory_space<hbm>>
      tpu.wait_dma2 semaphore(%arg14 : memref<!tpu.dma_semaphore, #tpu.memory_space<semaphore_mem>>) src(%dma_wait3A_186 : memref<80x16xf32, #tpu.memory_space<hbm>>) dst(%arg11 : memref<80x16xf32, #tpu.memory_space<vmem>>)
      %scan3A_187 = arith.constant 0 : i32
      %scan3A_188 = arith.constant 80 : i32
      %scan3A_189 = arith.addi %scan3A_187, %scan3A_188 : i32
      %scan3A_190 = arith.constant 1 : i32
      scf.for %scan3A_192 = %scan3A_187 to %scan3A_189 step %scan3A_190  : i32 {
        %get3A_193 = arith.index_cast %scan3A_192 : i32 to index
        %get3A_194 = arith.constant 0 : index
        %get3A_195 = tpu.vector_load %arg11[%get3A_193, %get3A_194] {strides = array<i32>} : memref<80x16xf32, #tpu.memory_space<vmem>>, vector<1x16xf32>,
        %get3A_196 = vector.shape_cast %get3A_195 : vector<1x16xf32> to vector<16xf32>
        %get3A_197 = arith.index_cast %scan3A_192 : i32 to index
        %get3A_198 = arith.constant 0 : index
        %get3A_199 = tpu.vector_load %arg10[%get3A_197, %get3A_198] {strides = array<i32>} : memref<80x128xf32, #tpu.memory_space<vmem>>, vector<1x16xf32>,
        %get3A_200 = vector.shape_cast %get3A_199 : vector<1x16xf32> to vector<16xf32>
        %iota3A = tpu.iota {dimensions = array<i32: 0>} : vector<16xi32>
        %mul3A_201 = arith.constant 0 : i32
        %mul3A_202 = vector.broadcast %mul3A_201 : i32 to vector<16xi32>
        %mul3A_203 = arith.muli %iota3A, %mul3A_202 : vector<16xi32>
        %add3A_204 = arith.constant 0 : i32
        %add3A_205 = vector.broadcast %add3A_204 : i32 to vector<16xi32>
        %add3A_206 = arith.addi %mul3A_203, %add3A_205 : vector<16xi32>
        %broadcast_in_dim3A_207 = vector.shape_cast %add3A_206 : vector<16xi32> to vector<16x1xi32>
        %gather3A = vector.shape_cast %broadcast_in_dim3A_207 : vector<16x1xi32> to vector<16xi32>
        %gather3A_208 = tpu.dynamic_gather %get3A_196[%gather3A] in [0] : vector<16xf32>, vector<16xi32> -> vector<16xf32>
        %mul3A_209 = arith.mulf %get3A_200, %gather3A_208 : vector<16xf32>
        %swap3A_210 = arith.index_cast %scan3A_192 : i32 to index
        %swap3A_211 = arith.constant 0 : index
        %swap3A_212 = tpu.vector_load %arg12[%swap3A_210, %swap3A_211] {strides = array<i32>} : memref<80x128xf32, #tpu.memory_space<vmem>>, vector<1x16xf32>,
        %swap3A_213 = vector.shape_cast %swap3A_212 : vector<1x16xf32> to vector<16xf32>
        %swap3A_214 = vector.shape_cast %mul3A_209 : vector<16xf32> to vector<1x16xf32>
        tpu.vector_store %arg12[%swap3A_210, %swap3A_211], %swap3A_214 {strides = array<i32>} : memref<80x128xf32, #tpu.memory_space<vmem>>, vector<1x16xf32>,
        %get3A_215 = arith.index_cast %scan3A_192 : i32 to index
        %get3A_216 = arith.constant 16 : index
        %get3A_217 = tpu.vector_load %arg10[%get3A_215, %get3A_216] {strides = array<i32>} : memref<80x128xf32, #tpu.memory_space<vmem>>, vector<1x16xf32>,
        %get3A_218 = vector.shape_cast %get3A_217 : vector<1x16xf32> to vector<16xf32>
        %iota3A_219 = tpu.iota {dimensions = array<i32: 0>} : vector<16xi32>
        %mul3A_220 = arith.constant 0 : i32
        %mul3A_221 = vector.broadcast %mul3A_220 : i32 to vector<16xi32>
        %mul3A_222 = arith.muli %iota3A_219, %mul3A_221 : vector<16xi32>
        %add3A_223 = arith.constant 1 : i32
        %add3A_224 = vector.broadcast %add3A_223 : i32 to vector<16xi32>
        %add3A_225 = arith.addi %mul3A_222, %add3A_224 : vector<16xi32>
        %broadcast_in_dim3A_226 = vector.shape_cast %add3A_225 : vector<16xi32> to vector<16x1xi32>
        %gather3A_227 = vector.shape_cast %broadcast_in_dim3A_226 : vector<16x1xi32> to vector<16xi32>
        %gather3A_228 = tpu.dynamic_gather %get3A_196[%gather3A_227] in [0] : vector<16xf32>, vector<16xi32> -> vector<16xf32>
        %mul3A_229 = arith.mulf %get3A_218, %gather3A_228 : vector<16xf32>
        %swap3A_230 = arith.index_cast %scan3A_192 : i32 to index
        %swap3A_231 = arith.constant 16 : index
        %swap3A_232 = tpu.vector_load %arg12[%swap3A_230, %swap3A_231] {strides = array<i32>} : memref<80x128xf32, #tpu.memory_space<vmem>>, vector<1x16xf32>,
        %swap3A_233 = vector.shape_cast %swap3A_232 : vector<1x16xf32> to vector<16xf32>
        %swap3A_234 = vector.shape_cast %mul3A_229 : vector<16xf32> to vector<1x16xf32>
        tpu.vector_store %arg12[%swap3A_230, %swap3A_231], %swap3A_234 {strides = array<i32>} : memref<80x128xf32, #tpu.memory_space<vmem>>, vector<1x16xf32>,
        %get3A_235 = arith.index_cast %scan3A_192 : i32 to index
        %get3A_236 = arith.constant 32 : index
        %get3A_237 = tpu.vector_load %arg10[%get3A_235, %get3A_236] {strides = array<i32>} : memref<80x128xf32, #tpu.memory_space<vmem>>, vector<1x16xf32>,
        %get3A_238 = vector.shape_cast %get3A_237 : vector<1x16xf32> to vector<16xf32>
        %iota3A_239 = tpu.iota {dimensions = array<i32: 0>} : vector<16xi32>
        %mul3A_240 = arith.constant 0 : i32
        %mul3A_241 = vector.broadcast %mul3A_240 : i32 to vector<16xi32>
        %mul3A_242 = arith.muli %iota3A_239, %mul3A_241 : vector<16xi32>
        %add3A_243 = arith.constant 2 : i32
        %add3A_244 = vector.broadcast %add3A_243 : i32 to vector<16xi32>
        %add3A_245 = arith.addi %mul3A_242, %add3A_244 : vector<16xi32>
        %broadcast_in_dim3A_246 = vector.shape_cast %add3A_245 : vector<16xi32> to vector<16x1xi32>
        %gather3A_247 = vector.shape_cast %broadcast_in_dim3A_246 : vector<16x1xi32> to vector<16xi32>
        %gather3A_248 = tpu.dynamic_gather %get3A_196[%gather3A_247] in [0] : vector<16xf32>, vector<16xi32> -> vector<16xf32>
        %mul3A_249 = arith.mulf %get3A_238, %gather3A_248 : vector<16xf32>
        %swap3A_250 = arith.index_cast %scan3A_192 : i32 to index
        %swap3A_251 = arith.constant 32 : index
        %swap3A_252 = tpu.vector_load %arg12[%swap3A_250, %swap3A_251] {strides = array<i32>} : memref<80x128xf32, #tpu.memory_space<vmem>>, vector<1x16xf32>,
        %swap3A_253 = vector.shape_cast %swap3A_252 : vector<1x16xf32> to vector<16xf32>
        %swap3A_254 = vector.shape_cast %mul3A_249 : vector<16xf32> to vector<1x16xf32>
        tpu.vector_store %arg12[%swap3A_250, %swap3A_251], %swap3A_254 {strides = array<i32>} : memref<80x128xf32, #tpu.memory_space<vmem>>, vector<1x16xf32>,
        %get3A_255 = arith.index_cast %scan3A_192 : i32 to index
        %get3A_256 = arith.constant 48 : index
        %get3A_257 = tpu.vector_load %arg10[%get3A_255, %get3A_256] {strides = array<i32>} : memref<80x128xf32, #tpu.memory_space<vmem>>, vector<1x16xf32>,
        %get3A_258 = vector.shape_cast %get3A_257 : vector<1x16xf32> to vector<16xf32>
        %iota3A_259 = tpu.iota {dimensions = array<i32: 0>} : vector<16xi32>
        %mul3A_260 = arith.constant 0 : i32
        %mul3A_261 = vector.broadcast %mul3A_260 : i32 to vector<16xi32>
        %mul3A_262 = arith.muli %iota3A_259, %mul3A_261 : vector<16xi32>
        %add3A_263 = arith.constant 3 : i32
        %add3A_264 = vector.broadcast %add3A_263 : i32 to vector<16xi32>
        %add3A_265 = arith.addi %mul3A_262, %add3A_264 : vector<16xi32>
        %broadcast_in_dim3A_266 = vector.shape_cast %add3A_265 : vector<16xi32> to vector<16x1xi32>
        %gather3A_267 = vector.shape_cast %broadcast_in_dim3A_266 : vector<16x1xi32> to vector<16xi32>
        %gather3A_268 = tpu.dynamic_gather %get3A_196[%gather3A_267] in [0] : vector<16xf32>, vector<16xi32> -> vector<16xf32>
        %mul3A_269 = arith.mulf %get3A_258, %gather3A_268 : vector<16xf32>
        %swap3A_270 = arith.index_cast %scan3A_192 : i32 to index
        %swap3A_271 = arith.constant 48 : index
        %swap3A_272 = tpu.vector_load %arg12[%swap3A_270, %swap3A_271] {strides = array<i32>} : memref<80x128xf32, #tpu.memory_space<vmem>>, vector<1x16xf32>,
        %swap3A_273 = vector.shape_cast %swap3A_272 : vector<1x16xf32> to vector<16xf32>
        %swap3A_274 = vector.shape_cast %mul3A_269 : vector<16xf32> to vector<1x16xf32>
        tpu.vector_store %arg12[%swap3A_270, %swap3A_271], %swap3A_274 {strides = array<i32>} : memref<80x128xf32, #tpu.memory_space<vmem>>, vector<1x16xf32>,
        %get3A_275 = arith.index_cast %scan3A_192 : i32 to index
        %get3A_276 = arith.constant 64 : index
        %get3A_277 = tpu.vector_load %arg10[%get3A_275, %get3A_276] {strides = array<i32>} : memref<80x128xf32, #tpu.memory_space<vmem>>, vector<1x16xf32>,
        %get3A_278 = vector.shape_cast %get3A_277 : vector<1x16xf32> to vector<16xf32>
        %iota3A_279 = tpu.iota {dimensions = array<i32: 0>} : vector<16xi32>
        %mul3A_280 = arith.constant 0 : i32
        %mul3A_281 = vector.broadcast %mul3A_280 : i32 to vector<16xi32>
        %mul3A_282 = arith.muli %iota3A_279, %mul3A_281 : vector<16xi32>
        %add3A_283 = arith.constant 4 : i32
        %add3A_284 = vector.broadcast %add3A_283 : i32 to vector<16xi32>
        %add3A_285 = arith.addi %mul3A_282, %add3A_284 : vector<16xi32>
        %broadcast_in_dim3A_286 = vector.shape_cast %add3A_285 : vector<16xi32> to vector<16x1xi32>
        %gather3A_287 = vector.shape_cast %broadcast_in_dim3A_286 : vector<16x1xi32> to vector<16xi32>
        %gather3A_288 = tpu.dynamic_gather %get3A_196[%gather3A_287] in [0] : vector<16xf32>, vector<16xi32> -> vector<16xf32>
        %mul3A_289 = arith.mulf %get3A_278, %gather3A_288 : vector<16xf32>
        %swap3A_290 = arith.index_cast %scan3A_192 : i32 to index
        %swap3A_291 = arith.constant 64 : index
        %swap3A_292 = tpu.vector_load %arg12[%swap3A_290, %swap3A_291] {strides = array<i32>} : memref<80x128xf32, #tpu.memory_space<vmem>>, vector<1x16xf32>,
        %swap3A_293 = vector.shape_cast %swap3A_292 : vector<1x16xf32> to vector<16xf32>
        %swap3A_294 = vector.shape_cast %mul3A_289 : vector<16xf32> to vector<1x16xf32>
        tpu.vector_store %arg12[%swap3A_290, %swap3A_291], %swap3A_294 {strides = array<i32>} : memref<80x128xf32, #tpu.memory_space<vmem>>, vector<1x16xf32>,
        %get3A_295 = arith.index_cast %scan3A_192 : i32 to index
        %get3A_296 = arith.constant 80 : index
        %get3A_297 = tpu.vector_load %arg10[%get3A_295, %get3A_296] {strides = array<i32>} : memref<80x128xf32, #tpu.memory_space<vmem>>, vector<1x16xf32>,
        %get3A_298 = vector.shape_cast %get3A_297 : vector<1x16xf32> to vector<16xf32>
        %iota3A_299 = tpu.iota {dimensions = array<i32: 0>} : vector<16xi32>
        %mul3A_300 = arith.constant 0 : i32
        %mul3A_301 = vector.broadcast %mul3A_300 : i32 to vector<16xi32>
        %mul3A_302 = arith.muli %iota3A_299, %mul3A_301 : vector<16xi32>
        %add3A_303 = arith.constant 5 : i32
        %add3A_304 = vector.broadcast %add3A_303 : i32 to vector<16xi32>
        %add3A_305 = arith.addi %mul3A_302, %add3A_304 : vector<16xi32>
        %broadcast_in_dim3A_306 = vector.shape_cast %add3A_305 : vector<16xi32> to vector<16x1xi32>
        %gather3A_307 = vector.shape_cast %broadcast_in_dim3A_306 : vector<16x1xi32> to vector<16xi32>
        %gather3A_308 = tpu.dynamic_gather %get3A_196[%gather3A_307] in [0] : vector<16xf32>, vector<16xi32> -> vector<16xf32>
        %mul3A_309 = arith.mulf %get3A_298, %gather3A_308 : vector<16xf32>
        %swap3A_310 = arith.index_cast %scan3A_192 : i32 to index
        %swap3A_311 = arith.constant 80 : index
        %swap3A_312 = tpu.vector_load %arg12[%swap3A_310, %swap3A_311] {strides = array<i32>} : memref<80x128xf32, #tpu.memory_space<vmem>>, vector<1x16xf32>,
        %swap3A_313 = vector.shape_cast %swap3A_312 : vector<1x16xf32> to vector<16xf32>
        %swap3A_314 = vector.shape_cast %mul3A_309 : vector<16xf32> to vector<1x16xf32>
        tpu.vector_store %arg12[%swap3A_310, %swap3A_311], %swap3A_314 {strides = array<i32>} : memref<80x128xf32, #tpu.memory_space<vmem>>, vector<1x16xf32>,
        %get3A_315 = arith.index_cast %scan3A_192 : i32 to index
        %get3A_316 = arith.constant 96 : index
        %get3A_317 = tpu.vector_load %arg10[%get3A_315, %get3A_316] {strides = array<i32>} : memref<80x128xf32, #tpu.memory_space<vmem>>, vector<1x16xf32>,
        %get3A_318 = vector.shape_cast %get3A_317 : vector<1x16xf32> to vector<16xf32>
        %iota3A_319 = tpu.iota {dimensions = array<i32: 0>} : vector<16xi32>
        %mul3A_320 = arith.constant 0 : i32
        %mul3A_321 = vector.broadcast %mul3A_320 : i32 to vector<16xi32>
        %mul3A_322 = arith.muli %iota3A_319, %mul3A_321 : vector<16xi32>
        %add3A_323 = arith.constant 6 : i32
        %add3A_324 = vector.broadcast %add3A_323 : i32 to vector<16xi32>
        %add3A_325 = arith.addi %mul3A_322, %add3A_324 : vector<16xi32>
        %broadcast_in_dim3A_326 = vector.shape_cast %add3A_325 : vector<16xi32> to vector<16x1xi32>
        %gather3A_327 = vector.shape_cast %broadcast_in_dim3A_326 : vector<16x1xi32> to vector<16xi32>
        %gather3A_328 = tpu.dynamic_gather %get3A_196[%gather3A_327] in [0] : vector<16xf32>, vector<16xi32> -> vector<16xf32>
        %mul3A_329 = arith.mulf %get3A_318, %gather3A_328 : vector<16xf32>
        %swap3A_330 = arith.index_cast %scan3A_192 : i32 to index
        %swap3A_331 = arith.constant 96 : index
        %swap3A_332 = tpu.vector_load %arg12[%swap3A_330, %swap3A_331] {strides = array<i32>} : memref<80x128xf32, #tpu.memory_space<vmem>>, vector<1x16xf32>,
        %swap3A_333 = vector.shape_cast %swap3A_332 : vector<1x16xf32> to vector<16xf32>
        %swap3A_334 = vector.shape_cast %mul3A_329 : vector<16xf32> to vector<1x16xf32>
        tpu.vector_store %arg12[%swap3A_330, %swap3A_331], %swap3A_334 {strides = array<i32>} : memref<80x128xf32, #tpu.memory_space<vmem>>, vector<1x16xf32>,
        %get3A_335 = arith.index_cast %scan3A_192 : i32 to index
        %get3A_336 = arith.constant 112 : index
        %get3A_337 = tpu.vector_load %arg10[%get3A_335, %get3A_336] {strides = array<i32>} : memref<80x128xf32, #tpu.memory_space<vmem>>, vector<1x16xf32>,
        %get3A_338 = vector.shape_cast %get3A_337 : vector<1x16xf32> to vector<16xf32>
        %iota3A_339 = tpu.iota {dimensions = array<i32: 0>} : vector<16xi32>
        %mul3A_340 = arith.constant 0 : i32
        %mul3A_341 = vector.broadcast %mul3A_340 : i32 to vector<16xi32>
        %mul3A_342 = arith.muli %iota3A_339, %mul3A_341 : vector<16xi32>
        %add3A_343 = arith.constant 7 : i32
        %add3A_344 = vector.broadcast %add3A_343 : i32 to vector<16xi32>
        %add3A_345 = arith.addi %mul3A_342, %add3A_344 : vector<16xi32>
        %broadcast_in_dim3A_346 = vector.shape_cast %add3A_345 : vector<16xi32> to vector<16x1xi32>
        %gather3A_347 = vector.shape_cast %broadcast_in_dim3A_346 : vector<16x1xi32> to vector<16xi32>
        %gather3A_348 = tpu.dynamic_gather %get3A_196[%gather3A_347] in [0] : vector<16xf32>, vector<16xi32> -> vector<16xf32>
        %mul3A_349 = arith.mulf %get3A_338, %gather3A_348 : vector<16xf32>
        %swap3A_350 = arith.index_cast %scan3A_192 : i32 to index
        %swap3A_351 = arith.constant 112 : index
        %swap3A_352 = tpu.vector_load %arg12[%swap3A_350, %swap3A_351] {strides = array<i32>} : memref<80x128xf32, #tpu.memory_space<vmem>>, vector<1x16xf32>,
        %swap3A_353 = vector.shape_cast %swap3A_352 : vector<1x16xf32> to vector<16xf32>
        %swap3A_354 = vector.shape_cast %mul3A_349 : vector<16xf32> to vector<1x16xf32>
        tpu.vector_store %arg12[%swap3A_350, %swap3A_351], %swap3A_354 {strides = array<i32>} : memref<80x128xf32, #tpu.memory_space<vmem>>, vector<1x16xf32>,
      }
      %scan3A_191 = arith.constant 80 : i32
      "tpu.region"() ({
        %run_scoped3A = tpu.sem_alloc : memref<!tpu.dma_semaphore, #tpu.memory_space<semaphore_mem>>
        %dma_start3A_192 = arith.constant 0 : i32
        %dma_start3A_193 = arith.constant 0 : i32
        %dma_start3A_194 = tpu.memref_slice %arg13[%dma_start3A_192, %dma_start3A_193] : memref<5248x128xf32, #tpu.memory_space<vmem_shared>> -> memref<5248x128xf32, #tpu.memory_space<vmem_shared>>
        tpu.enqueue_indirect_dma source(%arg12 : memref<80x128xf32, #tpu.memory_space<vmem>>) target(%dma_start3A_194 : memref<5248x128xf32, #tpu.memory_space<vmem_shared>>) offsets(%arg9 : memref<80xi32, #tpu.memory_space<vmem>>) semaphore(%run_scoped3A : memref<!tpu.dma_semaphore, #tpu.memory_space<semaphore_mem>>) {add = true}
        %dma_wait3A_195 = arith.constant 0 : i32
        %dma_wait3A_196 = arith.constant 0 : i32
        %dma_wait3A_197 = tpu.memref_slice %arg13[%dma_wait3A_195, %dma_wait3A_196] : memref<5248x128xf32, #tpu.memory_space<vmem_shared>> -> memref<5248x128xf32, #tpu.memory_space<vmem_shared>>
        tpu.wait_indirect_dma semaphore(%run_scoped3A : memref<!tpu.dma_semaphore, #tpu.memory_space<semaphore_mem>>) src(%arg12 : memref<80x128xf32, #tpu.memory_space<vmem>>) dst(%dma_wait3A_197 : memref<5248x128xf32, #tpu.memory_space<vmem_shared>>)
        tpu.yield
      }) : () -> ()
    }
    %scan3A_24 = arith.constant 250 : i32
    %barrier3A_25 = arith.constant 0 : index
    tpu.barrier barrier_id(%barrier3A_25)
    %mul3A_26 = arith.constant 320 : i32
    %mul3A_27 = arith.muli %arg1, %mul3A_26 : i32
    %multiple_of3A_28 = tpu.assume_multiple %mul3A_27, 8 : i32
    %mul3A_29 = arith.constant 5120 : i32
    %mul3A_30 = arith.muli %arg0, %mul3A_29 : i32
    %mul3A_31 = arith.constant 320 : i32
    %mul3A_32 = arith.muli %arg1, %mul3A_31 : i32
    %add3A_33 = arith.addi %mul3A_30, %mul3A_32 : i32
    %multiple_of3A_34 = tpu.assume_multiple %add3A_33, 8 : i32
    "tpu.region"() ({
      %run_scoped3A = tpu.sem_alloc : memref<!tpu.dma_semaphore, #tpu.memory_space<semaphore_mem>>
      %dma_start3A = arith.constant 0 : i32
      %dma_start3A_35 = tpu.memref_slice %arg6[%multiple_of3A_34, %dma_start3A] : memref<10240x128xf32, #tpu.memory_space<hbm>> -> memref<320x128xf32, #tpu.memory_space<hbm>>
      %dma_start3A_36 = arith.constant 0 : i32
      %dma_start3A_37 = tpu.memref_slice %arg13[%multiple_of3A_28, %dma_start3A_36] : memref<5248x128xf32, #tpu.memory_space<vmem_shared>> -> memref<320x128xf32, #tpu.memory_space<vmem_shared>>
      tpu.enqueue_dma source(%dma_start3A_37 : memref<320x128xf32, #tpu.memory_space<vmem_shared>>) target(%dma_start3A_35 : memref<320x128xf32, #tpu.memory_space<hbm>>) target_semaphore(%run_scoped3A : memref<!tpu.dma_semaphore, #tpu.memory_space<semaphore_mem>>)
      %dma_wait3A = arith.constant 0 : i32
      %dma_wait3A_38 = tpu.memref_slice %arg6[%multiple_of3A_34, %dma_wait3A] : memref<10240x128xf32, #tpu.memory_space<hbm>> -> memref<320x128xf32, #tpu.memory_space<hbm>>
      %dma_wait3A_39 = arith.constant 0 : i32
      %dma_wait3A_40 = tpu.memref_slice %arg13[%multiple_of3A_28, %dma_wait3A_39] : memref<5248x128xf32, #tpu.memory_space<vmem_shared>> -> memref<320x128xf32, #tpu.memory_space<vmem_shared>>
      tpu.wait_dma2 semaphore(%run_scoped3A : memref<!tpu.dma_semaphore, #tpu.memory_space<semaphore_mem>>) src(%dma_wait3A_40 : memref<320x128xf32, #tpu.memory_space<vmem_shared>>) dst(%dma_wait3A_38 : memref<320x128xf32, #tpu.memory_space<hbm>>)
      tpu.yield
    }) : () -> ()
    return
  }
}

#map = affine_map<(d0, d1) -> (0)>
#map1 = affine_map<(d0, d1) -> (0, 0)>
module attributes {stable_mosaic.version = 14 : i64} {
  func.func @_score_pass(%arg0: i32, %arg1: i32, %arg2: memref<320000xi32, #tpu.memory_space<hbm>>, %arg3: memref<320000xi32, #tpu.memory_space<hbm>>, %arg4: memref<10000x128xf32, #tpu.memory_space<hbm>>, %arg5: memref<10000x128xf32, #tpu.memory_space<hbm>>, %arg6: memref<320000x128xf32, #tpu.memory_space<hbm>>, %arg7: memref<160000x16xf32, #tpu.memory_space<hbm>>, %arg8: memref<320000x16xf32, #tpu.memory_space<hbm>>, %arg9: memref<2560x128xf32, #tpu.memory_space<hbm>>, %arg10: memref<2000xi32, #tpu.memory_space<vmem>>, %arg11: memref<2000xi32, #tpu.memory_space<vmem>>, %arg12: memref<80xi32, #tpu.memory_space<vmem>>, %arg13: memref<80xi32, #tpu.memory_space<vmem>>, %arg14: memref<80x128xf32, #tpu.memory_space<vmem>>, %arg15: memref<80x128xf32, #tpu.memory_space<vmem>>, %arg16: memref<80x128xf32, #tpu.memory_space<vmem>>, %arg17: memref<40x16xf32, #tpu.memory_space<vmem>>, %arg18: memref<80x16xf32, #tpu.memory_space<vmem>>, %arg19: memref<80x128xf32, #tpu.memory_space<vmem>>, %arg20: memref<1280x128xf32, #tpu.memory_space<vmem_shared>>, %arg21: memref<!tpu.dma_semaphore, #tpu.memory_space<semaphore_mem>>, %arg22: memref<!tpu.dma_semaphore, #tpu.memory_space<semaphore_mem>>, %arg23: memref<!tpu.dma_semaphore, #tpu.memory_space<semaphore_mem>>) attributes {dimension_semantics = [#tpu.dimension_semantics<core_parallel>, #tpu.dimension_semantics<subcore_parallel>], iteration_bounds = array<i64: 2, 16>, scalar_prefetch = 0 : i64, scratch_operands = 14 : i64, tpu.core_type = #tpu.core_type<sc_vector_subcore>, window_params = [{transform_indices = #map}, {transform_indices = #map}, {transform_indices = #map1}, {transform_indices = #map1}, {transform_indices = #map1}, {transform_indices = #map1}, {transform_indices = #map1}, {transform_indices = #map1}]} {
    %mul3A = arith.constant 16 : i32
    %mul3A_0 = arith.muli %arg0, %mul3A : i32
    %add3A = arith.addi %mul3A_0, %arg1 : i32
    %mul3A_1 = arith.constant 10000 : i32
    %mul3A_2 = arith.muli %add3A, %mul3A_1 : i32
    %broadcast_in_dim3A = arith.constant 0.000000e+00 : f32
    %broadcast_in_dim3A_3 = vector.broadcast %broadcast_in_dim3A : f32 to vector<16xf32>
    %scan3A = arith.constant 0 : i32
    %scan3A_4 = arith.constant 80 : i32
    %scan3A_5 = arith.addi %scan3A, %scan3A_4 : i32
    %scan3A_6 = arith.constant 1 : i32
    scf.for %scan3A_33 = %scan3A to %scan3A_5 step %scan3A_6  : i32 {
      %swap3A = arith.index_cast %scan3A_33 : i32 to index
      %swap3A_34 = arith.constant 0 : index
      %swap3A_35 = tpu.vector_load %arg19[%swap3A, %swap3A_34] {strides = array<i32>} : memref<80x128xf32, #tpu.memory_space<vmem>>, vector<1x16xf32>,
      %swap3A_36 = vector.shape_cast %swap3A_35 : vector<1x16xf32> to vector<16xf32>
      %swap3A_37 = vector.shape_cast %broadcast_in_dim3A_3 : vector<16xf32> to vector<1x16xf32>
      tpu.vector_store %arg19[%swap3A, %swap3A_34], %swap3A_37 {strides = array<i32>} : memref<80x128xf32, #tpu.memory_space<vmem>>, vector<1x16xf32>,
      %swap3A_38 = arith.index_cast %scan3A_33 : i32 to index
      %swap3A_39 = arith.constant 16 : index
      %swap3A_40 = tpu.vector_load %arg19[%swap3A_38, %swap3A_39] {strides = array<i32>} : memref<80x128xf32, #tpu.memory_space<vmem>>, vector<1x16xf32>,
      %swap3A_41 = vector.shape_cast %swap3A_40 : vector<1x16xf32> to vector<16xf32>
      %swap3A_42 = vector.shape_cast %broadcast_in_dim3A_3 : vector<16xf32> to vector<1x16xf32>
      tpu.vector_store %arg19[%swap3A_38, %swap3A_39], %swap3A_42 {strides = array<i32>} : memref<80x128xf32, #tpu.memory_space<vmem>>, vector<1x16xf32>,
      %swap3A_43 = arith.index_cast %scan3A_33 : i32 to index
      %swap3A_44 = arith.constant 32 : index
      %swap3A_45 = tpu.vector_load %arg19[%swap3A_43, %swap3A_44] {strides = array<i32>} : memref<80x128xf32, #tpu.memory_space<vmem>>, vector<1x16xf32>,
      %swap3A_46 = vector.shape_cast %swap3A_45 : vector<1x16xf32> to vector<16xf32>
      %swap3A_47 = vector.shape_cast %broadcast_in_dim3A_3 : vector<16xf32> to vector<1x16xf32>
      tpu.vector_store %arg19[%swap3A_43, %swap3A_44], %swap3A_47 {strides = array<i32>} : memref<80x128xf32, #tpu.memory_space<vmem>>, vector<1x16xf32>,
      %swap3A_48 = arith.index_cast %scan3A_33 : i32 to index
      %swap3A_49 = arith.constant 48 : index
      %swap3A_50 = tpu.vector_load %arg19[%swap3A_48, %swap3A_49] {strides = array<i32>} : memref<80x128xf32, #tpu.memory_space<vmem>>, vector<1x16xf32>,
      %swap3A_51 = vector.shape_cast %swap3A_50 : vector<1x16xf32> to vector<16xf32>
      %swap3A_52 = vector.shape_cast %broadcast_in_dim3A_3 : vector<16xf32> to vector<1x16xf32>
      tpu.vector_store %arg19[%swap3A_48, %swap3A_49], %swap3A_52 {strides = array<i32>} : memref<80x128xf32, #tpu.memory_space<vmem>>, vector<1x16xf32>,
      %swap3A_53 = arith.index_cast %scan3A_33 : i32 to index
      %swap3A_54 = arith.constant 64 : index
      %swap3A_55 = tpu.vector_load %arg19[%swap3A_53, %swap3A_54] {strides = array<i32>} : memref<80x128xf32, #tpu.memory_space<vmem>>, vector<1x16xf32>,
      %swap3A_56 = vector.shape_cast %swap3A_55 : vector<1x16xf32> to vector<16xf32>
      %swap3A_57 = vector.shape_cast %broadcast_in_dim3A_3 : vector<16xf32> to vector<1x16xf32>
      tpu.vector_store %arg19[%swap3A_53, %swap3A_54], %swap3A_57 {strides = array<i32>} : memref<80x128xf32, #tpu.memory_space<vmem>>, vector<1x16xf32>,
      %swap3A_58 = arith.index_cast %scan3A_33 : i32 to index
      %swap3A_59 = arith.constant 80 : index
      %swap3A_60 = tpu.vector_load %arg19[%swap3A_58, %swap3A_59] {strides = array<i32>} : memref<80x128xf32, #tpu.memory_space<vmem>>, vector<1x16xf32>,
      %swap3A_61 = vector.shape_cast %swap3A_60 : vector<1x16xf32> to vector<16xf32>
      %swap3A_62 = vector.shape_cast %broadcast_in_dim3A_3 : vector<16xf32> to vector<1x16xf32>
      tpu.vector_store %arg19[%swap3A_58, %swap3A_59], %swap3A_62 {strides = array<i32>} : memref<80x128xf32, #tpu.memory_space<vmem>>, vector<1x16xf32>,
      %swap3A_63 = arith.index_cast %scan3A_33 : i32 to index
      %swap3A_64 = arith.constant 96 : index
      %swap3A_65 = tpu.vector_load %arg19[%swap3A_63, %swap3A_64] {strides = array<i32>} : memref<80x128xf32, #tpu.memory_space<vmem>>, vector<1x16xf32>,
      %swap3A_66 = vector.shape_cast %swap3A_65 : vector<1x16xf32> to vector<16xf32>
      %swap3A_67 = vector.shape_cast %broadcast_in_dim3A_3 : vector<16xf32> to vector<1x16xf32>
      tpu.vector_store %arg19[%swap3A_63, %swap3A_64], %swap3A_67 {strides = array<i32>} : memref<80x128xf32, #tpu.memory_space<vmem>>, vector<1x16xf32>,
      %swap3A_68 = arith.index_cast %scan3A_33 : i32 to index
      %swap3A_69 = arith.constant 112 : index
      %swap3A_70 = tpu.vector_load %arg19[%swap3A_68, %swap3A_69] {strides = array<i32>} : memref<80x128xf32, #tpu.memory_space<vmem>>, vector<1x16xf32>,
      %swap3A_71 = vector.shape_cast %swap3A_70 : vector<1x16xf32> to vector<16xf32>
      %swap3A_72 = vector.shape_cast %broadcast_in_dim3A_3 : vector<16xf32> to vector<1x16xf32>
      tpu.vector_store %arg19[%swap3A_68, %swap3A_69], %swap3A_72 {strides = array<i32>} : memref<80x128xf32, #tpu.memory_space<vmem>>, vector<1x16xf32>,
    }
    %scan3A_7 = arith.constant 80 : i32
    %mul3A_8 = arith.constant 80 : i32
    %mul3A_9 = arith.muli %arg1, %mul3A_8 : i32
    %multiple_of3A = tpu.assume_multiple %mul3A_9, 8 : i32
    "tpu.region"() ({
      %run_scoped3A = tpu.sem_alloc : memref<!tpu.dma_semaphore, #tpu.memory_space<semaphore_mem>>
      %dma_start3A = arith.constant 0 : i32
      %dma_start3A_33 = tpu.memref_slice %arg20[%multiple_of3A, %dma_start3A] : memref<1280x128xf32, #tpu.memory_space<vmem_shared>> -> memref<80x128xf32, #tpu.memory_space<vmem_shared>>
      %dma_start3A_34 = arith.constant 0 : i32
      %dma_start3A_35 = tpu.memref_slice %arg20[%multiple_of3A, %dma_start3A_34] : memref<1280x128xf32, #tpu.memory_space<vmem_shared>> -> memref<80x128xf32, #tpu.memory_space<vmem_shared>>
      tpu.enqueue_dma source(%arg19 : memref<80x128xf32, #tpu.memory_space<vmem>>) target(%dma_start3A_35 : memref<80x128xf32, #tpu.memory_space<vmem_shared>>) target_semaphore(%run_scoped3A : memref<!tpu.dma_semaphore, #tpu.memory_space<semaphore_mem>>)
      %dma_wait3A_36 = arith.constant 0 : i32
      %dma_wait3A_37 = tpu.memref_slice %arg20[%multiple_of3A, %dma_wait3A_36] : memref<1280x128xf32, #tpu.memory_space<vmem_shared>> -> memref<80x128xf32, #tpu.memory_space<vmem_shared>>
      %dma_wait3A_38 = arith.constant 0 : i32
      %dma_wait3A_39 = tpu.memref_slice %arg20[%multiple_of3A, %dma_wait3A_38] : memref<1280x128xf32, #tpu.memory_space<vmem_shared>> -> memref<80x128xf32, #tpu.memory_space<vmem_shared>>
      tpu.wait_dma2 semaphore(%run_scoped3A : memref<!tpu.dma_semaphore, #tpu.memory_space<semaphore_mem>>) src(%arg19 : memref<80x128xf32, #tpu.memory_space<vmem>>) dst(%dma_wait3A_39 : memref<80x128xf32, #tpu.memory_space<vmem_shared>>)
      tpu.yield
    }) : () -> ()
    %barrier3A = arith.constant 0 : index
    tpu.barrier barrier_id(%barrier3A)
    %iota3A = tpu.iota {dimensions = array<i32: 0>} : vector<16xi32>
    %scan3A_10 = arith.constant 0 : i32
    %scan3A_11 = arith.constant 125 : i32
    %scan3A_12 = arith.addi %scan3A_10, %scan3A_11 : i32
    %scan3A_13 = arith.constant 1 : i32
    scf.for %scan3A_33 = %scan3A_10 to %scan3A_12 step %scan3A_13  : i32 {
      %mul3A_34 = arith.constant 80 : i32
      %mul3A_35 = arith.muli %scan3A_33, %mul3A_34 : i32
      %add3A_36 = arith.addi %mul3A_2, %mul3A_35 : i32
      %multiple_of3A_37 = tpu.assume_multiple %add3A_36, 8 : i32
      %jit3A = arith.constant 25 : i32
      %eq3A = arith.constant 0 : i32
      %eq3A_38 = arith.cmpi eq, %jit3A, %eq3A : i32
      %jit3A_39 = arith.constant 1 : i32
      %select_n3A = arith.select %eq3A_38, %jit3A_39, %jit3A : i32
      %rem3A = arith.remsi %scan3A_33, %select_n3A : i32
      %ne3A = arith.constant 0 : i32
      %ne3A_40 = arith.cmpi ne, %rem3A, %ne3A : i32
      %lt3A = arith.constant 0 : i32
      %lt3A_41 = arith.cmpi slt, %rem3A, %lt3A : i32
      %lt3A_42 = arith.constant 0 : i32
      %lt3A_43 = arith.cmpi slt, %select_n3A, %lt3A_42 : i32
      %ne3A_44 = arith.xori %lt3A_41, %lt3A_43 : i1
      %and3A = arith.andi %ne3A_44, %ne3A_40 : i1
      %add3A_45 = arith.addi %rem3A, %select_n3A : i32
      %select_n3A_46 = arith.select %and3A, %add3A_45, %rem3A : i32
      %eq3A_47 = arith.constant 0 : i32
      %eq3A_48 = arith.cmpi eq, %select_n3A_46, %eq3A_47 : i32
      %convert_element_type3A = arith.extui %eq3A_48 : i1 to i32
      %cond3A = arith.constant 0 : i32
      %cond3A_49 = arith.cmpi ne, %convert_element_type3A, %cond3A : i32
      scf.if %cond3A_49 {
        %dma_start3A_223 = tpu.memref_slice %arg2[%multiple_of3A_37] : memref<320000xi32, #tpu.memory_space<hbm>> -> memref<2000xi32, #tpu.memory_space<hbm>>
        %dma_start3A_224 = tpu.memref_slice %arg2[%multiple_of3A_37] : memref<320000xi32, #tpu.memory_space<hbm>> -> memref<2000xi32, #tpu.memory_space<hbm>>
        tpu.enqueue_dma source(%dma_start3A_224 : memref<2000xi32, #tpu.memory_space<hbm>>) target(%arg10 : memref<2000xi32, #tpu.memory_space<vmem>>) target_semaphore(%arg22 : memref<!tpu.dma_semaphore, #tpu.memory_space<semaphore_mem>>)
        %dma_start3A_225 = tpu.memref_slice %arg3[%multiple_of3A_37] : memref<320000xi32, #tpu.memory_space<hbm>> -> memref<2000xi32, #tpu.memory_space<hbm>>
        %dma_start3A_226 = tpu.memref_slice %arg3[%multiple_of3A_37] : memref<320000xi32, #tpu.memory_space<hbm>> -> memref<2000xi32, #tpu.memory_space<hbm>>
        tpu.enqueue_dma source(%dma_start3A_226 : memref<2000xi32, #tpu.memory_space<hbm>>) target(%arg11 : memref<2000xi32, #tpu.memory_space<vmem>>) target_semaphore(%arg22 : memref<!tpu.dma_semaphore, #tpu.memory_space<semaphore_mem>>)
        %dma_wait3A_227 = tpu.memref_slice %arg2[%multiple_of3A_37] : memref<320000xi32, #tpu.memory_space<hbm>> -> memref<2000xi32, #tpu.memory_space<hbm>>
        %dma_wait3A_228 = tpu.memref_slice %arg2[%multiple_of3A_37] : memref<320000xi32, #tpu.memory_space<hbm>> -> memref<2000xi32, #tpu.memory_space<hbm>>
        tpu.wait_dma2 semaphore(%arg22 : memref<!tpu.dma_semaphore, #tpu.memory_space<semaphore_mem>>) src(%dma_wait3A_228 : memref<2000xi32, #tpu.memory_space<hbm>>) dst(%arg10 : memref<2000xi32, #tpu.memory_space<vmem>>)
        %dma_wait3A_229 = tpu.memref_slice %arg3[%multiple_of3A_37] : memref<320000xi32, #tpu.memory_space<hbm>> -> memref<2000xi32, #tpu.memory_space<hbm>>
        %dma_wait3A_230 = tpu.memref_slice %arg3[%multiple_of3A_37] : memref<320000xi32, #tpu.memory_space<hbm>> -> memref<2000xi32, #tpu.memory_space<hbm>>
        tpu.wait_dma2 semaphore(%arg22 : memref<!tpu.dma_semaphore, #tpu.memory_space<semaphore_mem>>) src(%dma_wait3A_230 : memref<2000xi32, #tpu.memory_space<hbm>>) dst(%arg11 : memref<2000xi32, #tpu.memory_space<vmem>>)
      } else {
      }
      %jit3A_50 = arith.constant 25 : i32
      %eq3A_51 = arith.constant 0 : i32
      %eq3A_52 = arith.cmpi eq, %jit3A_50, %eq3A_51 : i32
      %jit3A_53 = arith.constant 1 : i32
      %select_n3A_54 = arith.select %eq3A_52, %jit3A_53, %jit3A_50 : i32
      %rem3A_55 = arith.remsi %scan3A_33, %select_n3A_54 : i32
      %ne3A_56 = arith.constant 0 : i32
      %ne3A_57 = arith.cmpi ne, %rem3A_55, %ne3A_56 : i32
      %lt3A_58 = arith.constant 0 : i32
      %lt3A_59 = arith.cmpi slt, %rem3A_55, %lt3A_58 : i32
      %lt3A_60 = arith.constant 0 : i32
      %lt3A_61 = arith.cmpi slt, %select_n3A_54, %lt3A_60 : i32
      %ne3A_62 = arith.xori %lt3A_59, %lt3A_61 : i1
      %and3A_63 = arith.andi %ne3A_62, %ne3A_57 : i1
      %add3A_64 = arith.addi %rem3A_55, %select_n3A_54 : i32
      %select_n3A_65 = arith.select %and3A_63, %add3A_64, %rem3A_55 : i32
      %mul3A_66 = arith.constant 80 : i32
      %mul3A_67 = arith.muli %select_n3A_65, %mul3A_66 : i32
      %multiple_of3A_68 = tpu.assume_multiple %mul3A_67, 8 : i32
      %dma_start3A = tpu.memref_slice %arg11[%multiple_of3A_68] : memref<2000xi32, #tpu.memory_space<vmem>> -> memref<80xi32, #tpu.memory_space<vmem>>
      %dma_start3A_69 = arith.constant 0 : i32
      %dma_start3A_70 = arith.constant 0 : i32
      %dma_start3A_71 = tpu.memref_slice %arg4[%dma_start3A_69, %dma_start3A_70] : memref<10000x128xf32, #tpu.memory_space<hbm>> -> memref<10000x128xf32, #tpu.memory_space<hbm>>
      tpu.enqueue_indirect_dma source(%dma_start3A_71 : memref<10000x128xf32, #tpu.memory_space<hbm>>) target(%arg14 : memref<80x128xf32, #tpu.memory_space<vmem>>) offsets(%dma_start3A : memref<80xi32, #tpu.memory_space<vmem>>) semaphore(%arg21 : memref<!tpu.dma_semaphore, #tpu.memory_space<semaphore_mem>>)
      %dma_start3A_72 = tpu.memref_slice %arg10[%multiple_of3A_68] : memref<2000xi32, #tpu.memory_space<vmem>> -> memref<80xi32, #tpu.memory_space<vmem>>
      %dma_start3A_73 = arith.constant 0 : i32
      %dma_start3A_74 = arith.constant 0 : i32
      %dma_start3A_75 = tpu.memref_slice %arg5[%dma_start3A_73, %dma_start3A_74] : memref<10000x128xf32, #tpu.memory_space<hbm>> -> memref<10000x128xf32, #tpu.memory_space<hbm>>
      tpu.enqueue_indirect_dma source(%dma_start3A_75 : memref<10000x128xf32, #tpu.memory_space<hbm>>) target(%arg15 : memref<80x128xf32, #tpu.memory_space<vmem>>) offsets(%dma_start3A_72 : memref<80xi32, #tpu.memory_space<vmem>>) semaphore(%arg21 : memref<!tpu.dma_semaphore, #tpu.memory_space<semaphore_mem>>)
      %dma_start3A_76 = arith.constant 0 : i32
      %dma_start3A_77 = tpu.memref_slice %arg6[%multiple_of3A_37, %dma_start3A_76] : memref<320000x128xf32, #tpu.memory_space<hbm>> -> memref<80x128xf32, #tpu.memory_space<hbm>>
      %dma_start3A_78 = arith.constant 0 : i32
      %dma_start3A_79 = tpu.memref_slice %arg6[%multiple_of3A_37, %dma_start3A_78] : memref<320000x128xf32, #tpu.memory_space<hbm>> -> memref<80x128xf32, #tpu.memory_space<hbm>>
      tpu.enqueue_dma source(%dma_start3A_79 : memref<80x128xf32, #tpu.memory_space<hbm>>) target(%arg16 : memref<80x128xf32, #tpu.memory_space<vmem>>) target_semaphore(%arg21 : memref<!tpu.dma_semaphore, #tpu.memory_space<semaphore_mem>>)
      %gt3A = arith.constant 0 : i32
      %gt3A_80 = arith.cmpi sgt, %scan3A_33, %gt3A : i32
      %convert_element_type3A_81 = arith.extui %gt3A_80 : i1 to i32
      %cond3A_82 = arith.constant 0 : i32
      %cond3A_83 = arith.cmpi ne, %convert_element_type3A_81, %cond3A_82 : i32
      scf.if %cond3A_83 {
        %dma_wait3A_223 = arith.constant 0 : i32
        %dma_wait3A_224 = arith.constant 0 : i32
        %dma_wait3A_225 = tpu.memref_slice %arg8[%dma_wait3A_223, %dma_wait3A_224] : memref<320000x16xf32, #tpu.memory_space<hbm>> -> memref<80x16xf32, #tpu.memory_space<hbm>>
        %dma_wait3A_226 = arith.constant 0 : i32
        %dma_wait3A_227 = arith.constant 0 : i32
        %dma_wait3A_228 = tpu.memref_slice %arg8[%dma_wait3A_226, %dma_wait3A_227] : memref<320000x16xf32, #tpu.memory_space<hbm>> -> memref<80x16xf32, #tpu.memory_space<hbm>>
        tpu.wait_dma2 semaphore(%arg23 : memref<!tpu.dma_semaphore, #tpu.memory_space<semaphore_mem>>) src(%arg18 : memref<80x16xf32, #tpu.memory_space<vmem>>) dst(%dma_wait3A_228 : memref<80x16xf32, #tpu.memory_space<hbm>>)
        %dma_wait3A_229 = arith.constant 0 : i32
        %dma_wait3A_230 = arith.constant 0 : i32
        %dma_wait3A_231 = tpu.memref_slice %arg7[%dma_wait3A_229, %dma_wait3A_230] : memref<160000x16xf32, #tpu.memory_space<hbm>> -> memref<40x16xf32, #tpu.memory_space<hbm>>
        %dma_wait3A_232 = arith.constant 0 : i32
        %dma_wait3A_233 = arith.constant 0 : i32
        %dma_wait3A_234 = tpu.memref_slice %arg7[%dma_wait3A_232, %dma_wait3A_233] : memref<160000x16xf32, #tpu.memory_space<hbm>> -> memref<40x16xf32, #tpu.memory_space<hbm>>
        tpu.wait_dma2 semaphore(%arg23 : memref<!tpu.dma_semaphore, #tpu.memory_space<semaphore_mem>>) src(%arg17 : memref<40x16xf32, #tpu.memory_space<vmem>>) dst(%dma_wait3A_234 : memref<40x16xf32, #tpu.memory_space<hbm>>)
      } else {
      }
      %add3A_84 = arith.constant 0 : i32
      %add3A_85 = arith.addi %multiple_of3A_68, %add3A_84 : i32
      %get3A = arith.index_cast %add3A_85 : i32 to index
      %get3A_86 = tpu.vector_load %arg11[%get3A] {strides = array<i32>} : memref<2000xi32, #tpu.memory_space<vmem>>, vector<16xi32>,
      %get3A_87 = vector.shape_cast %get3A_86 : vector<16xi32> to vector<16xi32>
      %shift_right_logical3A = arith.constant 3 : i32
      %shift_right_logical3A_88 = vector.broadcast %shift_right_logical3A : i32 to vector<16xi32>
      %shift_right_logical3A_89 = arith.shrui %get3A_87, %shift_right_logical3A_88 : vector<16xi32>
      %swap3A = arith.constant 0 : index
      %swap3A_90 = tpu.vector_load %arg12[%swap3A] {strides = array<i32>} : memref<80xi32, #tpu.memory_space<vmem>>, vector<16xi32>,
      %swap3A_91 = vector.shape_cast %swap3A_90 : vector<16xi32> to vector<16xi32>
      %swap3A_92 = vector.shape_cast %shift_right_logical3A_89 : vector<16xi32> to vector<16xi32>
      tpu.vector_store %arg12[%swap3A], %swap3A_92 {strides = array<i32>} : memref<80xi32, #tpu.memory_space<vmem>>, vector<16xi32>,
      %and3A_93 = arith.constant 7 : i32
      %and3A_94 = vector.broadcast %and3A_93 : i32 to vector<16xi32>
      %and3A_95 = arith.andi %get3A_87, %and3A_94 : vector<16xi32>
      %swap3A_96 = arith.constant 0 : index
      %swap3A_97 = tpu.vector_load %arg13[%swap3A_96] {strides = array<i32>} : memref<80xi32, #tpu.memory_space<vmem>>, vector<16xi32>,
      %swap3A_98 = vector.shape_cast %swap3A_97 : vector<16xi32> to vector<16xi32>
      %swap3A_99 = vector.shape_cast %and3A_95 : vector<16xi32> to vector<16xi32>
      tpu.vector_store %arg13[%swap3A_96], %swap3A_99 {strides = array<i32>} : memref<80xi32, #tpu.memory_space<vmem>>, vector<16xi32>,
      %add3A_100 = arith.constant 16 : i32
      %add3A_101 = arith.addi %multiple_of3A_68, %add3A_100 : i32
      %get3A_102 = arith.index_cast %add3A_101 : i32 to index
      %get3A_103 = tpu.vector_load %arg11[%get3A_102] {strides = array<i32>} : memref<2000xi32, #tpu.memory_space<vmem>>, vector<16xi32>,
      %get3A_104 = vector.shape_cast %get3A_103 : vector<16xi32> to vector<16xi32>
      %shift_right_logical3A_105 = arith.constant 3 : i32
      %shift_right_logical3A_106 = vector.broadcast %shift_right_logical3A_105 : i32 to vector<16xi32>
      %shift_right_logical3A_107 = arith.shrui %get3A_104, %shift_right_logical3A_106 : vector<16xi32>
      %swap3A_108 = arith.constant 16 : index
      %swap3A_109 = tpu.vector_load %arg12[%swap3A_108] {strides = array<i32>} : memref<80xi32, #tpu.memory_space<vmem>>, vector<16xi32>,
      %swap3A_110 = vector.shape_cast %swap3A_109 : vector<16xi32> to vector<16xi32>
      %swap3A_111 = vector.shape_cast %shift_right_logical3A_107 : vector<16xi32> to vector<16xi32>
      tpu.vector_store %arg12[%swap3A_108], %swap3A_111 {strides = array<i32>} : memref<80xi32, #tpu.memory_space<vmem>>, vector<16xi32>,
      %and3A_112 = arith.constant 7 : i32
      %and3A_113 = vector.broadcast %and3A_112 : i32 to vector<16xi32>
      %and3A_114 = arith.andi %get3A_104, %and3A_113 : vector<16xi32>
      %swap3A_115 = arith.constant 16 : index
      %swap3A_116 = tpu.vector_load %arg13[%swap3A_115] {strides = array<i32>} : memref<80xi32, #tpu.memory_space<vmem>>, vector<16xi32>,
      %swap3A_117 = vector.shape_cast %swap3A_116 : vector<16xi32> to vector<16xi32>
      %swap3A_118 = vector.shape_cast %and3A_114 : vector<16xi32> to vector<16xi32>
      tpu.vector_store %arg13[%swap3A_115], %swap3A_118 {strides = array<i32>} : memref<80xi32, #tpu.memory_space<vmem>>, vector<16xi32>,
      %add3A_119 = arith.constant 32 : i32
      %add3A_120 = arith.addi %multiple_of3A_68, %add3A_119 : i32
      %get3A_121 = arith.index_cast %add3A_120 : i32 to index
      %get3A_122 = tpu.vector_load %arg11[%get3A_121] {strides = array<i32>} : memref<2000xi32, #tpu.memory_space<vmem>>, vector<16xi32>,
      %get3A_123 = vector.shape_cast %get3A_122 : vector<16xi32> to vector<16xi32>
      %shift_right_logical3A_124 = arith.constant 3 : i32
      %shift_right_logical3A_125 = vector.broadcast %shift_right_logical3A_124 : i32 to vector<16xi32>
      %shift_right_logical3A_126 = arith.shrui %get3A_123, %shift_right_logical3A_125 : vector<16xi32>
      %swap3A_127 = arith.constant 32 : index
      %swap3A_128 = tpu.vector_load %arg12[%swap3A_127] {strides = array<i32>} : memref<80xi32, #tpu.memory_space<vmem>>, vector<16xi32>,
      %swap3A_129 = vector.shape_cast %swap3A_128 : vector<16xi32> to vector<16xi32>
      %swap3A_130 = vector.shape_cast %shift_right_logical3A_126 : vector<16xi32> to vector<16xi32>
      tpu.vector_store %arg12[%swap3A_127], %swap3A_130 {strides = array<i32>} : memref<80xi32, #tpu.memory_space<vmem>>, vector<16xi32>,
      %and3A_131 = arith.constant 7 : i32
      %and3A_132 = vector.broadcast %and3A_131 : i32 to vector<16xi32>
      %and3A_133 = arith.andi %get3A_123, %and3A_132 : vector<16xi32>
      %swap3A_134 = arith.constant 32 : index
      %swap3A_135 = tpu.vector_load %arg13[%swap3A_134] {strides = array<i32>} : memref<80xi32, #tpu.memory_space<vmem>>, vector<16xi32>,
      %swap3A_136 = vector.shape_cast %swap3A_135 : vector<16xi32> to vector<16xi32>
      %swap3A_137 = vector.shape_cast %and3A_133 : vector<16xi32> to vector<16xi32>
      tpu.vector_store %arg13[%swap3A_134], %swap3A_137 {strides = array<i32>} : memref<80xi32, #tpu.memory_space<vmem>>, vector<16xi32>,
      %add3A_138 = arith.constant 48 : i32
      %add3A_139 = arith.addi %multiple_of3A_68, %add3A_138 : i32
      %get3A_140 = arith.index_cast %add3A_139 : i32 to index
      %get3A_141 = tpu.vector_load %arg11[%get3A_140] {strides = array<i32>} : memref<2000xi32, #tpu.memory_space<vmem>>, vector<16xi32>,
      %get3A_142 = vector.shape_cast %get3A_141 : vector<16xi32> to vector<16xi32>
      %shift_right_logical3A_143 = arith.constant 3 : i32
      %shift_right_logical3A_144 = vector.broadcast %shift_right_logical3A_143 : i32 to vector<16xi32>
      %shift_right_logical3A_145 = arith.shrui %get3A_142, %shift_right_logical3A_144 : vector<16xi32>
      %swap3A_146 = arith.constant 48 : index
      %swap3A_147 = tpu.vector_load %arg12[%swap3A_146] {strides = array<i32>} : memref<80xi32, #tpu.memory_space<vmem>>, vector<16xi32>,
      %swap3A_148 = vector.shape_cast %swap3A_147 : vector<16xi32> to vector<16xi32>
      %swap3A_149 = vector.shape_cast %shift_right_logical3A_145 : vector<16xi32> to vector<16xi32>
      tpu.vector_store %arg12[%swap3A_146], %swap3A_149 {strides = array<i32>} : memref<80xi32, #tpu.memory_space<vmem>>, vector<16xi32>,
      %and3A_150 = arith.constant 7 : i32
      %and3A_151 = vector.broadcast %and3A_150 : i32 to vector<16xi32>
      %and3A_152 = arith.andi %get3A_142, %and3A_151 : vector<16xi32>
      %swap3A_153 = arith.constant 48 : index
      %swap3A_154 = tpu.vector_load %arg13[%swap3A_153] {strides = array<i32>} : memref<80xi32, #tpu.memory_space<vmem>>, vector<16xi32>,
      %swap3A_155 = vector.shape_cast %swap3A_154 : vector<16xi32> to vector<16xi32>
      %swap3A_156 = vector.shape_cast %and3A_152 : vector<16xi32> to vector<16xi32>
      tpu.vector_store %arg13[%swap3A_153], %swap3A_156 {strides = array<i32>} : memref<80xi32, #tpu.memory_space<vmem>>, vector<16xi32>,
      %add3A_157 = arith.constant 64 : i32
      %add3A_158 = arith.addi %multiple_of3A_68, %add3A_157 : i32
      %get3A_159 = arith.index_cast %add3A_158 : i32 to index
      %get3A_160 = tpu.vector_load %arg11[%get3A_159] {strides = array<i32>} : memref<2000xi32, #tpu.memory_space<vmem>>, vector<16xi32>,
      %get3A_161 = vector.shape_cast %get3A_160 : vector<16xi32> to vector<16xi32>
      %shift_right_logical3A_162 = arith.constant 3 : i32
      %shift_right_logical3A_163 = vector.broadcast %shift_right_logical3A_162 : i32 to vector<16xi32>
      %shift_right_logical3A_164 = arith.shrui %get3A_161, %shift_right_logical3A_163 : vector<16xi32>
      %swap3A_165 = arith.constant 64 : index
      %swap3A_166 = tpu.vector_load %arg12[%swap3A_165] {strides = array<i32>} : memref<80xi32, #tpu.memory_space<vmem>>, vector<16xi32>,
      %swap3A_167 = vector.shape_cast %swap3A_166 : vector<16xi32> to vector<16xi32>
      %swap3A_168 = vector.shape_cast %shift_right_logical3A_164 : vector<16xi32> to vector<16xi32>
      tpu.vector_store %arg12[%swap3A_165], %swap3A_168 {strides = array<i32>} : memref<80xi32, #tpu.memory_space<vmem>>, vector<16xi32>,
      %and3A_169 = arith.constant 7 : i32
      %and3A_170 = vector.broadcast %and3A_169 : i32 to vector<16xi32>
      %and3A_171 = arith.andi %get3A_161, %and3A_170 : vector<16xi32>
      %swap3A_172 = arith.constant 64 : index
      %swap3A_173 = tpu.vector_load %arg13[%swap3A_172] {strides = array<i32>} : memref<80xi32, #tpu.memory_space<vmem>>, vector<16xi32>,
      %swap3A_174 = vector.shape_cast %swap3A_173 : vector<16xi32> to vector<16xi32>
      %swap3A_175 = vector.shape_cast %and3A_171 : vector<16xi32> to vector<16xi32>
      tpu.vector_store %arg13[%swap3A_172], %swap3A_175 {strides = array<i32>} : memref<80xi32, #tpu.memory_space<vmem>>, vector<16xi32>,
      %dma_wait3A_176 = tpu.memref_slice %arg11[%multiple_of3A_68] : memref<2000xi32, #tpu.memory_space<vmem>> -> memref<80xi32, #tpu.memory_space<vmem>>
      %dma_wait3A_177 = arith.constant 0 : i32
      %dma_wait3A_178 = arith.constant 0 : i32
      %dma_wait3A_179 = tpu.memref_slice %arg4[%dma_wait3A_177, %dma_wait3A_178] : memref<10000x128xf32, #tpu.memory_space<hbm>> -> memref<10000x128xf32, #tpu.memory_space<hbm>>
      tpu.wait_indirect_dma semaphore(%arg21 : memref<!tpu.dma_semaphore, #tpu.memory_space<semaphore_mem>>) src(%dma_wait3A_179 : memref<10000x128xf32, #tpu.memory_space<hbm>>) dst(%arg14 : memref<80x128xf32, #tpu.memory_space<vmem>>)
      %dma_wait3A_180 = tpu.memref_slice %arg10[%multiple_of3A_68] : memref<2000xi32, #tpu.memory_space<vmem>> -> memref<80xi32, #tpu.memory_space<vmem>>
      %dma_wait3A_181 = arith.constant 0 : i32
      %dma_wait3A_182 = arith.constant 0 : i32
      %dma_wait3A_183 = tpu.memref_slice %arg5[%dma_wait3A_181, %dma_wait3A_182] : memref<10000x128xf32, #tpu.memory_space<hbm>> -> memref<10000x128xf32, #tpu.memory_space<hbm>>
      tpu.wait_indirect_dma semaphore(%arg21 : memref<!tpu.dma_semaphore, #tpu.memory_space<semaphore_mem>>) src(%dma_wait3A_183 : memref<10000x128xf32, #tpu.memory_space<hbm>>) dst(%arg15 : memref<80x128xf32, #tpu.memory_space<vmem>>)
      %dma_wait3A_184 = arith.constant 0 : i32
      %dma_wait3A_185 = tpu.memref_slice %arg6[%multiple_of3A_37, %dma_wait3A_184] : memref<320000x128xf32, #tpu.memory_space<hbm>> -> memref<80x128xf32, #tpu.memory_space<hbm>>
      %dma_wait3A_186 = arith.constant 0 : i32
      %dma_wait3A_187 = tpu.memref_slice %arg6[%multiple_of3A_37, %dma_wait3A_186] : memref<320000x128xf32, #tpu.memory_space<hbm>> -> memref<80x128xf32, #tpu.memory_space<hbm>>
      tpu.wait_dma2 semaphore(%arg21 : memref<!tpu.dma_semaphore, #tpu.memory_space<semaphore_mem>>) src(%dma_wait3A_187 : memref<80x128xf32, #tpu.memory_space<hbm>>) dst(%arg16 : memref<80x128xf32, #tpu.memory_space<vmem>>)
      %scan3A_188 = arith.constant 0 : i32
      %scan3A_189 = arith.constant 40 : i32
      %scan3A_190 = arith.addi %scan3A_188, %scan3A_189 : i32
      %scan3A_191 = arith.constant 1 : i32
      scf.for %scan3A_223 = %scan3A_188 to %scan3A_190 step %scan3A_191  : i32 {
        %mul3A_224 = arith.constant 2 : i32
        %mul3A_225 = arith.muli %mul3A_224, %scan3A_223 : i32
        %add3A_226 = arith.constant 1 : i32
        %add3A_227 = arith.addi %mul3A_225, %add3A_226 : i32
        %get3A_228 = arith.index_cast %mul3A_225 : i32 to index
        %get3A_229 = arith.constant 0 : index
        %get3A_230 = tpu.vector_load %arg14[%get3A_228, %get3A_229] {strides = array<i32>} : memref<80x128xf32, #tpu.memory_space<vmem>>, vector<1x16xf32>,
        %get3A_231 = vector.shape_cast %get3A_230 : vector<1x16xf32> to vector<16xf32>
        %get3A_232 = arith.index_cast %mul3A_225 : i32 to index
        %get3A_233 = arith.constant 0 : index
        %get3A_234 = tpu.vector_load %arg15[%get3A_232, %get3A_233] {strides = array<i32>} : memref<80x128xf32, #tpu.memory_space<vmem>>, vector<1x16xf32>,
        %get3A_235 = vector.shape_cast %get3A_234 : vector<1x16xf32> to vector<16xf32>
        %mul3A_236 = arith.mulf %get3A_231, %get3A_235 : vector<16xf32>
        %get3A_237 = arith.index_cast %mul3A_225 : i32 to index
        %get3A_238 = arith.constant 0 : index
        %get3A_239 = tpu.vector_load %arg16[%get3A_237, %get3A_238] {strides = array<i32>} : memref<80x128xf32, #tpu.memory_space<vmem>>, vector<1x16xf32>,
        %get3A_240 = vector.shape_cast %get3A_239 : vector<1x16xf32> to vector<16xf32>
        %mul3A_241 = arith.mulf %mul3A_236, %get3A_240 : vector<16xf32>
        %get3A_242 = arith.index_cast %mul3A_225 : i32 to index
        %get3A_243 = arith.constant 16 : index
        %get3A_244 = tpu.vector_load %arg14[%get3A_242, %get3A_243] {strides = array<i32>} : memref<80x128xf32, #tpu.memory_space<vmem>>, vector<1x16xf32>,
        %get3A_245 = vector.shape_cast %get3A_244 : vector<1x16xf32> to vector<16xf32>
        %get3A_246 = arith.index_cast %mul3A_225 : i32 to index
        %get3A_247 = arith.constant 16 : index
        %get3A_248 = tpu.vector_load %arg15[%get3A_246, %get3A_247] {strides = array<i32>} : memref<80x128xf32, #tpu.memory_space<vmem>>, vector<1x16xf32>,
        %get3A_249 = vector.shape_cast %get3A_248 : vector<1x16xf32> to vector<16xf32>
        %mul3A_250 = arith.mulf %get3A_245, %get3A_249 : vector<16xf32>
        %get3A_251 = arith.index_cast %mul3A_225 : i32 to index
        %get3A_252 = arith.constant 16 : index
        %get3A_253 = tpu.vector_load %arg16[%get3A_251, %get3A_252] {strides = array<i32>} : memref<80x128xf32, #tpu.memory_space<vmem>>, vector<1x16xf32>,
        %get3A_254 = vector.shape_cast %get3A_253 : vector<1x16xf32> to vector<16xf32>
        %mul3A_255 = arith.mulf %mul3A_250, %get3A_254 : vector<16xf32>
        %get3A_256 = arith.index_cast %mul3A_225 : i32 to index
        %get3A_257 = arith.constant 32 : index
        %get3A_258 = tpu.vector_load %arg14[%get3A_256, %get3A_257] {strides = array<i32>} : memref<80x128xf32, #tpu.memory_space<vmem>>, vector<1x16xf32>,
        %get3A_259 = vector.shape_cast %get3A_258 : vector<1x16xf32> to vector<16xf32>
        %get3A_260 = arith.index_cast %mul3A_225 : i32 to index
        %get3A_261 = arith.constant 32 : index
        %get3A_262 = tpu.vector_load %arg15[%get3A_260, %get3A_261] {strides = array<i32>} : memref<80x128xf32, #tpu.memory_space<vmem>>, vector<1x16xf32>,
        %get3A_263 = vector.shape_cast %get3A_262 : vector<1x16xf32> to vector<16xf32>
        %mul3A_264 = arith.mulf %get3A_259, %get3A_263 : vector<16xf32>
        %get3A_265 = arith.index_cast %mul3A_225 : i32 to index
        %get3A_266 = arith.constant 32 : index
        %get3A_267 = tpu.vector_load %arg16[%get3A_265, %get3A_266] {strides = array<i32>} : memref<80x128xf32, #tpu.memory_space<vmem>>, vector<1x16xf32>,
        %get3A_268 = vector.shape_cast %get3A_267 : vector<1x16xf32> to vector<16xf32>
        %mul3A_269 = arith.mulf %mul3A_264, %get3A_268 : vector<16xf32>
        %get3A_270 = arith.index_cast %mul3A_225 : i32 to index
        %get3A_271 = arith.constant 48 : index
        %get3A_272 = tpu.vector_load %arg14[%get3A_270, %get3A_271] {strides = array<i32>} : memref<80x128xf32, #tpu.memory_space<vmem>>, vector<1x16xf32>,
        %get3A_273 = vector.shape_cast %get3A_272 : vector<1x16xf32> to vector<16xf32>
        %get3A_274 = arith.index_cast %mul3A_225 : i32 to index
        %get3A_275 = arith.constant 48 : index
        %get3A_276 = tpu.vector_load %arg15[%get3A_274, %get3A_275] {strides = array<i32>} : memref<80x128xf32, #tpu.memory_space<vmem>>, vector<1x16xf32>,
        %get3A_277 = vector.shape_cast %get3A_276 : vector<1x16xf32> to vector<16xf32>
        %mul3A_278 = arith.mulf %get3A_273, %get3A_277 : vector<16xf32>
        %get3A_279 = arith.index_cast %mul3A_225 : i32 to index
        %get3A_280 = arith.constant 48 : index
        %get3A_281 = tpu.vector_load %arg16[%get3A_279, %get3A_280] {strides = array<i32>} : memref<80x128xf32, #tpu.memory_space<vmem>>, vector<1x16xf32>,
        %get3A_282 = vector.shape_cast %get3A_281 : vector<1x16xf32> to vector<16xf32>
        %mul3A_283 = arith.mulf %mul3A_278, %get3A_282 : vector<16xf32>
        %get3A_284 = arith.index_cast %mul3A_225 : i32 to index
        %get3A_285 = arith.constant 64 : index
        %get3A_286 = tpu.vector_load %arg14[%get3A_284, %get3A_285] {strides = array<i32>} : memref<80x128xf32, #tpu.memory_space<vmem>>, vector<1x16xf32>,
        %get3A_287 = vector.shape_cast %get3A_286 : vector<1x16xf32> to vector<16xf32>
        %get3A_288 = arith.index_cast %mul3A_225 : i32 to index
        %get3A_289 = arith.constant 64 : index
        %get3A_290 = tpu.vector_load %arg15[%get3A_288, %get3A_289] {strides = array<i32>} : memref<80x128xf32, #tpu.memory_space<vmem>>, vector<1x16xf32>,
        %get3A_291 = vector.shape_cast %get3A_290 : vector<1x16xf32> to vector<16xf32>
        %mul3A_292 = arith.mulf %get3A_287, %get3A_291 : vector<16xf32>
        %get3A_293 = arith.index_cast %mul3A_225 : i32 to index
        %get3A_294 = arith.constant 64 : index
        %get3A_295 = tpu.vector_load %arg16[%get3A_293, %get3A_294] {strides = array<i32>} : memref<80x128xf32, #tpu.memory_space<vmem>>, vector<1x16xf32>,
        %get3A_296 = vector.shape_cast %get3A_295 : vector<1x16xf32> to vector<16xf32>
        %mul3A_297 = arith.mulf %mul3A_292, %get3A_296 : vector<16xf32>
        %get3A_298 = arith.index_cast %mul3A_225 : i32 to index
        %get3A_299 = arith.constant 80 : index
        %get3A_300 = tpu.vector_load %arg14[%get3A_298, %get3A_299] {strides = array<i32>} : memref<80x128xf32, #tpu.memory_space<vmem>>, vector<1x16xf32>,
        %get3A_301 = vector.shape_cast %get3A_300 : vector<1x16xf32> to vector<16xf32>
        %get3A_302 = arith.index_cast %mul3A_225 : i32 to index
        %get3A_303 = arith.constant 80 : index
        %get3A_304 = tpu.vector_load %arg15[%get3A_302, %get3A_303] {strides = array<i32>} : memref<80x128xf32, #tpu.memory_space<vmem>>, vector<1x16xf32>,
        %get3A_305 = vector.shape_cast %get3A_304 : vector<1x16xf32> to vector<16xf32>
        %mul3A_306 = arith.mulf %get3A_301, %get3A_305 : vector<16xf32>
        %get3A_307 = arith.index_cast %mul3A_225 : i32 to index
        %get3A_308 = arith.constant 80 : index
        %get3A_309 = tpu.vector_load %arg16[%get3A_307, %get3A_308] {strides = array<i32>} : memref<80x128xf32, #tpu.memory_space<vmem>>, vector<1x16xf32>,
        %get3A_310 = vector.shape_cast %get3A_309 : vector<1x16xf32> to vector<16xf32>
        %mul3A_311 = arith.mulf %mul3A_306, %get3A_310 : vector<16xf32>
        %get3A_312 = arith.index_cast %mul3A_225 : i32 to index
        %get3A_313 = arith.constant 96 : index
        %get3A_314 = tpu.vector_load %arg14[%get3A_312, %get3A_313] {strides = array<i32>} : memref<80x128xf32, #tpu.memory_space<vmem>>, vector<1x16xf32>,
        %get3A_315 = vector.shape_cast %get3A_314 : vector<1x16xf32> to vector<16xf32>
        %get3A_316 = arith.index_cast %mul3A_225 : i32 to index
        %get3A_317 = arith.constant 96 : index
        %get3A_318 = tpu.vector_load %arg15[%get3A_316, %get3A_317] {strides = array<i32>} : memref<80x128xf32, #tpu.memory_space<vmem>>, vector<1x16xf32>,
        %get3A_319 = vector.shape_cast %get3A_318 : vector<1x16xf32> to vector<16xf32>
        %mul3A_320 = arith.mulf %get3A_315, %get3A_319 : vector<16xf32>
        %get3A_321 = arith.index_cast %mul3A_225 : i32 to index
        %get3A_322 = arith.constant 96 : index
        %get3A_323 = tpu.vector_load %arg16[%get3A_321, %get3A_322] {strides = array<i32>} : memref<80x128xf32, #tpu.memory_space<vmem>>, vector<1x16xf32>,
        %get3A_324 = vector.shape_cast %get3A_323 : vector<1x16xf32> to vector<16xf32>
        %mul3A_325 = arith.mulf %mul3A_320, %get3A_324 : vector<16xf32>
        %get3A_326 = arith.index_cast %mul3A_225 : i32 to index
        %get3A_327 = arith.constant 112 : index
        %get3A_328 = tpu.vector_load %arg14[%get3A_326, %get3A_327] {strides = array<i32>} : memref<80x128xf32, #tpu.memory_space<vmem>>, vector<1x16xf32>,
        %get3A_329 = vector.shape_cast %get3A_328 : vector<1x16xf32> to vector<16xf32>
        %get3A_330 = arith.index_cast %mul3A_225 : i32 to index
        %get3A_331 = arith.constant 112 : index
        %get3A_332 = tpu.vector_load %arg15[%get3A_330, %get3A_331] {strides = array<i32>} : memref<80x128xf32, #tpu.memory_space<vmem>>, vector<1x16xf32>,
        %get3A_333 = vector.shape_cast %get3A_332 : vector<1x16xf32> to vector<16xf32>
        %mul3A_334 = arith.mulf %get3A_329, %get3A_333 : vector<16xf32>
        %get3A_335 = arith.index_cast %mul3A_225 : i32 to index
        %get3A_336 = arith.constant 112 : index
        %get3A_337 = tpu.vector_load %arg16[%get3A_335, %get3A_336] {strides = array<i32>} : memref<80x128xf32, #tpu.memory_space<vmem>>, vector<1x16xf32>,
        %get3A_338 = vector.shape_cast %get3A_337 : vector<1x16xf32> to vector<16xf32>
        %mul3A_339 = arith.mulf %mul3A_334, %get3A_338 : vector<16xf32>
        %get3A_340 = arith.index_cast %add3A_227 : i32 to index
        %get3A_341 = arith.constant 0 : index
        %get3A_342 = tpu.vector_load %arg14[%get3A_340, %get3A_341] {strides = array<i32>} : memref<80x128xf32, #tpu.memory_space<vmem>>, vector<1x16xf32>,
        %get3A_343 = vector.shape_cast %get3A_342 : vector<1x16xf32> to vector<16xf32>
        %get3A_344 = arith.index_cast %add3A_227 : i32 to index
        %get3A_345 = arith.constant 0 : index
        %get3A_346 = tpu.vector_load %arg15[%get3A_344, %get3A_345] {strides = array<i32>} : memref<80x128xf32, #tpu.memory_space<vmem>>, vector<1x16xf32>,
        %get3A_347 = vector.shape_cast %get3A_346 : vector<1x16xf32> to vector<16xf32>
        %mul3A_348 = arith.mulf %get3A_343, %get3A_347 : vector<16xf32>
        %get3A_349 = arith.index_cast %add3A_227 : i32 to index
        %get3A_350 = arith.constant 0 : index
        %get3A_351 = tpu.vector_load %arg16[%get3A_349, %get3A_350] {strides = array<i32>} : memref<80x128xf32, #tpu.memory_space<vmem>>, vector<1x16xf32>,
        %get3A_352 = vector.shape_cast %get3A_351 : vector<1x16xf32> to vector<16xf32>
        %mul3A_353 = arith.mulf %mul3A_348, %get3A_352 : vector<16xf32>
        %get3A_354 = arith.index_cast %add3A_227 : i32 to index
        %get3A_355 = arith.constant 16 : index
        %get3A_356 = tpu.vector_load %arg14[%get3A_354, %get3A_355] {strides = array<i32>} : memref<80x128xf32, #tpu.memory_space<vmem>>, vector<1x16xf32>,
        %get3A_357 = vector.shape_cast %get3A_356 : vector<1x16xf32> to vector<16xf32>
        %get3A_358 = arith.index_cast %add3A_227 : i32 to index
        %get3A_359 = arith.constant 16 : index
        %get3A_360 = tpu.vector_load %arg15[%get3A_358, %get3A_359] {strides = array<i32>} : memref<80x128xf32, #tpu.memory_space<vmem>>, vector<1x16xf32>,
        %get3A_361 = vector.shape_cast %get3A_360 : vector<1x16xf32> to vector<16xf32>
        %mul3A_362 = arith.mulf %get3A_357, %get3A_361 : vector<16xf32>
        %get3A_363 = arith.index_cast %add3A_227 : i32 to index
        %get3A_364 = arith.constant 16 : index
        %get3A_365 = tpu.vector_load %arg16[%get3A_363, %get3A_364] {strides = array<i32>} : memref<80x128xf32, #tpu.memory_space<vmem>>, vector<1x16xf32>,
        %get3A_366 = vector.shape_cast %get3A_365 : vector<1x16xf32> to vector<16xf32>
        %mul3A_367 = arith.mulf %mul3A_362, %get3A_366 : vector<16xf32>
        %get3A_368 = arith.index_cast %add3A_227 : i32 to index
        %get3A_369 = arith.constant 32 : index
        %get3A_370 = tpu.vector_load %arg14[%get3A_368, %get3A_369] {strides = array<i32>} : memref<80x128xf32, #tpu.memory_space<vmem>>, vector<1x16xf32>,
        %get3A_371 = vector.shape_cast %get3A_370 : vector<1x16xf32> to vector<16xf32>
        %get3A_372 = arith.index_cast %add3A_227 : i32 to index
        %get3A_373 = arith.constant 32 : index
        %get3A_374 = tpu.vector_load %arg15[%get3A_372, %get3A_373] {strides = array<i32>} : memref<80x128xf32, #tpu.memory_space<vmem>>, vector<1x16xf32>,
        %get3A_375 = vector.shape_cast %get3A_374 : vector<1x16xf32> to vector<16xf32>
        %mul3A_376 = arith.mulf %get3A_371, %get3A_375 : vector<16xf32>
        %get3A_377 = arith.index_cast %add3A_227 : i32 to index
        %get3A_378 = arith.constant 32 : index
        %get3A_379 = tpu.vector_load %arg16[%get3A_377, %get3A_378] {strides = array<i32>} : memref<80x128xf32, #tpu.memory_space<vmem>>, vector<1x16xf32>,
        %get3A_380 = vector.shape_cast %get3A_379 : vector<1x16xf32> to vector<16xf32>
        %mul3A_381 = arith.mulf %mul3A_376, %get3A_380 : vector<16xf32>
        %get3A_382 = arith.index_cast %add3A_227 : i32 to index
        %get3A_383 = arith.constant 48 : index
        %get3A_384 = tpu.vector_load %arg14[%get3A_382, %get3A_383] {strides = array<i32>} : memref<80x128xf32, #tpu.memory_space<vmem>>, vector<1x16xf32>,
        %get3A_385 = vector.shape_cast %get3A_384 : vector<1x16xf32> to vector<16xf32>
        %get3A_386 = arith.index_cast %add3A_227 : i32 to index
        %get3A_387 = arith.constant 48 : index
        %get3A_388 = tpu.vector_load %arg15[%get3A_386, %get3A_387] {strides = array<i32>} : memref<80x128xf32, #tpu.memory_space<vmem>>, vector<1x16xf32>,
        %get3A_389 = vector.shape_cast %get3A_388 : vector<1x16xf32> to vector<16xf32>
        %mul3A_390 = arith.mulf %get3A_385, %get3A_389 : vector<16xf32>
        %get3A_391 = arith.index_cast %add3A_227 : i32 to index
        %get3A_392 = arith.constant 48 : index
        %get3A_393 = tpu.vector_load %arg16[%get3A_391, %get3A_392] {strides = array<i32>} : memref<80x128xf32, #tpu.memory_space<vmem>>, vector<1x16xf32>,
        %get3A_394 = vector.shape_cast %get3A_393 : vector<1x16xf32> to vector<16xf32>
        %mul3A_395 = arith.mulf %mul3A_390, %get3A_394 : vector<16xf32>
        %get3A_396 = arith.index_cast %add3A_227 : i32 to index
        %get3A_397 = arith.constant 64 : index
        %get3A_398 = tpu.vector_load %arg14[%get3A_396, %get3A_397] {strides = array<i32>} : memref<80x128xf32, #tpu.memory_space<vmem>>, vector<1x16xf32>,
        %get3A_399 = vector.shape_cast %get3A_398 : vector<1x16xf32> to vector<16xf32>
        %get3A_400 = arith.index_cast %add3A_227 : i32 to index
        %get3A_401 = arith.constant 64 : index
        %get3A_402 = tpu.vector_load %arg15[%get3A_400, %get3A_401] {strides = array<i32>} : memref<80x128xf32, #tpu.memory_space<vmem>>, vector<1x16xf32>,
        %get3A_403 = vector.shape_cast %get3A_402 : vector<1x16xf32> to vector<16xf32>
        %mul3A_404 = arith.mulf %get3A_399, %get3A_403 : vector<16xf32>
        %get3A_405 = arith.index_cast %add3A_227 : i32 to index
        %get3A_406 = arith.constant 64 : index
        %get3A_407 = tpu.vector_load %arg16[%get3A_405, %get3A_406] {strides = array<i32>} : memref<80x128xf32, #tpu.memory_space<vmem>>, vector<1x16xf32>,
        %get3A_408 = vector.shape_cast %get3A_407 : vector<1x16xf32> to vector<16xf32>
        %mul3A_409 = arith.mulf %mul3A_404, %get3A_408 : vector<16xf32>
        %get3A_410 = arith.index_cast %add3A_227 : i32 to index
        %get3A_411 = arith.constant 80 : index
        %get3A_412 = tpu.vector_load %arg14[%get3A_410, %get3A_411] {strides = array<i32>} : memref<80x128xf32, #tpu.memory_space<vmem>>, vector<1x16xf32>,
        %get3A_413 = vector.shape_cast %get3A_412 : vector<1x16xf32> to vector<16xf32>
        %get3A_414 = arith.index_cast %add3A_227 : i32 to index
        %get3A_415 = arith.constant 80 : index
        %get3A_416 = tpu.vector_load %arg15[%get3A_414, %get3A_415] {strides = array<i32>} : memref<80x128xf32, #tpu.memory_space<vmem>>, vector<1x16xf32>,
        %get3A_417 = vector.shape_cast %get3A_416 : vector<1x16xf32> to vector<16xf32>
        %mul3A_418 = arith.mulf %get3A_413, %get3A_417 : vector<16xf32>
        %get3A_419 = arith.index_cast %add3A_227 : i32 to index
        %get3A_420 = arith.constant 80 : index
        %get3A_421 = tpu.vector_load %arg16[%get3A_419, %get3A_420] {strides = array<i32>} : memref<80x128xf32, #tpu.memory_space<vmem>>, vector<1x16xf32>,
        %get3A_422 = vector.shape_cast %get3A_421 : vector<1x16xf32> to vector<16xf32>
        %mul3A_423 = arith.mulf %mul3A_418, %get3A_422 : vector<16xf32>
        %get3A_424 = arith.index_cast %add3A_227 : i32 to index
        %get3A_425 = arith.constant 96 : index
        %get3A_426 = tpu.vector_load %arg14[%get3A_424, %get3A_425] {strides = array<i32>} : memref<80x128xf32, #tpu.memory_space<vmem>>, vector<1x16xf32>,
        %get3A_427 = vector.shape_cast %get3A_426 : vector<1x16xf32> to vector<16xf32>
        %get3A_428 = arith.index_cast %add3A_227 : i32 to index
        %get3A_429 = arith.constant 96 : index
        %get3A_430 = tpu.vector_load %arg15[%get3A_428, %get3A_429] {strides = array<i32>} : memref<80x128xf32, #tpu.memory_space<vmem>>, vector<1x16xf32>,
        %get3A_431 = vector.shape_cast %get3A_430 : vector<1x16xf32> to vector<16xf32>
        %mul3A_432 = arith.mulf %get3A_427, %get3A_431 : vector<16xf32>
        %get3A_433 = arith.index_cast %add3A_227 : i32 to index
        %get3A_434 = arith.constant 96 : index
        %get3A_435 = tpu.vector_load %arg16[%get3A_433, %get3A_434] {strides = array<i32>} : memref<80x128xf32, #tpu.memory_space<vmem>>, vector<1x16xf32>,
        %get3A_436 = vector.shape_cast %get3A_435 : vector<1x16xf32> to vector<16xf32>
        %mul3A_437 = arith.mulf %mul3A_432, %get3A_436 : vector<16xf32>
        %get3A_438 = arith.index_cast %add3A_227 : i32 to index
        %get3A_439 = arith.constant 112 : index
        %get3A_440 = tpu.vector_load %arg14[%get3A_438, %get3A_439] {strides = array<i32>} : memref<80x128xf32, #tpu.memory_space<vmem>>, vector<1x16xf32>,
        %get3A_441 = vector.shape_cast %get3A_440 : vector<1x16xf32> to vector<16xf32>
        %get3A_442 = arith.index_cast %add3A_227 : i32 to index
        %get3A_443 = arith.constant 112 : index
        %get3A_444 = tpu.vector_load %arg15[%get3A_442, %get3A_443] {strides = array<i32>} : memref<80x128xf32, #tpu.memory_space<vmem>>, vector<1x16xf32>,
        %get3A_445 = vector.shape_cast %get3A_444 : vector<1x16xf32> to vector<16xf32>
        %mul3A_446 = arith.mulf %get3A_441, %get3A_445 : vector<16xf32>
        %get3A_447 = arith.index_cast %add3A_227 : i32 to index
        %get3A_448 = arith.constant 112 : index
        %get3A_449 = tpu.vector_load %arg16[%get3A_447, %get3A_448] {strides = array<i32>} : memref<80x128xf32, #tpu.memory_space<vmem>>, vector<1x16xf32>,
        %get3A_450 = vector.shape_cast %get3A_449 : vector<1x16xf32> to vector<16xf32>
        %mul3A_451 = arith.mulf %mul3A_446, %get3A_450 : vector<16xf32>
        %iota3A_452 = tpu.iota {dimensions = array<i32: 0>} : vector<16xi32>
        %and3A_453 = arith.constant 1 : i32
        %and3A_454 = vector.broadcast %and3A_453 : i32 to vector<16xi32>
        %and3A_455 = arith.andi %iota3A_452, %and3A_454 : vector<16xi32>
        %eq3A_456 = arith.constant 0 : i32
        %eq3A_457 = vector.broadcast %eq3A_456 : i32 to vector<16xi32>
        %eq3A_458 = arith.cmpi eq, %and3A_455, %eq3A_457 : vector<16xi32>
        %select_n3A_459 = arith.select %eq3A_458, %mul3A_241, %mul3A_255 : vector<16xi1>, vector<16xf32>
        %select_n3A_460 = arith.select %eq3A_458, %mul3A_255, %mul3A_241 : vector<16xi1>, vector<16xf32>
        %xor3A = arith.constant 1 : i32
        %xor3A_461 = vector.broadcast %xor3A : i32 to vector<16xi32>
        %xor3A_462 = arith.xori %iota3A_452, %xor3A_461 : vector<16xi32>
        %broadcast_in_dim3A_463 = vector.shape_cast %xor3A_462 : vector<16xi32> to vector<16x1xi32>
        %gather3A = vector.shape_cast %broadcast_in_dim3A_463 : vector<16x1xi32> to vector<16xi32>
        %gather3A_464 = tpu.dynamic_gather %select_n3A_460[%gather3A] in [0] : vector<16xf32>, vector<16xi32> -> vector<16xf32>
        %add3A_465 = arith.addf %select_n3A_459, %gather3A_464 : vector<16xf32>
        %iota3A_466 = tpu.iota {dimensions = array<i32: 0>} : vector<16xi32>
        %and3A_467 = arith.constant 1 : i32
        %and3A_468 = vector.broadcast %and3A_467 : i32 to vector<16xi32>
        %and3A_469 = arith.andi %iota3A_466, %and3A_468 : vector<16xi32>
        %eq3A_470 = arith.constant 0 : i32
        %eq3A_471 = vector.broadcast %eq3A_470 : i32 to vector<16xi32>
        %eq3A_472 = arith.cmpi eq, %and3A_469, %eq3A_471 : vector<16xi32>
        %select_n3A_473 = arith.select %eq3A_472, %mul3A_269, %mul3A_283 : vector<16xi1>, vector<16xf32>
        %select_n3A_474 = arith.select %eq3A_472, %mul3A_283, %mul3A_269 : vector<16xi1>, vector<16xf32>
        %xor3A_475 = arith.constant 1 : i32
        %xor3A_476 = vector.broadcast %xor3A_475 : i32 to vector<16xi32>
        %xor3A_477 = arith.xori %iota3A_466, %xor3A_476 : vector<16xi32>
        %broadcast_in_dim3A_478 = vector.shape_cast %xor3A_477 : vector<16xi32> to vector<16x1xi32>
        %gather3A_479 = vector.shape_cast %broadcast_in_dim3A_478 : vector<16x1xi32> to vector<16xi32>
        %gather3A_480 = tpu.dynamic_gather %select_n3A_474[%gather3A_479] in [0] : vector<16xf32>, vector<16xi32> -> vector<16xf32>
        %add3A_481 = arith.addf %select_n3A_473, %gather3A_480 : vector<16xf32>
        %iota3A_482 = tpu.iota {dimensions = array<i32: 0>} : vector<16xi32>
        %and3A_483 = arith.constant 1 : i32
        %and3A_484 = vector.broadcast %and3A_483 : i32 to vector<16xi32>
        %and3A_485 = arith.andi %iota3A_482, %and3A_484 : vector<16xi32>
        %eq3A_486 = arith.constant 0 : i32
        %eq3A_487 = vector.broadcast %eq3A_486 : i32 to vector<16xi32>
        %eq3A_488 = arith.cmpi eq, %and3A_485, %eq3A_487 : vector<16xi32>
        %select_n3A_489 = arith.select %eq3A_488, %mul3A_297, %mul3A_311 : vector<16xi1>, vector<16xf32>
        %select_n3A_490 = arith.select %eq3A_488, %mul3A_311, %mul3A_297 : vector<16xi1>, vector<16xf32>
        %xor3A_491 = arith.constant 1 : i32
        %xor3A_492 = vector.broadcast %xor3A_491 : i32 to vector<16xi32>
        %xor3A_493 = arith.xori %iota3A_482, %xor3A_492 : vector<16xi32>
        %broadcast_in_dim3A_494 = vector.shape_cast %xor3A_493 : vector<16xi32> to vector<16x1xi32>
        %gather3A_495 = vector.shape_cast %broadcast_in_dim3A_494 : vector<16x1xi32> to vector<16xi32>
        %gather3A_496 = tpu.dynamic_gather %select_n3A_490[%gather3A_495] in [0] : vector<16xf32>, vector<16xi32> -> vector<16xf32>
        %add3A_497 = arith.addf %select_n3A_489, %gather3A_496 : vector<16xf32>
        %iota3A_498 = tpu.iota {dimensions = array<i32: 0>} : vector<16xi32>
        %and3A_499 = arith.constant 1 : i32
        %and3A_500 = vector.broadcast %and3A_499 : i32 to vector<16xi32>
        %and3A_501 = arith.andi %iota3A_498, %and3A_500 : vector<16xi32>
        %eq3A_502 = arith.constant 0 : i32
        %eq3A_503 = vector.broadcast %eq3A_502 : i32 to vector<16xi32>
        %eq3A_504 = arith.cmpi eq, %and3A_501, %eq3A_503 : vector<16xi32>
        %select_n3A_505 = arith.select %eq3A_504, %mul3A_325, %mul3A_339 : vector<16xi1>, vector<16xf32>
        %select_n3A_506 = arith.select %eq3A_504, %mul3A_339, %mul3A_325 : vector<16xi1>, vector<16xf32>
        %xor3A_507 = arith.constant 1 : i32
        %xor3A_508 = vector.broadcast %xor3A_507 : i32 to vector<16xi32>
        %xor3A_509 = arith.xori %iota3A_498, %xor3A_508 : vector<16xi32>
        %broadcast_in_dim3A_510 = vector.shape_cast %xor3A_509 : vector<16xi32> to vector<16x1xi32>
        %gather3A_511 = vector.shape_cast %broadcast_in_dim3A_510 : vector<16x1xi32> to vector<16xi32>
        %gather3A_512 = tpu.dynamic_gather %select_n3A_506[%gather3A_511] in [0] : vector<16xf32>, vector<16xi32> -> vector<16xf32>
        %add3A_513 = arith.addf %select_n3A_505, %gather3A_512 : vector<16xf32>
        %iota3A_514 = tpu.iota {dimensions = array<i32: 0>} : vector<16xi32>
        %and3A_515 = arith.constant 1 : i32
        %and3A_516 = vector.broadcast %and3A_515 : i32 to vector<16xi32>
        %and3A_517 = arith.andi %iota3A_514, %and3A_516 : vector<16xi32>
        %eq3A_518 = arith.constant 0 : i32
        %eq3A_519 = vector.broadcast %eq3A_518 : i32 to vector<16xi32>
        %eq3A_520 = arith.cmpi eq, %and3A_517, %eq3A_519 : vector<16xi32>
        %select_n3A_521 = arith.select %eq3A_520, %mul3A_353, %mul3A_367 : vector<16xi1>, vector<16xf32>
        %select_n3A_522 = arith.select %eq3A_520, %mul3A_367, %mul3A_353 : vector<16xi1>, vector<16xf32>
        %xor3A_523 = arith.constant 1 : i32
        %xor3A_524 = vector.broadcast %xor3A_523 : i32 to vector<16xi32>
        %xor3A_525 = arith.xori %iota3A_514, %xor3A_524 : vector<16xi32>
        %broadcast_in_dim3A_526 = vector.shape_cast %xor3A_525 : vector<16xi32> to vector<16x1xi32>
        %gather3A_527 = vector.shape_cast %broadcast_in_dim3A_526 : vector<16x1xi32> to vector<16xi32>
        %gather3A_528 = tpu.dynamic_gather %select_n3A_522[%gather3A_527] in [0] : vector<16xf32>, vector<16xi32> -> vector<16xf32>
        %add3A_529 = arith.addf %select_n3A_521, %gather3A_528 : vector<16xf32>
        %iota3A_530 = tpu.iota {dimensions = array<i32: 0>} : vector<16xi32>
        %and3A_531 = arith.constant 1 : i32
        %and3A_532 = vector.broadcast %and3A_531 : i32 to vector<16xi32>
        %and3A_533 = arith.andi %iota3A_530, %and3A_532 : vector<16xi32>
        %eq3A_534 = arith.constant 0 : i32
        %eq3A_535 = vector.broadcast %eq3A_534 : i32 to vector<16xi32>
        %eq3A_536 = arith.cmpi eq, %and3A_533, %eq3A_535 : vector<16xi32>
        %select_n3A_537 = arith.select %eq3A_536, %mul3A_381, %mul3A_395 : vector<16xi1>, vector<16xf32>
        %select_n3A_538 = arith.select %eq3A_536, %mul3A_395, %mul3A_381 : vector<16xi1>, vector<16xf32>
        %xor3A_539 = arith.constant 1 : i32
        %xor3A_540 = vector.broadcast %xor3A_539 : i32 to vector<16xi32>
        %xor3A_541 = arith.xori %iota3A_530, %xor3A_540 : vector<16xi32>
        %broadcast_in_dim3A_542 = vector.shape_cast %xor3A_541 : vector<16xi32> to vector<16x1xi32>
        %gather3A_543 = vector.shape_cast %broadcast_in_dim3A_542 : vector<16x1xi32> to vector<16xi32>
        %gather3A_544 = tpu.dynamic_gather %select_n3A_538[%gather3A_543] in [0] : vector<16xf32>, vector<16xi32> -> vector<16xf32>
        %add3A_545 = arith.addf %select_n3A_537, %gather3A_544 : vector<16xf32>
        %iota3A_546 = tpu.iota {dimensions = array<i32: 0>} : vector<16xi32>
        %and3A_547 = arith.constant 1 : i32
        %and3A_548 = vector.broadcast %and3A_547 : i32 to vector<16xi32>
        %and3A_549 = arith.andi %iota3A_546, %and3A_548 : vector<16xi32>
        %eq3A_550 = arith.constant 0 : i32
        %eq3A_551 = vector.broadcast %eq3A_550 : i32 to vector<16xi32>
        %eq3A_552 = arith.cmpi eq, %and3A_549, %eq3A_551 : vector<16xi32>
        %select_n3A_553 = arith.select %eq3A_552, %mul3A_409, %mul3A_423 : vector<16xi1>, vector<16xf32>
        %select_n3A_554 = arith.select %eq3A_552, %mul3A_423, %mul3A_409 : vector<16xi1>, vector<16xf32>
        %xor3A_555 = arith.constant 1 : i32
        %xor3A_556 = vector.broadcast %xor3A_555 : i32 to vector<16xi32>
        %xor3A_557 = arith.xori %iota3A_546, %xor3A_556 : vector<16xi32>
        %broadcast_in_dim3A_558 = vector.shape_cast %xor3A_557 : vector<16xi32> to vector<16x1xi32>
        %gather3A_559 = vector.shape_cast %broadcast_in_dim3A_558 : vector<16x1xi32> to vector<16xi32>
        %gather3A_560 = tpu.dynamic_gather %select_n3A_554[%gather3A_559] in [0] : vector<16xf32>, vector<16xi32> -> vector<16xf32>
        %add3A_561 = arith.addf %select_n3A_553, %gather3A_560 : vector<16xf32>
        %iota3A_562 = tpu.iota {dimensions = array<i32: 0>} : vector<16xi32>
        %and3A_563 = arith.constant 1 : i32
        %and3A_564 = vector.broadcast %and3A_563 : i32 to vector<16xi32>
        %and3A_565 = arith.andi %iota3A_562, %and3A_564 : vector<16xi32>
        %eq3A_566 = arith.constant 0 : i32
        %eq3A_567 = vector.broadcast %eq3A_566 : i32 to vector<16xi32>
        %eq3A_568 = arith.cmpi eq, %and3A_565, %eq3A_567 : vector<16xi32>
        %select_n3A_569 = arith.select %eq3A_568, %mul3A_437, %mul3A_451 : vector<16xi1>, vector<16xf32>
        %select_n3A_570 = arith.select %eq3A_568, %mul3A_451, %mul3A_437 : vector<16xi1>, vector<16xf32>
        %xor3A_571 = arith.constant 1 : i32
        %xor3A_572 = vector.broadcast %xor3A_571 : i32 to vector<16xi32>
        %xor3A_573 = arith.xori %iota3A_562, %xor3A_572 : vector<16xi32>
        %broadcast_in_dim3A_574 = vector.shape_cast %xor3A_573 : vector<16xi32> to vector<16x1xi32>
        %gather3A_575 = vector.shape_cast %broadcast_in_dim3A_574 : vector<16x1xi32> to vector<16xi32>
        %gather3A_576 = tpu.dynamic_gather %select_n3A_570[%gather3A_575] in [0] : vector<16xf32>, vector<16xi32> -> vector<16xf32>
        %add3A_577 = arith.addf %select_n3A_569, %gather3A_576 : vector<16xf32>
        %iota3A_578 = tpu.iota {dimensions = array<i32: 0>} : vector<16xi32>
        %and3A_579 = arith.constant 2 : i32
        %and3A_580 = vector.broadcast %and3A_579 : i32 to vector<16xi32>
        %and3A_581 = arith.andi %iota3A_578, %and3A_580 : vector<16xi32>
        %eq3A_582 = arith.constant 0 : i32
        %eq3A_583 = vector.broadcast %eq3A_582 : i32 to vector<16xi32>
        %eq3A_584 = arith.cmpi eq, %and3A_581, %eq3A_583 : vector<16xi32>
        %select_n3A_585 = arith.select %eq3A_584, %add3A_465, %add3A_481 : vector<16xi1>, vector<16xf32>
        %select_n3A_586 = arith.select %eq3A_584, %add3A_481, %add3A_465 : vector<16xi1>, vector<16xf32>
        %xor3A_587 = arith.constant 2 : i32
        %xor3A_588 = vector.broadcast %xor3A_587 : i32 to vector<16xi32>
        %xor3A_589 = arith.xori %iota3A_578, %xor3A_588 : vector<16xi32>
        %broadcast_in_dim3A_590 = vector.shape_cast %xor3A_589 : vector<16xi32> to vector<16x1xi32>
        %gather3A_591 = vector.shape_cast %broadcast_in_dim3A_590 : vector<16x1xi32> to vector<16xi32>
        %gather3A_592 = tpu.dynamic_gather %select_n3A_586[%gather3A_591] in [0] : vector<16xf32>, vector<16xi32> -> vector<16xf32>
        %add3A_593 = arith.addf %select_n3A_585, %gather3A_592 : vector<16xf32>
        %iota3A_594 = tpu.iota {dimensions = array<i32: 0>} : vector<16xi32>
        %and3A_595 = arith.constant 2 : i32
        %and3A_596 = vector.broadcast %and3A_595 : i32 to vector<16xi32>
        %and3A_597 = arith.andi %iota3A_594, %and3A_596 : vector<16xi32>
        %eq3A_598 = arith.constant 0 : i32
        %eq3A_599 = vector.broadcast %eq3A_598 : i32 to vector<16xi32>
        %eq3A_600 = arith.cmpi eq, %and3A_597, %eq3A_599 : vector<16xi32>
        %select_n3A_601 = arith.select %eq3A_600, %add3A_497, %add3A_513 : vector<16xi1>, vector<16xf32>
        %select_n3A_602 = arith.select %eq3A_600, %add3A_513, %add3A_497 : vector<16xi1>, vector<16xf32>
        %xor3A_603 = arith.constant 2 : i32
        %xor3A_604 = vector.broadcast %xor3A_603 : i32 to vector<16xi32>
        %xor3A_605 = arith.xori %iota3A_594, %xor3A_604 : vector<16xi32>
        %broadcast_in_dim3A_606 = vector.shape_cast %xor3A_605 : vector<16xi32> to vector<16x1xi32>
        %gather3A_607 = vector.shape_cast %broadcast_in_dim3A_606 : vector<16x1xi32> to vector<16xi32>
        %gather3A_608 = tpu.dynamic_gather %select_n3A_602[%gather3A_607] in [0] : vector<16xf32>, vector<16xi32> -> vector<16xf32>
        %add3A_609 = arith.addf %select_n3A_601, %gather3A_608 : vector<16xf32>
        %iota3A_610 = tpu.iota {dimensions = array<i32: 0>} : vector<16xi32>
        %and3A_611 = arith.constant 2 : i32
        %and3A_612 = vector.broadcast %and3A_611 : i32 to vector<16xi32>
        %and3A_613 = arith.andi %iota3A_610, %and3A_612 : vector<16xi32>
        %eq3A_614 = arith.constant 0 : i32
        %eq3A_615 = vector.broadcast %eq3A_614 : i32 to vector<16xi32>
        %eq3A_616 = arith.cmpi eq, %and3A_613, %eq3A_615 : vector<16xi32>
        %select_n3A_617 = arith.select %eq3A_616, %add3A_529, %add3A_545 : vector<16xi1>, vector<16xf32>
        %select_n3A_618 = arith.select %eq3A_616, %add3A_545, %add3A_529 : vector<16xi1>, vector<16xf32>
        %xor3A_619 = arith.constant 2 : i32
        %xor3A_620 = vector.broadcast %xor3A_619 : i32 to vector<16xi32>
        %xor3A_621 = arith.xori %iota3A_610, %xor3A_620 : vector<16xi32>
        %broadcast_in_dim3A_622 = vector.shape_cast %xor3A_621 : vector<16xi32> to vector<16x1xi32>
        %gather3A_623 = vector.shape_cast %broadcast_in_dim3A_622 : vector<16x1xi32> to vector<16xi32>
        %gather3A_624 = tpu.dynamic_gather %select_n3A_618[%gather3A_623] in [0] : vector<16xf32>, vector<16xi32> -> vector<16xf32>
        %add3A_625 = arith.addf %select_n3A_617, %gather3A_624 : vector<16xf32>
        %iota3A_626 = tpu.iota {dimensions = array<i32: 0>} : vector<16xi32>
        %and3A_627 = arith.constant 2 : i32
        %and3A_628 = vector.broadcast %and3A_627 : i32 to vector<16xi32>
        %and3A_629 = arith.andi %iota3A_626, %and3A_628 : vector<16xi32>
        %eq3A_630 = arith.constant 0 : i32
        %eq3A_631 = vector.broadcast %eq3A_630 : i32 to vector<16xi32>
        %eq3A_632 = arith.cmpi eq, %and3A_629, %eq3A_631 : vector<16xi32>
        %select_n3A_633 = arith.select %eq3A_632, %add3A_561, %add3A_577 : vector<16xi1>, vector<16xf32>
        %select_n3A_634 = arith.select %eq3A_632, %add3A_577, %add3A_561 : vector<16xi1>, vector<16xf32>
        %xor3A_635 = arith.constant 2 : i32
        %xor3A_636 = vector.broadcast %xor3A_635 : i32 to vector<16xi32>
        %xor3A_637 = arith.xori %iota3A_626, %xor3A_636 : vector<16xi32>
        %broadcast_in_dim3A_638 = vector.shape_cast %xor3A_637 : vector<16xi32> to vector<16x1xi32>
        %gather3A_639 = vector.shape_cast %broadcast_in_dim3A_638 : vector<16x1xi32> to vector<16xi32>
        %gather3A_640 = tpu.dynamic_gather %select_n3A_634[%gather3A_639] in [0] : vector<16xf32>, vector<16xi32> -> vector<16xf32>
        %add3A_641 = arith.addf %select_n3A_633, %gather3A_640 : vector<16xf32>
        %iota3A_642 = tpu.iota {dimensions = array<i32: 0>} : vector<16xi32>
        %and3A_643 = arith.constant 4 : i32
        %and3A_644 = vector.broadcast %and3A_643 : i32 to vector<16xi32>
        %and3A_645 = arith.andi %iota3A_642, %and3A_644 : vector<16xi32>
        %eq3A_646 = arith.constant 0 : i32
        %eq3A_647 = vector.broadcast %eq3A_646 : i32 to vector<16xi32>
        %eq3A_648 = arith.cmpi eq, %and3A_645, %eq3A_647 : vector<16xi32>
        %select_n3A_649 = arith.select %eq3A_648, %add3A_593, %add3A_609 : vector<16xi1>, vector<16xf32>
        %select_n3A_650 = arith.select %eq3A_648, %add3A_609, %add3A_593 : vector<16xi1>, vector<16xf32>
        %xor3A_651 = arith.constant 4 : i32
        %xor3A_652 = vector.broadcast %xor3A_651 : i32 to vector<16xi32>
        %xor3A_653 = arith.xori %iota3A_642, %xor3A_652 : vector<16xi32>
        %broadcast_in_dim3A_654 = vector.shape_cast %xor3A_653 : vector<16xi32> to vector<16x1xi32>
        %gather3A_655 = vector.shape_cast %broadcast_in_dim3A_654 : vector<16x1xi32> to vector<16xi32>
        %gather3A_656 = tpu.dynamic_gather %select_n3A_650[%gather3A_655] in [0] : vector<16xf32>, vector<16xi32> -> vector<16xf32>
        %add3A_657 = arith.addf %select_n3A_649, %gather3A_656 : vector<16xf32>
        %iota3A_658 = tpu.iota {dimensions = array<i32: 0>} : vector<16xi32>
        %and3A_659 = arith.constant 4 : i32
        %and3A_660 = vector.broadcast %and3A_659 : i32 to vector<16xi32>
        %and3A_661 = arith.andi %iota3A_658, %and3A_660 : vector<16xi32>
        %eq3A_662 = arith.constant 0 : i32
        %eq3A_663 = vector.broadcast %eq3A_662 : i32 to vector<16xi32>
        %eq3A_664 = arith.cmpi eq, %and3A_661, %eq3A_663 : vector<16xi32>
        %select_n3A_665 = arith.select %eq3A_664, %add3A_625, %add3A_641 : vector<16xi1>, vector<16xf32>
        %select_n3A_666 = arith.select %eq3A_664, %add3A_641, %add3A_625 : vector<16xi1>, vector<16xf32>
        %xor3A_667 = arith.constant 4 : i32
        %xor3A_668 = vector.broadcast %xor3A_667 : i32 to vector<16xi32>
        %xor3A_669 = arith.xori %iota3A_658, %xor3A_668 : vector<16xi32>
        %broadcast_in_dim3A_670 = vector.shape_cast %xor3A_669 : vector<16xi32> to vector<16x1xi32>
        %gather3A_671 = vector.shape_cast %broadcast_in_dim3A_670 : vector<16x1xi32> to vector<16xi32>
        %gather3A_672 = tpu.dynamic_gather %select_n3A_666[%gather3A_671] in [0] : vector<16xf32>, vector<16xi32> -> vector<16xf32>
        %add3A_673 = arith.addf %select_n3A_665, %gather3A_672 : vector<16xf32>
        %iota3A_674 = tpu.iota {dimensions = array<i32: 0>} : vector<16xi32>
        %and3A_675 = arith.constant 8 : i32
        %and3A_676 = vector.broadcast %and3A_675 : i32 to vector<16xi32>
        %and3A_677 = arith.andi %iota3A_674, %and3A_676 : vector<16xi32>
        %eq3A_678 = arith.constant 0 : i32
        %eq3A_679 = vector.broadcast %eq3A_678 : i32 to vector<16xi32>
        %eq3A_680 = arith.cmpi eq, %and3A_677, %eq3A_679 : vector<16xi32>
        %select_n3A_681 = arith.select %eq3A_680, %add3A_657, %add3A_673 : vector<16xi1>, vector<16xf32>
        %select_n3A_682 = arith.select %eq3A_680, %add3A_673, %add3A_657 : vector<16xi1>, vector<16xf32>
        %xor3A_683 = arith.constant 8 : i32
        %xor3A_684 = vector.broadcast %xor3A_683 : i32 to vector<16xi32>
        %xor3A_685 = arith.xori %iota3A_674, %xor3A_684 : vector<16xi32>
        %broadcast_in_dim3A_686 = vector.shape_cast %xor3A_685 : vector<16xi32> to vector<16x1xi32>
        %gather3A_687 = vector.shape_cast %broadcast_in_dim3A_686 : vector<16x1xi32> to vector<16xi32>
        %gather3A_688 = tpu.dynamic_gather %select_n3A_682[%gather3A_687] in [0] : vector<16xf32>, vector<16xi32> -> vector<16xf32>
        %add3A_689 = arith.addf %select_n3A_681, %gather3A_688 : vector<16xf32>
        %mul3A_690 = arith.constant 2.500000e-01 : f32
        %mul3A_691 = vector.broadcast %mul3A_690 : f32 to vector<16xf32>
        %mul3A_692 = arith.mulf %add3A_689, %mul3A_691 : vector<16xf32>
        %swap3A_693 = arith.index_cast %scan3A_223 : i32 to index
        %swap3A_694 = arith.constant 0 : index
        %swap3A_695 = tpu.vector_load %arg17[%swap3A_693, %swap3A_694] {strides = array<i32>} : memref<40x16xf32, #tpu.memory_space<vmem>>, vector<1x16xf32>,
        %swap3A_696 = vector.shape_cast %swap3A_695 : vector<1x16xf32> to vector<16xf32>
        %swap3A_697 = vector.shape_cast %mul3A_692 : vector<16xf32> to vector<1x16xf32>
        tpu.vector_store %arg17[%swap3A_693, %swap3A_694], %swap3A_697 {strides = array<i32>} : memref<40x16xf32, #tpu.memory_space<vmem>>, vector<1x16xf32>,
        %jit3A_698 = arith.constant -5.000000e+00 : f32
        %jit3A_699 = arith.constant 5.000000e+00 : f32
        %max3A = vector.broadcast %jit3A_698 : f32 to vector<16xf32>
        %max3A_700 = arith.maximumf %max3A, %mul3A_692 : vector<16xf32>
        %min3A = vector.broadcast %jit3A_699 : f32 to vector<16xf32>
        %min3A_701 = arith.minimumf %min3A, %max3A_700 : vector<16xf32>
        %exp3A = math.exp %min3A_701 : vector<16xf32>
        %iota3A_702 = tpu.iota {dimensions = array<i32: 0>} : vector<16xi32>
        %add3A_703 = arith.constant 8 : i32
        %add3A_704 = vector.broadcast %add3A_703 : i32 to vector<16xi32>
        %add3A_705 = arith.addi %iota3A_702, %add3A_704 : vector<16xi32>
        %and3A_706 = arith.constant 15 : i32
        %and3A_707 = vector.broadcast %and3A_706 : i32 to vector<16xi32>
        %and3A_708 = arith.andi %add3A_705, %and3A_707 : vector<16xi32>
        %broadcast_in_dim3A_709 = vector.shape_cast %and3A_708 : vector<16xi32> to vector<16x1xi32>
        %gather3A_710 = vector.shape_cast %broadcast_in_dim3A_709 : vector<16x1xi32> to vector<16xi32>
        %gather3A_711 = tpu.dynamic_gather %exp3A[%gather3A_710] in [0] : vector<16xf32>, vector<16xi32> -> vector<16xf32>
        %swap3A_712 = arith.index_cast %mul3A_225 : i32 to index
        %swap3A_713 = arith.constant 0 : index
        %swap3A_714 = tpu.vector_load %arg18[%swap3A_712, %swap3A_713] {strides = array<i32>} : memref<80x16xf32, #tpu.memory_space<vmem>>, vector<1x16xf32>,
        %swap3A_715 = vector.shape_cast %swap3A_714 : vector<1x16xf32> to vector<16xf32>
        %swap3A_716 = vector.shape_cast %exp3A : vector<16xf32> to vector<1x16xf32>
        tpu.vector_store %arg18[%swap3A_712, %swap3A_713], %swap3A_716 {strides = array<i32>} : memref<80x16xf32, #tpu.memory_space<vmem>>, vector<1x16xf32>,
        %swap3A_717 = arith.index_cast %add3A_227 : i32 to index
        %swap3A_718 = arith.constant 0 : index
        %swap3A_719 = tpu.vector_load %arg18[%swap3A_717, %swap3A_718] {strides = array<i32>} : memref<80x16xf32, #tpu.memory_space<vmem>>, vector<1x16xf32>,
        %swap3A_720 = vector.shape_cast %swap3A_719 : vector<1x16xf32> to vector<16xf32>
        %swap3A_721 = vector.shape_cast %gather3A_711 : vector<16xf32> to vector<1x16xf32>
        tpu.vector_store %arg18[%swap3A_717, %swap3A_718], %swap3A_721 {strides = array<i32>} : memref<80x16xf32, #tpu.memory_space<vmem>>, vector<1x16xf32>,
        %shift_right_logical3A_722 = arith.constant 4 : i32
        %shift_right_logical3A_723 = arith.shrui %mul3A_225, %shift_right_logical3A_722 : i32
        %shift_left3A = arith.constant 4 : i32
        %shift_left3A_724 = arith.shli %shift_right_logical3A_723, %shift_left3A : i32
        %get3A_725 = arith.index_cast %shift_left3A_724 : i32 to index
        %get3A_726 = tpu.vector_load %arg13[%get3A_725] {strides = array<i32>} : memref<80xi32, #tpu.memory_space<vmem>>, vector<16xi32>,
        %get3A_727 = vector.shape_cast %get3A_726 : vector<16xi32> to vector<16xi32>
        %and3A_728 = arith.constant 15 : i32
        %and3A_729 = arith.andi %mul3A_225, %and3A_728 : i32
        %iota3A_730 = tpu.iota {dimensions = array<i32: 0>} : vector<16xi32>
        %mul3A_731 = arith.constant 0 : i32
        %mul3A_732 = vector.broadcast %mul3A_731 : i32 to vector<16xi32>
        %mul3A_733 = arith.muli %iota3A_730, %mul3A_732 : vector<16xi32>
        %add3A_734 = vector.broadcast %and3A_729 : i32 to vector<16xi32>
        %add3A_735 = arith.addi %mul3A_733, %add3A_734 : vector<16xi32>
        %broadcast_in_dim3A_736 = vector.shape_cast %add3A_735 : vector<16xi32> to vector<16x1xi32>
        %gather3A_737 = vector.shape_cast %broadcast_in_dim3A_736 : vector<16x1xi32> to vector<16xi32>
        %gather3A_738 = tpu.dynamic_gather %get3A_727[%gather3A_737] in [0] : vector<16xi32>, vector<16xi32> -> vector<16xi32>
        %iota3A_739 = tpu.iota {dimensions = array<i32: 0>} : vector<16xi32>
        %mul3A_740 = arith.constant 0 : i32
        %mul3A_741 = vector.broadcast %mul3A_740 : i32 to vector<16xi32>
        %mul3A_742 = arith.muli %iota3A_739, %mul3A_741 : vector<16xi32>
        %add3A_743 = vector.broadcast %and3A_729 : i32 to vector<16xi32>
        %add3A_744 = arith.addi %mul3A_742, %add3A_743 : vector<16xi32>
        %add3A_745 = arith.constant 1 : i32
        %add3A_746 = vector.broadcast %add3A_745 : i32 to vector<16xi32>
        %add3A_747 = arith.addi %add3A_744, %add3A_746 : vector<16xi32>
        %broadcast_in_dim3A_748 = vector.shape_cast %add3A_747 : vector<16xi32> to vector<16x1xi32>
        %gather3A_749 = vector.shape_cast %broadcast_in_dim3A_748 : vector<16x1xi32> to vector<16xi32>
        %gather3A_750 = tpu.dynamic_gather %get3A_727[%gather3A_749] in [0] : vector<16xi32>, vector<16xi32> -> vector<16xi32>
        %broadcast_in_dim3A_751 = arith.constant 1 : i32
        %broadcast_in_dim3A_752 = vector.broadcast %broadcast_in_dim3A_751 : i32 to vector<16xi32>
        %sub3A_753 = arith.constant 0 : i32
        %sub3A_754 = vector.broadcast %sub3A_753 : i32 to vector<16xi32>
        %sub3A_755 = arith.subi %gather3A_738, %sub3A_754 : vector<16xi32>
        %abs3A = math.absi %sub3A_755 : vector<16xi32>
        %min3A_756 = arith.constant 1 : i32
        %min3A_757 = vector.broadcast %min3A_756 : i32 to vector<16xi32>
        %min3A_758 = arith.minsi %abs3A, %min3A_757 : vector<16xi32>
        %sub3A_759 = arith.subi %broadcast_in_dim3A_752, %min3A_758 : vector<16xi32>
        %convert_element_type3A_760 = arith.sitofp %sub3A_759 : vector<16xi32> to vector<16xf32>
        %sub3A_761 = arith.constant 0 : i32
        %sub3A_762 = vector.broadcast %sub3A_761 : i32 to vector<16xi32>
        %sub3A_763 = arith.subi %gather3A_750, %sub3A_762 : vector<16xi32>
        %abs3A_764 = math.absi %sub3A_763 : vector<16xi32>
        %min3A_765 = arith.constant 1 : i32
        %min3A_766 = vector.broadcast %min3A_765 : i32 to vector<16xi32>
        %min3A_767 = arith.minsi %abs3A_764, %min3A_766 : vector<16xi32>
        %sub3A_768 = arith.subi %broadcast_in_dim3A_752, %min3A_767 : vector<16xi32>
        %convert_element_type3A_769 = arith.sitofp %sub3A_768 : vector<16xi32> to vector<16xf32>
        %mul3A_770 = arith.mulf %exp3A, %convert_element_type3A_760 : vector<16xf32>
        %swap3A_771 = arith.index_cast %mul3A_225 : i32 to index
        %swap3A_772 = arith.constant 0 : index
        %swap3A_773 = tpu.vector_load %arg19[%swap3A_771, %swap3A_772] {strides = array<i32>} : memref<80x128xf32, #tpu.memory_space<vmem>>, vector<1x16xf32>,
        %swap3A_774 = vector.shape_cast %swap3A_773 : vector<1x16xf32> to vector<16xf32>
        %swap3A_775 = vector.shape_cast %mul3A_770 : vector<16xf32> to vector<1x16xf32>
        tpu.vector_store %arg19[%swap3A_771, %swap3A_772], %swap3A_775 {strides = array<i32>} : memref<80x128xf32, #tpu.memory_space<vmem>>, vector<1x16xf32>,
        %mul3A_776 = arith.mulf %gather3A_711, %convert_element_type3A_769 : vector<16xf32>
        %swap3A_777 = arith.index_cast %add3A_227 : i32 to index
        %swap3A_778 = arith.constant 0 : index
        %swap3A_779 = tpu.vector_load %arg19[%swap3A_777, %swap3A_778] {strides = array<i32>} : memref<80x128xf32, #tpu.memory_space<vmem>>, vector<1x16xf32>,
        %swap3A_780 = vector.shape_cast %swap3A_779 : vector<1x16xf32> to vector<16xf32>
        %swap3A_781 = vector.shape_cast %mul3A_776 : vector<16xf32> to vector<1x16xf32>
        tpu.vector_store %arg19[%swap3A_777, %swap3A_778], %swap3A_781 {strides = array<i32>} : memref<80x128xf32, #tpu.memory_space<vmem>>, vector<1x16xf32>,
        %sub3A_782 = arith.constant 1 : i32
        %sub3A_783 = vector.broadcast %sub3A_782 : i32 to vector<16xi32>
        %sub3A_784 = arith.subi %gather3A_738, %sub3A_783 : vector<16xi32>
        %abs3A_785 = math.absi %sub3A_784 : vector<16xi32>
        %min3A_786 = arith.constant 1 : i32
        %min3A_787 = vector.broadcast %min3A_786 : i32 to vector<16xi32>
        %min3A_788 = arith.minsi %abs3A_785, %min3A_787 : vector<16xi32>
        %sub3A_789 = arith.subi %broadcast_in_dim3A_752, %min3A_788 : vector<16xi32>
        %convert_element_type3A_790 = arith.sitofp %sub3A_789 : vector<16xi32> to vector<16xf32>
        %sub3A_791 = arith.constant 1 : i32
        %sub3A_792 = vector.broadcast %sub3A_791 : i32 to vector<16xi32>
        %sub3A_793 = arith.subi %gather3A_750, %sub3A_792 : vector<16xi32>
        %abs3A_794 = math.absi %sub3A_793 : vector<16xi32>
        %min3A_795 = arith.constant 1 : i32
        %min3A_796 = vector.broadcast %min3A_795 : i32 to vector<16xi32>
        %min3A_797 = arith.minsi %abs3A_794, %min3A_796 : vector<16xi32>
        %sub3A_798 = arith.subi %broadcast_in_dim3A_752, %min3A_797 : vector<16xi32>
        %convert_element_type3A_799 = arith.sitofp %sub3A_798 : vector<16xi32> to vector<16xf32>
        %mul3A_800 = arith.mulf %exp3A, %convert_element_type3A_790 : vector<16xf32>
        %swap3A_801 = arith.index_cast %mul3A_225 : i32 to index
        %swap3A_802 = arith.constant 16 : index
        %swap3A_803 = tpu.vector_load %arg19[%swap3A_801, %swap3A_802] {strides = array<i32>} : memref<80x128xf32, #tpu.memory_space<vmem>>, vector<1x16xf32>,
        %swap3A_804 = vector.shape_cast %swap3A_803 : vector<1x16xf32> to vector<16xf32>
        %swap3A_805 = vector.shape_cast %mul3A_800 : vector<16xf32> to vector<1x16xf32>
        tpu.vector_store %arg19[%swap3A_801, %swap3A_802], %swap3A_805 {strides = array<i32>} : memref<80x128xf32, #tpu.memory_space<vmem>>, vector<1x16xf32>,
        %mul3A_806 = arith.mulf %gather3A_711, %convert_element_type3A_799 : vector<16xf32>
        %swap3A_807 = arith.index_cast %add3A_227 : i32 to index
        %swap3A_808 = arith.constant 16 : index
        %swap3A_809 = tpu.vector_load %arg19[%swap3A_807, %swap3A_808] {strides = array<i32>} : memref<80x128xf32, #tpu.memory_space<vmem>>, vector<1x16xf32>,
        %swap3A_810 = vector.shape_cast %swap3A_809 : vector<1x16xf32> to vector<16xf32>
        %swap3A_811 = vector.shape_cast %mul3A_806 : vector<16xf32> to vector<1x16xf32>
        tpu.vector_store %arg19[%swap3A_807, %swap3A_808], %swap3A_811 {strides = array<i32>} : memref<80x128xf32, #tpu.memory_space<vmem>>, vector<1x16xf32>,
        %sub3A_812 = arith.constant 2 : i32
        %sub3A_813 = vector.broadcast %sub3A_812 : i32 to vector<16xi32>
        %sub3A_814 = arith.subi %gather3A_738, %sub3A_813 : vector<16xi32>
        %abs3A_815 = math.absi %sub3A_814 : vector<16xi32>
        %min3A_816 = arith.constant 1 : i32
        %min3A_817 = vector.broadcast %min3A_816 : i32 to vector<16xi32>
        %min3A_818 = arith.minsi %abs3A_815, %min3A_817 : vector<16xi32>
        %sub3A_819 = arith.subi %broadcast_in_dim3A_752, %min3A_818 : vector<16xi32>
        %convert_element_type3A_820 = arith.sitofp %sub3A_819 : vector<16xi32> to vector<16xf32>
        %sub3A_821 = arith.constant 2 : i32
        %sub3A_822 = vector.broadcast %sub3A_821 : i32 to vector<16xi32>
        %sub3A_823 = arith.subi %gather3A_750, %sub3A_822 : vector<16xi32>
        %abs3A_824 = math.absi %sub3A_823 : vector<16xi32>
        %min3A_825 = arith.constant 1 : i32
        %min3A_826 = vector.broadcast %min3A_825 : i32 to vector<16xi32>
        %min3A_827 = arith.minsi %abs3A_824, %min3A_826 : vector<16xi32>
        %sub3A_828 = arith.subi %broadcast_in_dim3A_752, %min3A_827 : vector<16xi32>
        %convert_element_type3A_829 = arith.sitofp %sub3A_828 : vector<16xi32> to vector<16xf32>
        %mul3A_830 = arith.mulf %exp3A, %convert_element_type3A_820 : vector<16xf32>
        %swap3A_831 = arith.index_cast %mul3A_225 : i32 to index
        %swap3A_832 = arith.constant 32 : index
        %swap3A_833 = tpu.vector_load %arg19[%swap3A_831, %swap3A_832] {strides = array<i32>} : memref<80x128xf32, #tpu.memory_space<vmem>>, vector<1x16xf32>,
        %swap3A_834 = vector.shape_cast %swap3A_833 : vector<1x16xf32> to vector<16xf32>
        %swap3A_835 = vector.shape_cast %mul3A_830 : vector<16xf32> to vector<1x16xf32>
        tpu.vector_store %arg19[%swap3A_831, %swap3A_832], %swap3A_835 {strides = array<i32>} : memref<80x128xf32, #tpu.memory_space<vmem>>, vector<1x16xf32>,
        %mul3A_836 = arith.mulf %gather3A_711, %convert_element_type3A_829 : vector<16xf32>
        %swap3A_837 = arith.index_cast %add3A_227 : i32 to index
        %swap3A_838 = arith.constant 32 : index
        %swap3A_839 = tpu.vector_load %arg19[%swap3A_837, %swap3A_838] {strides = array<i32>} : memref<80x128xf32, #tpu.memory_space<vmem>>, vector<1x16xf32>,
        %swap3A_840 = vector.shape_cast %swap3A_839 : vector<1x16xf32> to vector<16xf32>
        %swap3A_841 = vector.shape_cast %mul3A_836 : vector<16xf32> to vector<1x16xf32>
        tpu.vector_store %arg19[%swap3A_837, %swap3A_838], %swap3A_841 {strides = array<i32>} : memref<80x128xf32, #tpu.memory_space<vmem>>, vector<1x16xf32>,
        %sub3A_842 = arith.constant 3 : i32
        %sub3A_843 = vector.broadcast %sub3A_842 : i32 to vector<16xi32>
        %sub3A_844 = arith.subi %gather3A_738, %sub3A_843 : vector<16xi32>
        %abs3A_845 = math.absi %sub3A_844 : vector<16xi32>
        %min3A_846 = arith.constant 1 : i32
        %min3A_847 = vector.broadcast %min3A_846 : i32 to vector<16xi32>
        %min3A_848 = arith.minsi %abs3A_845, %min3A_847 : vector<16xi32>
        %sub3A_849 = arith.subi %broadcast_in_dim3A_752, %min3A_848 : vector<16xi32>
        %convert_element_type3A_850 = arith.sitofp %sub3A_849 : vector<16xi32> to vector<16xf32>
        %sub3A_851 = arith.constant 3 : i32
        %sub3A_852 = vector.broadcast %sub3A_851 : i32 to vector<16xi32>
        %sub3A_853 = arith.subi %gather3A_750, %sub3A_852 : vector<16xi32>
        %abs3A_854 = math.absi %sub3A_853 : vector<16xi32>
        %min3A_855 = arith.constant 1 : i32
        %min3A_856 = vector.broadcast %min3A_855 : i32 to vector<16xi32>
        %min3A_857 = arith.minsi %abs3A_854, %min3A_856 : vector<16xi32>
        %sub3A_858 = arith.subi %broadcast_in_dim3A_752, %min3A_857 : vector<16xi32>
        %convert_element_type3A_859 = arith.sitofp %sub3A_858 : vector<16xi32> to vector<16xf32>
        %mul3A_860 = arith.mulf %exp3A, %convert_element_type3A_850 : vector<16xf32>
        %swap3A_861 = arith.index_cast %mul3A_225 : i32 to index
        %swap3A_862 = arith.constant 48 : index
        %swap3A_863 = tpu.vector_load %arg19[%swap3A_861, %swap3A_862] {strides = array<i32>} : memref<80x128xf32, #tpu.memory_space<vmem>>, vector<1x16xf32>,
        %swap3A_864 = vector.shape_cast %swap3A_863 : vector<1x16xf32> to vector<16xf32>
        %swap3A_865 = vector.shape_cast %mul3A_860 : vector<16xf32> to vector<1x16xf32>
        tpu.vector_store %arg19[%swap3A_861, %swap3A_862], %swap3A_865 {strides = array<i32>} : memref<80x128xf32, #tpu.memory_space<vmem>>, vector<1x16xf32>,
        %mul3A_866 = arith.mulf %gather3A_711, %convert_element_type3A_859 : vector<16xf32>
        %swap3A_867 = arith.index_cast %add3A_227 : i32 to index
        %swap3A_868 = arith.constant 48 : index
        %swap3A_869 = tpu.vector_load %arg19[%swap3A_867, %swap3A_868] {strides = array<i32>} : memref<80x128xf32, #tpu.memory_space<vmem>>, vector<1x16xf32>,
        %swap3A_870 = vector.shape_cast %swap3A_869 : vector<1x16xf32> to vector<16xf32>
        %swap3A_871 = vector.shape_cast %mul3A_866 : vector<16xf32> to vector<1x16xf32>
        tpu.vector_store %arg19[%swap3A_867, %swap3A_868], %swap3A_871 {strides = array<i32>} : memref<80x128xf32, #tpu.memory_space<vmem>>, vector<1x16xf32>,
        %sub3A_872 = arith.constant 4 : i32
        %sub3A_873 = vector.broadcast %sub3A_872 : i32 to vector<16xi32>
        %sub3A_874 = arith.subi %gather3A_738, %sub3A_873 : vector<16xi32>
        %abs3A_875 = math.absi %sub3A_874 : vector<16xi32>
        %min3A_876 = arith.constant 1 : i32
        %min3A_877 = vector.broadcast %min3A_876 : i32 to vector<16xi32>
        %min3A_878 = arith.minsi %abs3A_875, %min3A_877 : vector<16xi32>
        %sub3A_879 = arith.subi %broadcast_in_dim3A_752, %min3A_878 : vector<16xi32>
        %convert_element_type3A_880 = arith.sitofp %sub3A_879 : vector<16xi32> to vector<16xf32>
        %sub3A_881 = arith.constant 4 : i32
        %sub3A_882 = vector.broadcast %sub3A_881 : i32 to vector<16xi32>
        %sub3A_883 = arith.subi %gather3A_750, %sub3A_882 : vector<16xi32>
        %abs3A_884 = math.absi %sub3A_883 : vector<16xi32>
        %min3A_885 = arith.constant 1 : i32
        %min3A_886 = vector.broadcast %min3A_885 : i32 to vector<16xi32>
        %min3A_887 = arith.minsi %abs3A_884, %min3A_886 : vector<16xi32>
        %sub3A_888 = arith.subi %broadcast_in_dim3A_752, %min3A_887 : vector<16xi32>
        %convert_element_type3A_889 = arith.sitofp %sub3A_888 : vector<16xi32> to vector<16xf32>
        %mul3A_890 = arith.mulf %exp3A, %convert_element_type3A_880 : vector<16xf32>
        %swap3A_891 = arith.index_cast %mul3A_225 : i32 to index
        %swap3A_892 = arith.constant 64 : index
        %swap3A_893 = tpu.vector_load %arg19[%swap3A_891, %swap3A_892] {strides = array<i32>} : memref<80x128xf32, #tpu.memory_space<vmem>>, vector<1x16xf32>,
        %swap3A_894 = vector.shape_cast %swap3A_893 : vector<1x16xf32> to vector<16xf32>
        %swap3A_895 = vector.shape_cast %mul3A_890 : vector<16xf32> to vector<1x16xf32>
        tpu.vector_store %arg19[%swap3A_891, %swap3A_892], %swap3A_895 {strides = array<i32>} : memref<80x128xf32, #tpu.memory_space<vmem>>, vector<1x16xf32>,
        %mul3A_896 = arith.mulf %gather3A_711, %convert_element_type3A_889 : vector<16xf32>
        %swap3A_897 = arith.index_cast %add3A_227 : i32 to index
        %swap3A_898 = arith.constant 64 : index
        %swap3A_899 = tpu.vector_load %arg19[%swap3A_897, %swap3A_898] {strides = array<i32>} : memref<80x128xf32, #tpu.memory_space<vmem>>, vector<1x16xf32>,
        %swap3A_900 = vector.shape_cast %swap3A_899 : vector<1x16xf32> to vector<16xf32>
        %swap3A_901 = vector.shape_cast %mul3A_896 : vector<16xf32> to vector<1x16xf32>
        tpu.vector_store %arg19[%swap3A_897, %swap3A_898], %swap3A_901 {strides = array<i32>} : memref<80x128xf32, #tpu.memory_space<vmem>>, vector<1x16xf32>,
        %sub3A_902 = arith.constant 5 : i32
        %sub3A_903 = vector.broadcast %sub3A_902 : i32 to vector<16xi32>
        %sub3A_904 = arith.subi %gather3A_738, %sub3A_903 : vector<16xi32>
        %abs3A_905 = math.absi %sub3A_904 : vector<16xi32>
        %min3A_906 = arith.constant 1 : i32
        %min3A_907 = vector.broadcast %min3A_906 : i32 to vector<16xi32>
        %min3A_908 = arith.minsi %abs3A_905, %min3A_907 : vector<16xi32>
        %sub3A_909 = arith.subi %broadcast_in_dim3A_752, %min3A_908 : vector<16xi32>
        %convert_element_type3A_910 = arith.sitofp %sub3A_909 : vector<16xi32> to vector<16xf32>
        %sub3A_911 = arith.constant 5 : i32
        %sub3A_912 = vector.broadcast %sub3A_911 : i32 to vector<16xi32>
        %sub3A_913 = arith.subi %gather3A_750, %sub3A_912 : vector<16xi32>
        %abs3A_914 = math.absi %sub3A_913 : vector<16xi32>
        %min3A_915 = arith.constant 1 : i32
        %min3A_916 = vector.broadcast %min3A_915 : i32 to vector<16xi32>
        %min3A_917 = arith.minsi %abs3A_914, %min3A_916 : vector<16xi32>
        %sub3A_918 = arith.subi %broadcast_in_dim3A_752, %min3A_917 : vector<16xi32>
        %convert_element_type3A_919 = arith.sitofp %sub3A_918 : vector<16xi32> to vector<16xf32>
        %mul3A_920 = arith.mulf %exp3A, %convert_element_type3A_910 : vector<16xf32>
        %swap3A_921 = arith.index_cast %mul3A_225 : i32 to index
        %swap3A_922 = arith.constant 80 : index
        %swap3A_923 = tpu.vector_load %arg19[%swap3A_921, %swap3A_922] {strides = array<i32>} : memref<80x128xf32, #tpu.memory_space<vmem>>, vector<1x16xf32>,
        %swap3A_924 = vector.shape_cast %swap3A_923 : vector<1x16xf32> to vector<16xf32>
        %swap3A_925 = vector.shape_cast %mul3A_920 : vector<16xf32> to vector<1x16xf32>
        tpu.vector_store %arg19[%swap3A_921, %swap3A_922], %swap3A_925 {strides = array<i32>} : memref<80x128xf32, #tpu.memory_space<vmem>>, vector<1x16xf32>,
        %mul3A_926 = arith.mulf %gather3A_711, %convert_element_type3A_919 : vector<16xf32>
        %swap3A_927 = arith.index_cast %add3A_227 : i32 to index
        %swap3A_928 = arith.constant 80 : index
        %swap3A_929 = tpu.vector_load %arg19[%swap3A_927, %swap3A_928] {strides = array<i32>} : memref<80x128xf32, #tpu.memory_space<vmem>>, vector<1x16xf32>,
        %swap3A_930 = vector.shape_cast %swap3A_929 : vector<1x16xf32> to vector<16xf32>
        %swap3A_931 = vector.shape_cast %mul3A_926 : vector<16xf32> to vector<1x16xf32>
        tpu.vector_store %arg19[%swap3A_927, %swap3A_928], %swap3A_931 {strides = array<i32>} : memref<80x128xf32, #tpu.memory_space<vmem>>, vector<1x16xf32>,
        %sub3A_932 = arith.constant 6 : i32
        %sub3A_933 = vector.broadcast %sub3A_932 : i32 to vector<16xi32>
        %sub3A_934 = arith.subi %gather3A_738, %sub3A_933 : vector<16xi32>
        %abs3A_935 = math.absi %sub3A_934 : vector<16xi32>
        %min3A_936 = arith.constant 1 : i32
        %min3A_937 = vector.broadcast %min3A_936 : i32 to vector<16xi32>
        %min3A_938 = arith.minsi %abs3A_935, %min3A_937 : vector<16xi32>
        %sub3A_939 = arith.subi %broadcast_in_dim3A_752, %min3A_938 : vector<16xi32>
        %convert_element_type3A_940 = arith.sitofp %sub3A_939 : vector<16xi32> to vector<16xf32>
        %sub3A_941 = arith.constant 6 : i32
        %sub3A_942 = vector.broadcast %sub3A_941 : i32 to vector<16xi32>
        %sub3A_943 = arith.subi %gather3A_750, %sub3A_942 : vector<16xi32>
        %abs3A_944 = math.absi %sub3A_943 : vector<16xi32>
        %min3A_945 = arith.constant 1 : i32
        %min3A_946 = vector.broadcast %min3A_945 : i32 to vector<16xi32>
        %min3A_947 = arith.minsi %abs3A_944, %min3A_946 : vector<16xi32>
        %sub3A_948 = arith.subi %broadcast_in_dim3A_752, %min3A_947 : vector<16xi32>
        %convert_element_type3A_949 = arith.sitofp %sub3A_948 : vector<16xi32> to vector<16xf32>
        %mul3A_950 = arith.mulf %exp3A, %convert_element_type3A_940 : vector<16xf32>
        %swap3A_951 = arith.index_cast %mul3A_225 : i32 to index
        %swap3A_952 = arith.constant 96 : index
        %swap3A_953 = tpu.vector_load %arg19[%swap3A_951, %swap3A_952] {strides = array<i32>} : memref<80x128xf32, #tpu.memory_space<vmem>>, vector<1x16xf32>,
        %swap3A_954 = vector.shape_cast %swap3A_953 : vector<1x16xf32> to vector<16xf32>
        %swap3A_955 = vector.shape_cast %mul3A_950 : vector<16xf32> to vector<1x16xf32>
        tpu.vector_store %arg19[%swap3A_951, %swap3A_952], %swap3A_955 {strides = array<i32>} : memref<80x128xf32, #tpu.memory_space<vmem>>, vector<1x16xf32>,
        %mul3A_956 = arith.mulf %gather3A_711, %convert_element_type3A_949 : vector<16xf32>
        %swap3A_957 = arith.index_cast %add3A_227 : i32 to index
        %swap3A_958 = arith.constant 96 : index
        %swap3A_959 = tpu.vector_load %arg19[%swap3A_957, %swap3A_958] {strides = array<i32>} : memref<80x128xf32, #tpu.memory_space<vmem>>, vector<1x16xf32>,
        %swap3A_960 = vector.shape_cast %swap3A_959 : vector<1x16xf32> to vector<16xf32>
        %swap3A_961 = vector.shape_cast %mul3A_956 : vector<16xf32> to vector<1x16xf32>
        tpu.vector_store %arg19[%swap3A_957, %swap3A_958], %swap3A_961 {strides = array<i32>} : memref<80x128xf32, #tpu.memory_space<vmem>>, vector<1x16xf32>,
        %sub3A_962 = arith.constant 7 : i32
        %sub3A_963 = vector.broadcast %sub3A_962 : i32 to vector<16xi32>
        %sub3A_964 = arith.subi %gather3A_738, %sub3A_963 : vector<16xi32>
        %abs3A_965 = math.absi %sub3A_964 : vector<16xi32>
        %min3A_966 = arith.constant 1 : i32
        %min3A_967 = vector.broadcast %min3A_966 : i32 to vector<16xi32>
        %min3A_968 = arith.minsi %abs3A_965, %min3A_967 : vector<16xi32>
        %sub3A_969 = arith.subi %broadcast_in_dim3A_752, %min3A_968 : vector<16xi32>
        %convert_element_type3A_970 = arith.sitofp %sub3A_969 : vector<16xi32> to vector<16xf32>
        %sub3A_971 = arith.constant 7 : i32
        %sub3A_972 = vector.broadcast %sub3A_971 : i32 to vector<16xi32>
        %sub3A_973 = arith.subi %gather3A_750, %sub3A_972 : vector<16xi32>
        %abs3A_974 = math.absi %sub3A_973 : vector<16xi32>
        %min3A_975 = arith.constant 1 : i32
        %min3A_976 = vector.broadcast %min3A_975 : i32 to vector<16xi32>
        %min3A_977 = arith.minsi %abs3A_974, %min3A_976 : vector<16xi32>
        %sub3A_978 = arith.subi %broadcast_in_dim3A_752, %min3A_977 : vector<16xi32>
        %convert_element_type3A_979 = arith.sitofp %sub3A_978 : vector<16xi32> to vector<16xf32>
        %mul3A_980 = arith.mulf %exp3A, %convert_element_type3A_970 : vector<16xf32>
        %swap3A_981 = arith.index_cast %mul3A_225 : i32 to index
        %swap3A_982 = arith.constant 112 : index
        %swap3A_983 = tpu.vector_load %arg19[%swap3A_981, %swap3A_982] {strides = array<i32>} : memref<80x128xf32, #tpu.memory_space<vmem>>, vector<1x16xf32>,
        %swap3A_984 = vector.shape_cast %swap3A_983 : vector<1x16xf32> to vector<16xf32>
        %swap3A_985 = vector.shape_cast %mul3A_980 : vector<16xf32> to vector<1x16xf32>
        tpu.vector_store %arg19[%swap3A_981, %swap3A_982], %swap3A_985 {strides = array<i32>} : memref<80x128xf32, #tpu.memory_space<vmem>>, vector<1x16xf32>,
        %mul3A_986 = arith.mulf %gather3A_711, %convert_element_type3A_979 : vector<16xf32>
        %swap3A_987 = arith.index_cast %add3A_227 : i32 to index
        %swap3A_988 = arith.constant 112 : index
        %swap3A_989 = tpu.vector_load %arg19[%swap3A_987, %swap3A_988] {strides = array<i32>} : memref<80x128xf32, #tpu.memory_space<vmem>>, vector<1x16xf32>,
        %swap3A_990 = vector.shape_cast %swap3A_989 : vector<1x16xf32> to vector<16xf32>
        %swap3A_991 = vector.shape_cast %mul3A_986 : vector<16xf32> to vector<1x16xf32>
        tpu.vector_store %arg19[%swap3A_987, %swap3A_988], %swap3A_991 {strides = array<i32>} : memref<80x128xf32, #tpu.memory_space<vmem>>, vector<1x16xf32>,
      }
      %scan3A_192 = arith.constant 40 : i32
      "tpu.region"() ({
        %run_scoped3A = tpu.sem_alloc : memref<!tpu.dma_semaphore, #tpu.memory_space<semaphore_mem>>
        %dma_start3A_223 = arith.constant 0 : i32
        %dma_start3A_224 = arith.constant 0 : i32
        %dma_start3A_225 = tpu.memref_slice %arg20[%dma_start3A_223, %dma_start3A_224] : memref<1280x128xf32, #tpu.memory_space<vmem_shared>> -> memref<1280x128xf32, #tpu.memory_space<vmem_shared>>
        tpu.enqueue_indirect_dma source(%arg19 : memref<80x128xf32, #tpu.memory_space<vmem>>) target(%dma_start3A_225 : memref<1280x128xf32, #tpu.memory_space<vmem_shared>>) offsets(%arg12 : memref<80xi32, #tpu.memory_space<vmem>>) semaphore(%run_scoped3A : memref<!tpu.dma_semaphore, #tpu.memory_space<semaphore_mem>>) {add = true}
        %dma_wait3A_226 = arith.constant 0 : i32
        %dma_wait3A_227 = arith.constant 0 : i32
        %dma_wait3A_228 = tpu.memref_slice %arg20[%dma_wait3A_226, %dma_wait3A_227] : memref<1280x128xf32, #tpu.memory_space<vmem_shared>> -> memref<1280x128xf32, #tpu.memory_space<vmem_shared>>
        tpu.wait_indirect_dma semaphore(%run_scoped3A : memref<!tpu.dma_semaphore, #tpu.memory_space<semaphore_mem>>) src(%arg19 : memref<80x128xf32, #tpu.memory_space<vmem>>) dst(%dma_wait3A_228 : memref<1280x128xf32, #tpu.memory_space<vmem_shared>>)
        tpu.yield
      }) : () -> ()
      %dma_start3A_193 = arith.constant 0 : i32
      %dma_start3A_194 = tpu.memref_slice %arg8[%multiple_of3A_37, %dma_start3A_193] : memref<320000x16xf32, #tpu.memory_space<hbm>> -> memref<80x16xf32, #tpu.memory_space<hbm>>
      %dma_start3A_195 = arith.constant 0 : i32
      %dma_start3A_196 = tpu.memref_slice %arg8[%multiple_of3A_37, %dma_start3A_195] : memref<320000x16xf32, #tpu.memory_space<hbm>> -> memref<80x16xf32, #tpu.memory_space<hbm>>
      tpu.enqueue_dma source(%arg18 : memref<80x16xf32, #tpu.memory_space<vmem>>) target(%dma_start3A_196 : memref<80x16xf32, #tpu.memory_space<hbm>>) target_semaphore(%arg23 : memref<!tpu.dma_semaphore, #tpu.memory_space<semaphore_mem>>)
      %jit3A_197 = arith.constant 2 : i32
      %div3A = arith.divsi %multiple_of3A_37, %jit3A_197 : i32
      %sign3A = arith.constant 0 : i32
      %sign3A_198 = arith.cmpi sgt, %multiple_of3A_37, %sign3A : i32
      %sign3A_199 = arith.extui %sign3A_198 : i1 to i32
      %sign3A_200 = arith.constant 0 : i32
      %sign3A_201 = arith.cmpi slt, %multiple_of3A_37, %sign3A_200 : i32
      %sign3A_202 = arith.extui %sign3A_201 : i1 to i32
      %sign3A_203 = arith.subi %sign3A_199, %sign3A_202 : i32
      %sign3A_204 = arith.constant 0 : i32
      %sign3A_205 = arith.cmpi sgt, %jit3A_197, %sign3A_204 : i32
      %sign3A_206 = arith.extui %sign3A_205 : i1 to i32
      %sign3A_207 = arith.constant 0 : i32
      %sign3A_208 = arith.cmpi slt, %jit3A_197, %sign3A_207 : i32
      %sign3A_209 = arith.extui %sign3A_208 : i1 to i32
      %sign3A_210 = arith.subi %sign3A_206, %sign3A_209 : i32
      %ne3A_211 = arith.cmpi ne, %sign3A_203, %sign3A_210 : i32
      %rem3A_212 = arith.remsi %multiple_of3A_37, %jit3A_197 : i32
      %ne3A_213 = arith.constant 0 : i32
      %ne3A_214 = arith.cmpi ne, %rem3A_212, %ne3A_213 : i32
      %and3A_215 = arith.andi %ne3A_211, %ne3A_214 : i1
      %sub3A = arith.constant 1 : i32
      %sub3A_216 = arith.subi %div3A, %sub3A : i32
      %select_n3A_217 = arith.select %and3A_215, %sub3A_216, %div3A : i32
      %multiple_of3A_218 = tpu.assume_multiple %select_n3A_217, 8 : i32
      %dma_start3A_219 = arith.constant 0 : i32
      %dma_start3A_220 = tpu.memref_slice %arg7[%multiple_of3A_218, %dma_start3A_219] : memref<160000x16xf32, #tpu.memory_space<hbm>> -> memref<40x16xf32, #tpu.memory_space<hbm>>
      %dma_start3A_221 = arith.constant 0 : i32
      %dma_start3A_222 = tpu.memref_slice %arg7[%multiple_of3A_218, %dma_start3A_221] : memref<160000x16xf32, #tpu.memory_space<hbm>> -> memref<40x16xf32, #tpu.memory_space<hbm>>
      tpu.enqueue_dma source(%arg17 : memref<40x16xf32, #tpu.memory_space<vmem>>) target(%dma_start3A_222 : memref<40x16xf32, #tpu.memory_space<hbm>>) target_semaphore(%arg23 : memref<!tpu.dma_semaphore, #tpu.memory_space<semaphore_mem>>)
    }
    %scan3A_14 = arith.constant 125 : i32
    %dma_wait3A = arith.constant 0 : i32
    %dma_wait3A_15 = arith.constant 0 : i32
    %dma_wait3A_16 = tpu.memref_slice %arg8[%dma_wait3A, %dma_wait3A_15] : memref<320000x16xf32, #tpu.memory_space<hbm>> -> memref<80x16xf32, #tpu.memory_space<hbm>>
    %dma_wait3A_17 = arith.constant 0 : i32
    %dma_wait3A_18 = arith.constant 0 : i32
    %dma_wait3A_19 = tpu.memref_slice %arg8[%dma_wait3A_17, %dma_wait3A_18] : memref<320000x16xf32, #tpu.memory_space<hbm>> -> memref<80x16xf32, #tpu.memory_space<hbm>>
    tpu.wait_dma2 semaphore(%arg23 : memref<!tpu.dma_semaphore, #tpu.memory_space<semaphore_mem>>) src(%arg18 : memref<80x16xf32, #tpu.memory_space<vmem>>) dst(%dma_wait3A_19 : memref<80x16xf32, #tpu.memory_space<hbm>>)
    %dma_wait3A_20 = arith.constant 0 : i32
    %dma_wait3A_21 = arith.constant 0 : i32
    %dma_wait3A_22 = tpu.memref_slice %arg7[%dma_wait3A_20, %dma_wait3A_21] : memref<160000x16xf32, #tpu.memory_space<hbm>> -> memref<40x16xf32, #tpu.memory_space<hbm>>
    %dma_wait3A_23 = arith.constant 0 : i32
    %dma_wait3A_24 = arith.constant 0 : i32
    %dma_wait3A_25 = tpu.memref_slice %arg7[%dma_wait3A_23, %dma_wait3A_24] : memref<160000x16xf32, #tpu.memory_space<hbm>> -> memref<40x16xf32, #tpu.memory_space<hbm>>
    tpu.wait_dma2 semaphore(%arg23 : memref<!tpu.dma_semaphore, #tpu.memory_space<semaphore_mem>>) src(%arg17 : memref<40x16xf32, #tpu.memory_space<vmem>>) dst(%dma_wait3A_25 : memref<40x16xf32, #tpu.memory_space<hbm>>)
    %barrier3A_26 = arith.constant 0 : index
    tpu.barrier barrier_id(%barrier3A_26)
    %mul3A_27 = arith.constant 1280 : i32
    %mul3A_28 = arith.muli %arg0, %mul3A_27 : i32
    %mul3A_29 = arith.constant 80 : i32
    %mul3A_30 = arith.muli %arg1, %mul3A_29 : i32
    %add3A_31 = arith.addi %mul3A_28, %mul3A_30 : i32
    %multiple_of3A_32 = tpu.assume_multiple %add3A_31, 8 : i32
    "tpu.region"() ({
      %run_scoped3A = tpu.sem_alloc : memref<!tpu.dma_semaphore, #tpu.memory_space<semaphore_mem>>
      %dma_start3A = arith.constant 0 : i32
      %dma_start3A_33 = tpu.memref_slice %arg9[%multiple_of3A_32, %dma_start3A] : memref<2560x128xf32, #tpu.memory_space<hbm>> -> memref<80x128xf32, #tpu.memory_space<hbm>>
      %dma_start3A_34 = arith.constant 0 : i32
      %dma_start3A_35 = tpu.memref_slice %arg20[%multiple_of3A, %dma_start3A_34] : memref<1280x128xf32, #tpu.memory_space<vmem_shared>> -> memref<80x128xf32, #tpu.memory_space<vmem_shared>>
      tpu.enqueue_dma source(%dma_start3A_35 : memref<80x128xf32, #tpu.memory_space<vmem_shared>>) target(%dma_start3A_33 : memref<80x128xf32, #tpu.memory_space<hbm>>) target_semaphore(%run_scoped3A : memref<!tpu.dma_semaphore, #tpu.memory_space<semaphore_mem>>)
      %dma_wait3A_36 = arith.constant 0 : i32
      %dma_wait3A_37 = tpu.memref_slice %arg9[%multiple_of3A_32, %dma_wait3A_36] : memref<2560x128xf32, #tpu.memory_space<hbm>> -> memref<80x128xf32, #tpu.memory_space<hbm>>
      %dma_wait3A_38 = arith.constant 0 : i32
      %dma_wait3A_39 = tpu.memref_slice %arg20[%multiple_of3A, %dma_wait3A_38] : memref<1280x128xf32, #tpu.memory_space<vmem_shared>> -> memref<80x128xf32, #tpu.memory_space<vmem_shared>>
      tpu.wait_dma2 semaphore(%run_scoped3A : memref<!tpu.dma_semaphore, #tpu.memory_space<semaphore_mem>>) src(%dma_wait3A_39 : memref<80x128xf32, #tpu.memory_space<vmem_shared>>) dst(%dma_wait3A_37 : memref<80x128xf32, #tpu.memory_space<hbm>>)
      tpu.yield
    }) : () -> ()
    return
  }
}

module attributes {stable_mosaic.version = 14 : i64} {
  func.func @body(%arg0: i32, %arg1: memref<4000x16xf32, #tpu.memory_space<vmem>>, %arg2: memref<16x128xf32, #tpu.memory_space<vmem>>, %arg3: memref<1x128xf32, #tpu.memory_space<vmem>>, %arg4: memref<4000x128xf32, #tpu.memory_space<vmem>>) attributes {dimension_semantics = [#tpu.dimension_semantics<arbitrary>], iteration_bounds = array<i64: 80>, scalar_prefetch = 0 : i64, scratch_operands = 0 : i64, tpu.core_type = #tpu.core_type<tc>, window_params = [{transform_indices = @transform_0, window_bounds = array<i64: 4000, 16>}, {pipeline_mode = #tpu.pipeline_mode<synchronous>, transform_indices = @transform_1, window_bounds = array<i64: 16, 128>}, {pipeline_mode = #tpu.pipeline_mode<synchronous>, transform_indices = @transform_2, window_bounds = array<i64: 1, 128>}, {transform_indices = @transform_3, window_bounds = array<i64: 4000, 128>}]} {
    %get3A = arith.constant 0 : index
    %get3A_0 = arith.constant 0 : index
    %get3A_1 = vector.load %arg1[%get3A, %get3A_0] : memref<4000x16xf32, #tpu.memory_space<vmem>>, vector<4000x16xf32>
    %get3A_2 = arith.constant 0 : index
    %get3A_3 = arith.constant 0 : index
    %get3A_4 = vector.load %arg2[%get3A_2, %get3A_3] : memref<16x128xf32, #tpu.memory_space<vmem>>, vector<16x128xf32>
    %dot_general3A = arith.constant dense<0.000000e+00> : vector<4000x128xf32>
    %dot_general3A_5 = tpu.matmul %get3A_1, %get3A_4, %dot_general3A {dimension_numbers = #tpu.dot_dimension_numbers<[1], [0], [0], [1], [0, 0, 1, 1], [], []>, transpose_lhs_hint = false} : vector<4000x16xf32>, vector<16x128xf32>, vector<4000x128xf32> -> vector<4000x128xf32>
    %get3A_6 = arith.constant 0 : index
    %get3A_7 = arith.constant 0 : index
    %get3A_8 = vector.load %arg3[%get3A_6, %get3A_7] : memref<1x128xf32, #tpu.memory_space<vmem>>, vector<1x128xf32>
    %add3A = vector.broadcast %get3A_8 : vector<1x128xf32> to vector<4000x128xf32>
    %add3A_9 = arith.addf %dot_general3A_5, %add3A : vector<4000x128xf32>
    %swap3A = arith.constant 0 : index
    %swap3A_10 = arith.constant 0 : index
    %swap3A_11 = vector.load %arg4[%swap3A, %swap3A_10] : memref<4000x128xf32, #tpu.memory_space<vmem>>, vector<4000x128xf32>
    tpu.vector_store %arg4[%swap3A, %swap3A_10], %add3A_9 {strides = array<i32>} : memref<4000x128xf32, #tpu.memory_space<vmem>>, vector<4000x128xf32>,
    return
  }
  func.func @transform_0(%arg0: i32) -> (i32, i32) {
    %c0_i32 = arith.constant 0 : i32
    %c0_i32_0 = arith.constant 0 : i32
    return %arg0, %c0_i32 : i32, i32
  }
  func.func @transform_1(%arg0: i32) -> (i32, i32) {
    %c0_i32 = arith.constant 0 : i32
    %c0_i32_0 = arith.constant 0 : i32
    %c0_i32_1 = arith.constant 0 : i32
    return %c0_i32, %c0_i32_0 : i32, i32
  }
  func.func @transform_2(%arg0: i32) -> (i32, i32) {
    %c0_i32 = arith.constant 0 : i32
    %c0_i32_0 = arith.constant 0 : i32
    %c0_i32_1 = arith.constant 0 : i32
    return %c0_i32, %c0_i32_0 : i32, i32
  }
  func.func @transform_3(%arg0: i32) -> (i32, i32) {
    %c0_i32 = arith.constant 0 : i32
    %c0_i32_0 = arith.constant 0 : i32
    return %arg0, %c0_i32 : i32, i32
  }
}

module attributes {stable_mosaic.version = 14 : i64} {
  func.func @body(%arg0: i32, %arg1: memref<1000x128xf32, #tpu.memory_space<vmem>>, %arg2: memref<128x128xf32, #tpu.memory_space<vmem>>, %arg3: memref<1x128xf32, #tpu.memory_space<vmem>>, %arg4: memref<128x128xf32, #tpu.memory_space<vmem>>, %arg5: memref<1x128xf32, #tpu.memory_space<vmem>>, %arg6: memref<128x128xf32, #tpu.memory_space<vmem>>, %arg7: memref<1x128xf32, #tpu.memory_space<vmem>>, %arg8: memref<1000x128xf32, #tpu.memory_space<vmem>>, %arg9: memref<1000x128xf32, #tpu.memory_space<vmem>>, %arg10: memref<1000x128xf32, #tpu.memory_space<vmem>>) attributes {dimension_semantics = [#tpu.dimension_semantics<arbitrary>], iteration_bounds = array<i64: 10>, scalar_prefetch = 0 : i64, scratch_operands = 0 : i64, tpu.core_type = #tpu.core_type<tc>, window_params = [{transform_indices = @transform_0, window_bounds = array<i64: 1000, 128>}, {pipeline_mode = #tpu.pipeline_mode<synchronous>, transform_indices = @transform_1, window_bounds = array<i64: 128, 128>}, {pipeline_mode = #tpu.pipeline_mode<synchronous>, transform_indices = @transform_2, window_bounds = array<i64: 1, 128>}, {pipeline_mode = #tpu.pipeline_mode<synchronous>, transform_indices = @transform_3, window_bounds = array<i64: 128, 128>}, {pipeline_mode = #tpu.pipeline_mode<synchronous>, transform_indices = @transform_4, window_bounds = array<i64: 1, 128>}, {pipeline_mode = #tpu.pipeline_mode<synchronous>, transform_indices = @transform_5, window_bounds = array<i64: 128, 128>}, {pipeline_mode = #tpu.pipeline_mode<synchronous>, transform_indices = @transform_6, window_bounds = array<i64: 1, 128>}, {transform_indices = @transform_7, window_bounds = array<i64: 1000, 128>}, {transform_indices = @transform_8, window_bounds = array<i64: 1000, 128>}, {transform_indices = @transform_9, window_bounds = array<i64: 1000, 128>}]} {
    %get3A = arith.constant 0 : index
    %get3A_0 = arith.constant 0 : index
    %get3A_1 = vector.load %arg1[%get3A, %get3A_0] : memref<1000x128xf32, #tpu.memory_space<vmem>>, vector<1000x128xf32>
    %get3A_2 = arith.constant 0 : index
    %get3A_3 = arith.constant 0 : index
    %get3A_4 = vector.load %arg2[%get3A_2, %get3A_3] : memref<128x128xf32, #tpu.memory_space<vmem>>, vector<128x128xf32>
    %dot_general3A = arith.constant dense<0.000000e+00> : vector<1000x128xf32>
    %dot_general3A_5 = tpu.matmul %get3A_1, %get3A_4, %dot_general3A {dimension_numbers = #tpu.dot_dimension_numbers<[1], [0], [0], [1], [0, 0, 1, 1], [], []>, transpose_lhs_hint = false} : vector<1000x128xf32>, vector<128x128xf32>, vector<1000x128xf32> -> vector<1000x128xf32>
    %get3A_6 = arith.constant 0 : index
    %get3A_7 = arith.constant 0 : index
    %get3A_8 = vector.load %arg3[%get3A_6, %get3A_7] : memref<1x128xf32, #tpu.memory_space<vmem>>, vector<1x128xf32>
    %add3A = vector.broadcast %get3A_8 : vector<1x128xf32> to vector<1000x128xf32>
    %add3A_9 = arith.addf %dot_general3A_5, %add3A : vector<1000x128xf32>
    %swap3A = arith.constant 0 : index
    %swap3A_10 = arith.constant 0 : index
    %swap3A_11 = vector.load %arg8[%swap3A, %swap3A_10] : memref<1000x128xf32, #tpu.memory_space<vmem>>, vector<1000x128xf32>
    tpu.vector_store %arg8[%swap3A, %swap3A_10], %add3A_9 {strides = array<i32>} : memref<1000x128xf32, #tpu.memory_space<vmem>>, vector<1000x128xf32>,
    %get3A_12 = arith.constant 0 : index
    %get3A_13 = arith.constant 0 : index
    %get3A_14 = vector.load %arg4[%get3A_12, %get3A_13] : memref<128x128xf32, #tpu.memory_space<vmem>>, vector<128x128xf32>
    %dot_general3A_15 = arith.constant dense<0.000000e+00> : vector<1000x128xf32>
    %dot_general3A_16 = tpu.matmul %get3A_1, %get3A_14, %dot_general3A_15 {dimension_numbers = #tpu.dot_dimension_numbers<[1], [0], [0], [1], [0, 0, 1, 1], [], []>, transpose_lhs_hint = false} : vector<1000x128xf32>, vector<128x128xf32>, vector<1000x128xf32> -> vector<1000x128xf32>
    %get3A_17 = arith.constant 0 : index
    %get3A_18 = arith.constant 0 : index
    %get3A_19 = vector.load %arg5[%get3A_17, %get3A_18] : memref<1x128xf32, #tpu.memory_space<vmem>>, vector<1x128xf32>
    %add3A_20 = vector.broadcast %get3A_19 : vector<1x128xf32> to vector<1000x128xf32>
    %add3A_21 = arith.addf %dot_general3A_16, %add3A_20 : vector<1000x128xf32>
    %swap3A_22 = arith.constant 0 : index
    %swap3A_23 = arith.constant 0 : index
    %swap3A_24 = vector.load %arg9[%swap3A_22, %swap3A_23] : memref<1000x128xf32, #tpu.memory_space<vmem>>, vector<1000x128xf32>
    tpu.vector_store %arg9[%swap3A_22, %swap3A_23], %add3A_21 {strides = array<i32>} : memref<1000x128xf32, #tpu.memory_space<vmem>>, vector<1000x128xf32>,
    %get3A_25 = arith.constant 0 : index
    %get3A_26 = arith.constant 0 : index
    %get3A_27 = vector.load %arg6[%get3A_25, %get3A_26] : memref<128x128xf32, #tpu.memory_space<vmem>>, vector<128x128xf32>
    %dot_general3A_28 = arith.constant dense<0.000000e+00> : vector<1000x128xf32>
    %dot_general3A_29 = tpu.matmul %get3A_1, %get3A_27, %dot_general3A_28 {dimension_numbers = #tpu.dot_dimension_numbers<[1], [0], [0], [1], [0, 0, 1, 1], [], []>, transpose_lhs_hint = false} : vector<1000x128xf32>, vector<128x128xf32>, vector<1000x128xf32> -> vector<1000x128xf32>
    %get3A_30 = arith.constant 0 : index
    %get3A_31 = arith.constant 0 : index
    %get3A_32 = vector.load %arg7[%get3A_30, %get3A_31] : memref<1x128xf32, #tpu.memory_space<vmem>>, vector<1x128xf32>
    %add3A_33 = vector.broadcast %get3A_32 : vector<1x128xf32> to vector<1000x128xf32>
    %add3A_34 = arith.addf %dot_general3A_29, %add3A_33 : vector<1000x128xf32>
    %swap3A_35 = arith.constant 0 : index
    %swap3A_36 = arith.constant 0 : index
    %swap3A_37 = vector.load %arg10[%swap3A_35, %swap3A_36] : memref<1000x128xf32, #tpu.memory_space<vmem>>, vector<1000x128xf32>
    tpu.vector_store %arg10[%swap3A_35, %swap3A_36], %add3A_34 {strides = array<i32>} : memref<1000x128xf32, #tpu.memory_space<vmem>>, vector<1000x128xf32>,
    return
  }
  func.func @transform_0(%arg0: i32) -> (i32, i32) {
    %c0_i32 = arith.constant 0 : i32
    %c0_i32_0 = arith.constant 0 : i32
    return %arg0, %c0_i32 : i32, i32
  }
  func.func @transform_1(%arg0: i32) -> (i32, i32) {
    %c0_i32 = arith.constant 0 : i32
    %c0_i32_0 = arith.constant 0 : i32
    %c0_i32_1 = arith.constant 0 : i32
    return %c0_i32, %c0_i32_0 : i32, i32
  }
  func.func @transform_2(%arg0: i32) -> (i32, i32) {
    %c0_i32 = arith.constant 0 : i32
    %c0_i32_0 = arith.constant 0 : i32
    %c0_i32_1 = arith.constant 0 : i32
    return %c0_i32, %c0_i32_0 : i32, i32
  }
  func.func @transform_3(%arg0: i32) -> (i32, i32) {
    %c0_i32 = arith.constant 0 : i32
    %c0_i32_0 = arith.constant 0 : i32
    %c0_i32_1 = arith.constant 0 : i32
    return %c0_i32, %c0_i32_0 : i32, i32
  }
  func.func @transform_4(%arg0: i32) -> (i32, i32) {
    %c0_i32 = arith.constant 0 : i32
    %c0_i32_0 = arith.constant 0 : i32
    %c0_i32_1 = arith.constant 0 : i32
    return %c0_i32, %c0_i32_0 : i32, i32
  }
  func.func @transform_5(%arg0: i32) -> (i32, i32) {
    %c0_i32 = arith.constant 0 : i32
    %c0_i32_0 = arith.constant 0 : i32
    %c0_i32_1 = arith.constant 0 : i32
    return %c0_i32, %c0_i32_0 : i32, i32
  }
  func.func @transform_6(%arg0: i32) -> (i32, i32) {
    %c0_i32 = arith.constant 0 : i32
    %c0_i32_0 = arith.constant 0 : i32
    %c0_i32_1 = arith.constant 0 : i32
    return %c0_i32, %c0_i32_0 : i32, i32
  }
  func.func @transform_7(%arg0: i32) -> (i32, i32) {
    %c0_i32 = arith.constant 0 : i32
    %c0_i32_0 = arith.constant 0 : i32
    return %arg0, %c0_i32 : i32, i32
  }
  func.func @transform_8(%arg0: i32) -> (i32, i32) {
    %c0_i32 = arith.constant 0 : i32
    %c0_i32_0 = arith.constant 0 : i32
    return %arg0, %c0_i32 : i32, i32
  }
  func.func @transform_9(%arg0: i32) -> (i32, i32) {
    %c0_i32 = arith.constant 0 : i32
    %c0_i32_0 = arith.constant 0 : i32
    return %arg0, %c0_i32 : i32, i32
  }
}

module attributes {stable_mosaic.version = 14 : i64} {
  func.func @body(%arg0: i32, %arg1: memref<10240x128xf32, #tpu.memory_space<vmem>>, %arg2: memref<10240x16xf32, #tpu.memory_space<vmem>>, %arg3: memref<10240x16xf32, #tpu.memory_space<vmem>>, %arg4: memref<10000x128xf32, #tpu.memory_space<vmem>>) attributes {dimension_semantics = [#tpu.dimension_semantics<arbitrary>], iteration_bounds = array<i64: 1>, scalar_prefetch = 0 : i64, scratch_operands = 0 : i64, tpu.core_type = #tpu.core_type<tc>, window_params = [{pipeline_mode = #tpu.pipeline_mode<synchronous>, transform_indices = @transform_0, window_bounds = array<i64: 10240, 128>}, {pipeline_mode = #tpu.pipeline_mode<synchronous>, transform_indices = @transform_1, window_bounds = array<i64: 10240, 16>}, {pipeline_mode = #tpu.pipeline_mode<synchronous>, transform_indices = @transform_2, window_bounds = array<i64: 10240, 16>}, {pipeline_mode = #tpu.pipeline_mode<synchronous>, transform_indices = @transform_3, window_bounds = array<i64: 10000, 128>}]} {
    %get3A = arith.constant 0 : index
    %get3A_0 = arith.constant 0 : index
    %get3A_1 = vector.load %arg1[%get3A, %get3A_0] : memref<10240x128xf32, #tpu.memory_space<vmem>>, vector<10000x128xf32>
    %get3A_2 = arith.constant 0 : index
    %get3A_3 = arith.constant 0 : index
    %get3A_4 = vector.load %arg2[%get3A_2, %get3A_3] : memref<10240x16xf32, #tpu.memory_space<vmem>>, vector<10000x16xf32>
    %get3A_5 = arith.constant 0 : index
    %get3A_6 = arith.constant 0 : index
    %get3A_7 = vector.load %arg3[%get3A_5, %get3A_6] : memref<10240x16xf32, #tpu.memory_space<vmem>>, vector<10000x16xf32>
    %add3A = arith.addf %get3A_4, %get3A_7 : vector<10000x16xf32>
    %iota3A = tpu.iota {dimensions = array<i32: 1>} : vector<16x128xi32>
    %jit3A = arith.constant 16 : i32
    %div3A = vector.broadcast %jit3A : i32 to vector<16x128xi32>
    %div3A_8 = arith.divsi %iota3A, %div3A : vector<16x128xi32>
    %sign3A = arith.constant 0 : i32
    %sign3A_9 = vector.broadcast %sign3A : i32 to vector<16x128xi32>
    %sign3A_10 = arith.cmpi sgt, %iota3A, %sign3A_9 : vector<16x128xi32>
    %sign3A_11 = arith.extui %sign3A_10 : vector<16x128xi1> to vector<16x128xi32>
    %sign3A_12 = arith.constant 0 : i32
    %sign3A_13 = vector.broadcast %sign3A_12 : i32 to vector<16x128xi32>
    %sign3A_14 = arith.cmpi slt, %iota3A, %sign3A_13 : vector<16x128xi32>
    %sign3A_15 = arith.extui %sign3A_14 : vector<16x128xi1> to vector<16x128xi32>
    %sign3A_16 = arith.subi %sign3A_11, %sign3A_15 : vector<16x128xi32>
    %sign3A_17 = arith.constant 0 : i32
    %sign3A_18 = arith.cmpi sgt, %jit3A, %sign3A_17 : i32
    %sign3A_19 = arith.extui %sign3A_18 : i1 to i32
    %sign3A_20 = arith.constant 0 : i32
    %sign3A_21 = arith.cmpi slt, %jit3A, %sign3A_20 : i32
    %sign3A_22 = arith.extui %sign3A_21 : i1 to i32
    %sign3A_23 = arith.subi %sign3A_19, %sign3A_22 : i32
    %ne3A = vector.broadcast %sign3A_23 : i32 to vector<16x128xi32>
    %ne3A_24 = arith.cmpi ne, %sign3A_16, %ne3A : vector<16x128xi32>
    %rem3A = vector.broadcast %jit3A : i32 to vector<16x128xi32>
    %rem3A_25 = arith.remsi %iota3A, %rem3A : vector<16x128xi32>
    %ne3A_26 = arith.constant 0 : i32
    %ne3A_27 = vector.broadcast %ne3A_26 : i32 to vector<16x128xi32>
    %ne3A_28 = arith.cmpi ne, %rem3A_25, %ne3A_27 : vector<16x128xi32>
    %and3A = arith.andi %ne3A_24, %ne3A_28 : vector<16x128xi1>
    %sub3A = arith.constant 1 : i32
    %sub3A_29 = vector.broadcast %sub3A : i32 to vector<16x128xi32>
    %sub3A_30 = arith.subi %div3A_8, %sub3A_29 : vector<16x128xi32>
    %select_n3A = arith.select %and3A, %sub3A_30, %div3A_8 : vector<16x128xi1>, vector<16x128xi32>
    %iota3A_31 = tpu.iota {dimensions = array<i32: 0>} : vector<16x128xi32>
    %eq3A = arith.cmpi eq, %select_n3A, %iota3A_31 : vector<16x128xi32>
    %convert_element_type3A = arith.extui %eq3A : vector<16x128xi1> to vector<16x128xi32>
    %convert_element_type3A_32 = arith.sitofp %convert_element_type3A : vector<16x128xi32> to vector<16x128xf32>
    %dot_general3A = arith.constant dense<0.000000e+00> : vector<10000x128xf32>
    %dot_general3A_33 = tpu.matmul %add3A, %convert_element_type3A_32, %dot_general3A {dimension_numbers = #tpu.dot_dimension_numbers<[1], [0], [0], [1], [0, 0, 1, 1], [], []>, transpose_lhs_hint = false} : vector<10000x16xf32>, vector<16x128xf32>, vector<10000x128xf32> -> vector<10000x128xf32>
    %add3A_34 = arith.constant 9.99999997E-7 : f32
    %add3A_35 = vector.broadcast %add3A_34 : f32 to vector<10000x128xf32>
    %add3A_36 = arith.addf %dot_general3A_33, %add3A_35 : vector<10000x128xf32>
    %div3A_37 = arith.divf %get3A_1, %add3A_36 : vector<10000x128xf32>
    %swap3A = arith.constant 0 : index
    %swap3A_38 = arith.constant 0 : index
    %swap3A_39 = vector.load %arg4[%swap3A, %swap3A_38] : memref<10000x128xf32, #tpu.memory_space<vmem>>, vector<10000x128xf32>
    tpu.vector_store %arg4[%swap3A, %swap3A_38], %div3A_37 {strides = array<i32>} : memref<10000x128xf32, #tpu.memory_space<vmem>>, vector<10000x128xf32>,
    return
  }
  func.func @transform_0(%arg0: i32) -> (i32, i32) {
    %c0_i32 = arith.constant 0 : i32
    %c0_i32_0 = arith.constant 0 : i32
    %c0_i32_1 = arith.constant 0 : i32
    return %c0_i32, %c0_i32_0 : i32, i32
  }
  func.func @transform_1(%arg0: i32) -> (i32, i32) {
    %c0_i32 = arith.constant 0 : i32
    %c0_i32_0 = arith.constant 0 : i32
    %c0_i32_1 = arith.constant 0 : i32
    return %c0_i32, %c0_i32_0 : i32, i32
  }
  func.func @transform_2(%arg0: i32) -> (i32, i32) {
    %c0_i32 = arith.constant 0 : i32
    %c0_i32_0 = arith.constant 0 : i32
    %c0_i32_1 = arith.constant 0 : i32
    return %c0_i32, %c0_i32_0 : i32, i32
  }
  func.func @transform_3(%arg0: i32) -> (i32, i32) {
    %c0_i32 = arith.constant 0 : i32
    %c0_i32_0 = arith.constant 0 : i32
    %c0_i32_1 = arith.constant 0 : i32
    return %c0_i32, %c0_i32_0 : i32, i32
  }
}

</mosaic_0001>

<sc_bundles>
// kernel: kernel.10.cloned.1.call-start
scs
__scs_entry_jumppad:
0x0: {  	(pc) =	sbr.rel $0x88, $3  }
0x1: {  	(tag) =	ssettag $0x0;
	lr =	simm.s32 $0x1  }
0x2: {  	[smem:$0x3F96] =	sst lr;
	_ =	strace $0xD0000000  }
0x3: {  	_ = 	snop  }
0x4: {  	_ = 	snop  }
0x5: {  	_ = 	snop  }
0x6: {  	_ = 	snop  }
0x7: {  	_ = 	snop  }
__scs_overlays_trampoline_lowered:
0x8: {  	[smem:$0x3FA5] =	sst s0  }
0x9: {  	[smem:$0x3FA6] =	sst s1  }
0xa: {  	[smem:$0x3FA7] =	sst s2  }
0xb: {  	[smem:$0x3FA8] =	sst s3  }
0xc: {  	[smem:$0x3FA9] =	sst s4  }
0xd: {  	[smem:$0x3FAA] =	sst s5  }
0xe: {  	[smem:$0x3FAB] =	sst s6  }
0xf: {  	[smem:$0x3FAC] =	sst s7  }
0x10: {  	[smem:$0x3FAD] =	sst s8  }
0x11: {  	[smem:$0x3FAE] =	sst s9;
	s0 =	simm.s32 @!p0 $0x0  }
0x12: {  	s1 =	sld [smem:$0x3F94];
	s0 =	simm.s32 @p0 $0x1  }
0x13: {  	[smem:$0x3FAF] =	sst s0;
	s0 =	simm.s32 @!p1 $0x0  }
0x14: {  	s2 =	sld [smem:$0x3F93];
	s0 =	simm.s32 @p1 $0x1  }
0x15: {  	[smem:$0x3FB0] =	sst s0;
	s0 =	simm.s32 @!p2 $0x0  }
0x16: {  	s3 =	sld [smem:$0x3FDB];
	s0 =	simm.s32 @p2 $0x1  }
0x17: {  	s4 =	simm.s32 $0x1BF5;
	[smem:$0x3FB2] =	sst s0  }
0x18: {  	s0 =	sld [smem:$0x3F95];
	_ =	swait.ge [sflag:s4], $0x0  }
0x19: {  	s7 =	sld [smem:$0x3F96]  }
0x1a: {  	s8 =	sadd.s32 $0xFFFFE003, lr  }
0x1b: {  	s9 =	sadd.s32 $0xFFFFFEF7, lr;
	s5 =	simm.s32 $0xFFFFFFFF;
	p2 =	slt.u32 s8, $0xFFFFF086  }
0x1c: {  	p1 =	slt.u32 s9, $0xF7A;
	s5 =	simm.s32 @!p2 $0x0  }
0x1d: {  	s5 =	simm.s32 @p1 $0x1;
	p0 =	seq.s32 s7, s2  }
0x1e: {  	s7 =	smul.u32 @!p0 $0xF7A, s2;
	p2 =	seq.s32 @!p0 s5, $0x0  }
0x1f: {  	s9 =	smul.u32 $0xF7A, s1;
	s8 =	simm.s32 @!p0 $0x1BF5;
	p2 =	por !p2, p0  }
0x20: {  	[sflag:s8] =	ssyncset.s32 @!p0 $0xFFFFF086;
	s6 =	sadd.s32 @!p0 s3, s7;
	s7 =	simm.s32 @!p0 $0x108  }
0x21: {  	s3 =	sadd.s32 s3, s9;
	s6 =	sadd.s32 @!p0 $0x88, s6;
	s7 =	simm.s32 @p2 $0x1082  }
0x22: {  	[simem:s7], [sflag:s8] =	dma.local @!p0 [hbm:s6], $0xF7A  }
0x23: {  	s9 =	sor.u32 $0xD0000000, s2;
	s6 =	simm.s32 $0x108;
	_ =	swait.ge @!p0 [sflag:s8], $0x0  }
0x24: {  	s3 =	sadd.s32 $0x88, s3;
	s6 =	simm.s32 @!p1 $0x1082;
	[sflag:s4] =	ssyncset.s32 $0xFFFFF086  }
0x25: {  	[simem:s6], [sflag:s4] =	dma.local [hbm:s3], $0xF7A  }
0x26: {  	[smem:$0x3F96] =	sst s1;
	(tag) =	ssettag s2;
	_ =	strace s9  }
0x27: {  	s1 =	sld [smem:$0x3FA6]  }
0x28: {  	s2 =	sld [smem:$0x3FA7]  }
0x29: {  	s4 =	sld [smem:$0x3FA9]  }
0x2a: {  	p0 =	seq.s32 s5, $0x0;
	s5 =	sld [smem:$0x3FAA]  }
0x2b: {  	s6 =	sld [smem:$0x3FAB]  }
0x2c: {  	s7 =	sld [smem:$0x3FAC]  }
0x2d: {  	s3 =	simm.s32 $0x108;
	s8 =	sld [smem:$0x3FAD]  }
0x2e: {  	s3 =	simm.s32 @!p0 $0x1082;
	s9 =	sld [smem:$0x3FAE]  }
0x2f: {  	lr =	sadd.s32 s0, s3;
	s0 =	sld [smem:$0x3FA5]  }
0x30: {  	s3 =	sld [smem:$0x3FA8]  }
0x31: {  	[smem:$0x3FB1] =	sst s10  }
0x32: {  	s10 =	sld [smem:$0x3FAF];
	_ =	sdelay $0x3  }
0x33: {  	p0 =	seq.s32 s10, $0x1;
	s10 =	sld [smem:$0x3FB1];
	_ =	sdelay $0x3  }
0x34: {  	[smem:$0x3FB1] =	sst s10  }
0x35: {  	s10 =	sld [smem:$0x3FB0];
	_ =	sdelay $0x3  }
0x36: {  	p1 =	seq.s32 s10, $0x1;
	s10 =	sld [smem:$0x3FB1];
	_ =	sdelay $0x3  }
0x37: {  	[smem:$0x3FB1] =	sst s10  }
0x38: {  	s10 =	sld [smem:$0x3FB2]  }
0x39: {  	_ = 	snop;
	(pc) =	sbr.ind lr, $3  }
0x3a: {  	_ = 	snop  }
0x3b: {  	_ = 	snop  }
0x3c: {  	p2 =	seq.s32 s10, $0x1;
	s10 =	sld [smem:$0x3FB1]  }
0x3d: {  	_ =	shalt  }
0x3e: {  	_ =	shalt  }
0x3f: {  	_ =	shalt  }
0x40: {  	_ =	shalt  }
0x41: {  	_ =	shalt  }
0x42: {  	_ =	shalt  }
0x43: {  	_ =	shalt  }
0x44: {  	_ =	shalt  }
0x45: {  	_ =	shalt  }
0x46: {  	_ =	shalt  }
0x47: {  	_ =	shalt  }
0x48: {  	_ =	shalt  }
0x49: {  	_ =	shalt  }
0x4a: {  	_ =	shalt  }
0x4b: {  	_ =	shalt  }
0x4c: {  	_ =	shalt  }
0x4d: {  	_ =	shalt  }
0x4e: {  	_ =	shalt  }
0x4f: {  	_ =	shalt  }
0x50: {  	_ =	shalt  }
0x51: {  	_ =	shalt  }
0x52: {  	_ =	shalt  }
0x53: {  	_ =	shalt  }
0x54: {  	_ =	shalt  }
0x55: {  	_ =	shalt  }
0x56: {  	_ =	shalt  }
0x57: {  	_ =	shalt  }
0x58: {  	_ =	shalt  }
0x59: {  	_ =	shalt  }
0x5a: {  	_ =	shalt  }
0x5b: {  	_ =	shalt  }
0x5c: {  	_ =	shalt  }
0x5d: {  	_ =	shalt  }
0x5e: {  	_ =	shalt  }
0x5f: {  	_ =	shalt  }
0x60: {  	_ =	shalt  }
0x61: {  	_ =	shalt  }
0x62: {  	_ =	shalt  }
0x63: {  	_ =	shalt  }
0x64: {  	_ =	shalt  }
0x65: {  	_ =	shalt  }
0x66: {  	_ =	shalt  }
0x67: {  	_ =	shalt  }
0x68: {  	_ =	shalt  }
0x69: {  	_ =	shalt  }
0x6a: {  	_ =	shalt  }
0x6b: {  	_ =	shalt  }
0x6c: {  	_ =	shalt  }
0x6d: {  	_ =	shalt  }
0x6e: {  	_ =	shalt  }
0x6f: {  	_ =	shalt  }
0x70: {  	_ =	shalt  }
0x71: {  	_ =	shalt  }
0x72: {  	_ =	shalt  }
0x73: {  	_ =	shalt  }
0x74: {  	_ =	shalt  }
0x75: {  	_ =	shalt  }
0x76: {  	_ =	shalt  }
0x77: {  	_ =	shalt  }
0x78: {  	_ =	shalt  }
0x79: {  	_ =	shalt  }
0x7a: {  	_ =	shalt  }
0x7b: {  	_ =	shalt  }
0x7c: {  	_ =	shalt  }
0x7d: {  	_ =	shalt  }
0x7e: {  	_ =	shalt  }
0x7f: {  	_ =	shalt  }
0x80: {  	_ =	shalt  }
0x81: {  	_ =	shalt  }
0x82: {  	_ =	shalt  }
0x83: {  	_ =	shalt  }
0x84: {  	_ =	shalt  }
0x85: {  	_ =	shalt  }
0x86: {  	_ =	shalt  }
0x87: {  	_ =	shalt  }
.Lfunc_end0:
.L_simem_size_0:
called_computation.1_lowered:
.L_overlay_start_0:
0x88: {  	s2 =	sld [smem:$0x3FD9]  }
0x89: {  	s3 =	sld [smem:$0x3FFE];
	_ =	sdelay $0x1  }
0x8a: {  	s1 =	srdreg.scid  }
0x8b: {  	s0 =	sand.u32 $0x1, s1  }
0x8c: {  	s14 =	sshll.u32 s0, $0xA;
	s2 =	sadd.s32 s3, s2  }
0x8d: {  	s2 =	sadd.s32 s2, s14  }
0x8e: {  	[smem:$0x3FBD] =	sst s2  }
0x8f: {  	_ = 	snop  }
0x90: {  	s2 =	sld [smem:$0x3FD0];
	_ =	sdelay $0x2  }
0x91: {  	s15 =	simm.s32 $0xA;
	s4 =	simm.s32 $0x10  }
0x92: {  	[smem:s4], [sflag:s15] =	dma.local [hbm:s2], $0x1  }
0x93: {  	_ =	swait.eq [sflag:s15], $0x1  }
0x94: {  	[sflag:s15] =	ssyncset.done $0x0  }
0x95: {  	[sflag:s15] =	ssyncadd.s32 $0xFFFFFFFF  }
0x96: {  	s16 =	sld [smem:$0x10];
	(tm) =	ssettm $0x1  }
0x97: {  	s17 =	sld [smem:$0x3FFB];
	_ =	sdelay $0x3  }
0x98: {  	_ =	strace s17  }
0x99: {  	s3 =	sld [smem:$0x3FFC];
	_ =	sdelay $0x3  }
0x9a: {  	_ =	strace s3  }
0x9b: {  	s3 =	sld [smem:$0x3FFD];
	_ =	sdelay $0x3  }
0x9c: {  	_ =	strace s3  }
0x9d: {  	_ =	strace $0x8FFFFFFF  }
0x9e: {  	s18 =	sld [smem:$0x3FDB];
	_ =	sdelay $0x1  }
0x9f: {  	s19 =	simm.s32 $_scs_section_size  }
0xa0: {  	s5 =	simm.s32 $_size__tile_overlayer_lowered;
	s6 =	simm.s32 $_tile_overlayer_lowered  }
0xa1: {  	s22 =	simm.s32 $0x1BFF;
	s21 =	sshll.u32 s6, $0x1;
	s3 =	sadd.s32 s19, s18  }
0xa2: {  	s7 =	simm.s32 $0x0;
	s20 =	sshll.u32 s5, $0x1;
	s5 =	sadd.s32 s21, s3  }
0xa3: {  	[timem:s7], [sflag:s22] =	dma.local [hbm:s5], s20  }
0xa4: {  	_ =	swait.ge [sflag:s22], s20  }
0xa5: {  	s4 =	ssub.s32 $0x0, s20;
	[sflag:s22] =	ssyncset.done $0x0  }
0xa6: {  	[sflag:s22] =	ssyncadd.s32 s4;
	_ =	sdelay $0x1  }
0xa7: {  	s23 =	simm.s32 $0x1B8B  }
0xa8: {  	_ =	swait.ge [sflag:s23], $0x1  }
0xa9: {  	[sflag:s23] =	ssyncset.done $0x0  }
0xaa: {  	s25 =	simm.s32 $0x1B8E;
	s24 =	sld [smem:$0x3FFE];
	[sflag:s23] =	ssyncadd.s32 $0xFFFFFFFF  }
0xab: {  	s26 =	simm.s32 $execute0_lowered;
	[smem:$0x3FD2] =	sst s25  }
0xac: {  	s5 =	sshll.u32 s26, $0x1;
	_ =	strace $0x80000049;
	[dreg:$0x1] =	wrdreg $0xFFFFFFFF  }
0xad: {  	s28 =	simm.s32 $_size_execute0_lowered;
	s3 =	sadd.s32 s3, s5;
	[dreg:$0x0] =	wrdreg $0x0  }
0xae: {  	s5 =	sshll.u32 s28, $0x1;
	[dreg:$0x2] =	wrdreg s3  }
0xaf: {  	[dreg:$0x3] =	wrdreg s5  }
0xb0: {  	[dreg:$0x4] =	wrdreg $0xC0  }
0xb1: {  	_ =	task [dreg:s7], $0x5FFFF  }
0xb2: {  	[dreg:$0x1] =	wrdreg $0xFFFFFFFF  }
0xb3: {  	[dreg:$0x0] =	wrdreg $0x60  }
0xb4: {  	[dreg:$0x2] =	wrdreg s24  }
0xb5: {  	[dreg:$0x3] =	wrdreg s16  }
0xb6: {  	[dreg:$0x4] =	wrdreg $0x88800  }
0xb7: {  	[dreg:$0x5] =	wrdreg $0x9  }
0xb8: {  	_ =	task.clear_ibuf [dreg:s7], $0x6FFFF;
	_ =	strace $0x90000049  }
0xb9: {  	s29 =	simm.s32 $0x9;
	_ =	strace $0x8000004B  }
0xba: {  	_ =	swait.ge [sflag:s29], $0x1  }
0xbb: {  	[sflag:s29] =	ssyncadd.s32 $0xFFFFFFFF  }
0xbc: {  	_ =	strace $0x9000004B  }
0xbd: {  	_ =	sfence  }
0xbe: {  	s30 =	sld [smem:$0x0];
	_ =	sdelay $0x2  }
0xbf: {  	s31 =	sshll.u32 s1, $0xD;
	s1 =	sshrl.u32 s1, $0x2  }
0xc0: {  	s3 =	sand.u32 $0x4000, s31;
	s1 =	sadd.s32 s1, s30  }
0xc1: {  	s0 =	sor.u32 s3, s0;
	s1 =	sshll.u32 s1, $0x11  }
0xc2: {  	s0 =	sor.u32 s1, s0  }
0xc3: {  	s0 =	sadd.s32 $0x8F2B, s0  }
0xc4: {  	[sflag:s0] =	ssyncadd.remote.s32 $0x1  }
0xc5: {  	_ =	sfence.sel $0xFFFF  }
0xc6: {  	[dreg:$0x0] =	wrdreg $0xFFFFFFFF;
	(pc) =	sbr.abs _section_cstart, $3  }
0xc7: {  	[dreg:$0x1] =	wrdreg $0xFFFFFFFF  }
0xc8: {  	_ =	task.clear_ibuf [dreg:s7], $0x2FFFF;
	_ =	strace $0x9FFFFFFF  }
0xc9: {  	(tm) =	ssettm $0x7FFFFFFF  }
tec
execute0_lowered:
.L_overlay_start_1:
0x0: {  	(tag) =	ssettag $0x1  }
0x1: {  	s8 =	rddreg [dreg:$0x0]  }
0x2: {  	s1 =	rddreg [dreg:$0x1]  }
0x3: {  	s2 =	rddreg [dreg:$0x2]  }
0x4: {  	s3 =	srdreg.scid;
	s0 =	rddreg [dreg:$0x3];
	s4 =	simm.s32 $0x0  }
0x5: {  	s18 =	simm.s32 $0x50;
	s19 =	simm.s32 $0x1080;
	s20 =	simm.s32 $0x3880  }
0x6: {  	s21 =	simm.s32 $0x1;
	s9 =	sand.u32 $0x1, s3;
	s3 =	stileid.u32  }
0x7: {  	s22 =	simm.s32 $0x1000;
	[smem:$0x7FF] =	sst s4;
	s14 =	smul.u32 $0x1400, s9  }
0x8: {  	s5 =	sadd.s32 $0xC800, s8;
	s7 =	sadd.s32 $0x9DA600, s8;
	s6 =	smul.u32 $0x140, s3  }
0x9: {  	_ =	strace $0x8000004A;
	s11 =	smul.u32 $0x29000, s3;
	s9 =	ssub.s32 $0x2, s9  }
0xa: {  	s13 =	smul.u32 $0x28000, s3;
	s31 =	sshrl.u32 s9, $0x1;
	s10 =	sadd.s32 s6, s14  }
0xb: {  	s6 =	sadd.s32 $0x2A00, s8;
	s30 =	sshrl.u32 s11, $0x2;
	s16 =	ssub.s32 s9, s31  }
0xc: {  	s9 =	smul.u32 $0x4E20, s3;
	s17 =	sshrl.u32 s13, $0x2;
	s10 =	sshll.u32 s10, $0x4  }
0xd: {  	v1 =	vimm.f32 $0.0e+00;
	s23 =	sadd.s32 s17, s2;
	s15 =	sadd.s32 s10, s8;
	s8 =	sadd.s32 s30, s2  }
0xe: {  	v2 =	vimm.s32 $0x0;
	v3 =	vimm.s32 $0x1;
	v4 =	vimm.s32 $0x2;
	s17 =	simm.s32 $0x3;
	s23 =	sshrl.u32 s23, $0x3;
	s10 =	sadd.s32 $0x2800, s8  }
0xf: {  	v5 =	vimm.s32 $0x3;
	v6 =	vimm.s32 $0x4;
	v7 =	vimm.s32 $0x5;
	s11 =	sadd.s32 $0x5000, s8;
	s12 =	sadd.s32 $0x7800, s8;
	s13 =	sadd.s32 $0xA000, s8  }
0x10: {  	v8 =	vimm.s32 $0x6;
	v9 =	vimm.s32 $0x7;
	v0 =	vmov s14;
	s14 =	sadd.s32 $0x2B8800, s15;
	s15 =	smax.u32 s16, $0x1;
	s16 =	simm.s32 $0x6080  }
.LBB2_1:
0x11: {  	s24 =	simm.s32 $0x0;
	s25 =	simm.s32 $0x200  }
.LBB2_2:
0x12: {  	p0 =	sne.s32 s25, $0x9E00;
	[tilespmem:s24+$0x60F0] =	vst v1  }
0x13: {  	[tilespmem:s24+$0x6080] =	vst v1  }
0x14: {  	[tilespmem:s24+$0x6090] =	vst v1  }
.Ltmp0:
0x15: {  	[tilespmem:s24+$0x60A0] =	vst v1;
	(pc) =	sbr.rel @p0 .LBB2_2-.Ltmp0, $4  }
0x16: {  	[tilespmem:s24+$0x60B0] =	vst v1  }
0x17: {  	[tilespmem:s24+$0x60C0] =	vst v1  }
0x18: {  	[tilespmem:s24+$0x60D0] =	vst v1  }
0x19: {  	[tilespmem:s24+$0x60E0] =	vst v1;
	s24 =	sshra.s32 s25, $0x2;
	s25 =	sadd.s32 $0x200, s25  }
0x1a: {  	[tilespmem:s24+$0x60F0] =	vst v1  }
0x1b: {  	[tilespmem:s24+$0x6080] =	vst v1  }
0x1c: {  	[tilespmem:s24+$0x6090] =	vst v1  }
0x1d: {  	[tilespmem:s24+$0x60A0] =	vst v1  }
0x1e: {  	[tilespmem:s24+$0x60B0] =	vst v1  }
0x1f: {  	[tilespmem:s24+$0x60C0] =	vst v1  }
0x20: {  	[tilespmem:s24+$0x60D0] =	vst v1  }
0x21: {  	[tilespmem:s24+$0x60E0] =	vst v1  }
0x22: {  	[spmem:s8] =	stream.linear.scatter [tilespmem:s16], [sflag:$0x3], $0x2800, $0x38;
	[tilespmem:$0x12C80] =	vst v63  }
0x23: {  	_ =	swait.ge [sflag:s17], $0x2800  }
0x24: {  	[sflag:s17] =	ssyncset.done $0x0  }
0x25: {  	[sflag:s17] =	ssyncadd.s32 $0xFFFFD800  }
0x26: {  	[spmem:s10] =	stream.linear.scatter [tilespmem:s16], [sflag:$0x3], $0x2800, $0x38;
	[tilespmem:$0x12C80] =	vst v63  }
0x27: {  	_ =	swait.ge [sflag:s17], $0x2800  }
0x28: {  	[sflag:s17] =	ssyncset.done $0x0  }
0x29: {  	[sflag:s17] =	ssyncadd.s32 $0xFFFFD800  }
0x2a: {  	[spmem:s11] =	stream.linear.scatter [tilespmem:s16], [sflag:$0x3], $0x2800, $0x38;
	[tilespmem:$0x12C80] =	vst v63  }
0x2b: {  	_ =	swait.ge [sflag:s17], $0x2800  }
0x2c: {  	[sflag:s17] =	ssyncset.done $0x0  }
0x2d: {  	[sflag:s17] =	ssyncadd.s32 $0xFFFFD800  }
0x2e: {  	[spmem:s12] =	stream.linear.scatter [tilespmem:s16], [sflag:$0x3], $0x2800, $0x38;
	[tilespmem:$0x12C80] =	vst v63  }
0x2f: {  	_ =	swait.ge [sflag:s17], $0x2800  }
0x30: {  	[sflag:s17] =	ssyncset.done $0x0  }
0x31: {  	[sflag:s17] =	ssyncadd.s32 $0xFFFFD800  }
0x32: {  	[spmem:s13] =	stream.linear.scatter [tilespmem:s16], [sflag:$0x3], $0x400, $0x38;
	[tilespmem:$0x12C80] =	vst v63  }
0x33: {  	_ =	swait.ge [sflag:s17], $0x400  }
0x34: {  	[sflag:s17] =	ssyncset.done $0x0  }
0x35: {  	[sflag:s17] =	ssyncadd.s32 $0xFFFFFC00  }
0x36: {  	s24 =	simm.s32 $0x0;
	s25 =	simm.s32 $0x0;
	[bflag:$0x0] =	sbarrier.arrive $0xFFFF  }
.LBB2_4:
0x37: {  	s26 =	smul.u32 $0x29, s25;
	_ =	sdelay $0x1  }
0x38: {  	s26 =	sshrl.u32 s26, $0xA  }
0x39: {  	s26 =	sand.u32 $0x3F, s26  }
0x3a: {  	s26 =	smul.u32 $0x19, s26;
	_ =	sdelay $0x1  }
0x3b: {  	s28 =	smul.u32 $0x50, s25;
	s26 =	ssub.s32 s25, s26  }
0x3c: {  	s26 =	sand.u32 $0xFF, s26  }
0x3d: {  	s28 =	sadd.s32 s9, s28;
	p0 =	sne.s32 s26, $0x0  }
0x3e: {  	s29 =	sshrl.u32 @!p0 s28, $0x3  }
0x3f: {  	s31 =	simm.s32 @!p0 $0x0;
	s30 =	sadd.s32 @!p0 s5, s29  }
0x40: {  	[tilespmem:s31], [sflag:$0x2] =	stream.linear.gather @!p0 [hbm4b:s30+s31], $0x7D0, $0x38;
	[tilespmem:$0x12C80] =	vst v63  }
0x41: {  	s29 =	sadd.s32 @!p0 s6, s29;
	s30 =	simm.s32 @!p0 $0x800  }
0x42: {  	[tilespmem:s30], [sflag:$0x2] =	stream.linear.gather @!p0 [hbm4b:s29+s31], $0x7D0, $0x38;
	[tilespmem:$0x12C80] =	vst v63  }
0x43: {  	s29 =	simm.s32 @!p0 $0x2  }
0x44: {  	_ =	swait.ge @!p0 [sflag:s29], $0x7D0  }
0x45: {  	[sflag:s29] =	ssyncset.done @!p0 $0x0  }
0x46: {  	[sflag:s29] =	ssyncadd.s32 @!p0 $0xFFFFF830  }
0x47: {  	_ =	swait.ge @!p0 [sflag:s29], $0x7D0  }
0x48: {  	s26 =	smul.u32 $0x50, s26;
	[sflag:s29] =	ssyncset.done @!p0 $0x0  }
0x49: {  	s28 =	sshll.u32 s28, $0x4;
	[sflag:s29] =	ssyncadd.s32 @!p0 $0xFFFFF830  }
0x4a: {  	[tilespmem:s19], [sflag:$0x1] =	stream.indirect.gather [hbm4b:s1+s18], $0x80, s26, s18, $0xb8;
	[tilespmem:$0x12C80] =	vst v63  }
0x4b: {  	s28 =	sadd.s32 s7, s28  }
0x4c: {  	[tilespmem:s20], [sflag:$0x1] =	stream.linear.gather [hbm4b:s28+s24], $0x2800, $0x38;
	[tilespmem:$0x12C80] =	vst v63  }
0x4d: {  	v10 =	vld [tilespmem:s26+$0x800];
	_ =	sdelay $0x4  }
0x4e: {  	v10 =	vsub.s32 v10, v0  }
0x4f: {  	v10 =	vmin.u32 v10, $0x1400  }
0x50: {  	[tilespmem:$0x1000] =	vst v10  }
0x51: {  	v10 =	vld [tilespmem:s26+$0x810];
	_ =	sdelay $0x4  }
0x52: {  	v10 =	vsub.s32 v10, v0  }
0x53: {  	v10 =	vmin.u32 v10, $0x1400  }
0x54: {  	[tilespmem:$0x1010] =	vst v10  }
0x55: {  	v10 =	vld [tilespmem:s26+$0x820];
	_ =	sdelay $0x4  }
0x56: {  	v10 =	vsub.s32 v10, v0  }
0x57: {  	v10 =	vmin.u32 v10, $0x1400  }
0x58: {  	[tilespmem:$0x1020] =	vst v10  }
0x59: {  	v10 =	vld [tilespmem:s26+$0x830];
	_ =	sdelay $0x4  }
0x5a: {  	v10 =	vsub.s32 v10, v0  }
0x5b: {  	v10 =	vmin.u32 v10, $0x1400  }
0x5c: {  	[tilespmem:$0x1030] =	vst v10  }
0x5d: {  	v10 =	vld [tilespmem:s26+$0x840];
	_ =	sdelay $0x4  }
0x5e: {  	v10 =	vsub.s32 v10, v0  }
0x5f: {  	v10 =	vmin.u32 v10, $0x1400  }
0x60: {  	[tilespmem:$0x1040] =	vst v10  }
0x61: {  	_ =	swait.ge [sflag:s21], $0x2800  }
0x62: {  	[sflag:s21] =	ssyncset.done $0x0  }
0x63: {  	[sflag:s21] =	ssyncadd.s32 $0xFFFFD800  }
0x64: {  	_ =	swait.ge [sflag:s21], $0x2800  }
0x65: {  	[sflag:s21] =	ssyncset.done $0x0  }
0x66: {  	s28 =	simm.s32 $0x0;
	[sflag:s21] =	ssyncadd.s32 $0xFFFFD800  }
0x67: {  	v10 =	vld [tilespmem:s28+$0x3880]  }
0x68: {  	v11 =	vld [tilespmem:s28+$0x1080]  }
0x69: {  	v17 =	vld [tilespmem:s28+$0x10F0]  }
0x6a: {  	v12 =	vld [tilespmem:s28+$0x1090]  }
0x6b: {  	v13 =	vld [tilespmem:s28+$0x10A0]  }
0x6c: {  	v14 =	vld [tilespmem:s28+$0x10B0];
	v22 =	vperm.xlane v10, v2;
	v19 =	vperm.xlane v10, v9  }
0x6d: {  	v16 =	vld [tilespmem:s28+$0x10C0];
	v21 =	vperm.xlane v10, v3;
	v20 =	vperm.xlane v10, v4  }
0x6e: {  	v15 =	vld [tilespmem:s28+$0x10D0];
	v18 =	vperm.xlane v10, v5;
	v24 =	vmul.f32 v19, v17  }
0x6f: {  	s29 =	simm.s32 $0x400;
	s26 =	simm.s32 $0x80;
	v23 =	vperm.xlane v10, v6;
	v19 =	vperm.xlane v10, v7;
	v17 =	vld [tilespmem:s28+$0x10E0]  }
.LBB2_5:
0x70: {  	p0 =	sne.s32 s29, $0x9E00;
	v22 =	vmul.f32 v22, v11;
	v25 =	vperm.xlane v10, v8;
	v10 =	vld [tilespmem:s26+$0x3880];
	[tilespmem:s28+$0x60F0] =	vst v24  }
0x71: {  	v21 =	vmul.f32 v21, v12;
	v20 =	vmul.f32 v20, v13;
	v11 =	vld [tilespmem:s26+$0x1080]  }
0x72: {  	v18 =	vmul.f32 v18, v14;
	v24 =	vld [tilespmem:s26+$0x10F0];
	[tilespmem:s28+$0x6080] =	vst v22;
	v23 =	vmul.f32 v23, v16  }
0x73: {  	v12 =	vld [tilespmem:s26+$0x1090];
	[tilespmem:s28+$0x6090] =	vst v21;
	v19 =	vmul.f32 v19, v15  }
.Ltmp1:
0x74: {  	v13 =	vld [tilespmem:s26+$0x10A0];
	[tilespmem:s28+$0x60A0] =	vst v20;
	v25 =	vmul.f32 v25, v17;
	(pc) =	sbr.rel @p0 .LBB2_5-.Ltmp1, $4  }
0x75: {  	v22 =	vperm.xlane v10, v2;
	v14 =	vld [tilespmem:s26+$0x10B0];
	v17 =	vperm.xlane v10, v9;
	[tilespmem:s28+$0x60B0] =	vst v18  }
0x76: {  	v21 =	vperm.xlane v10, v3;
	v20 =	vperm.xlane v10, v4;
	v16 =	vld [tilespmem:s26+$0x10C0];
	[tilespmem:s28+$0x60C0] =	vst v23  }
0x77: {  	v18 =	vperm.xlane v10, v5;
	v15 =	vld [tilespmem:s26+$0x10D0];
	v24 =	vmul.f32 v17, v24;
	[tilespmem:s28+$0x60D0] =	vst v19  }
0x78: {  	v23 =	vperm.xlane v10, v6;
	v19 =	vperm.xlane v10, v7;
	v17 =	vld [tilespmem:s26+$0x10E0];
	[tilespmem:s28+$0x60E0] =	vst v25;
	s28 =	smov.u32 s26;
	s26 =	sshra.s32 s29, $0x2;
	s29 =	sadd.s32 $0x200, s29  }
0x79: {  	v25 =	vld [tilespmem:s26+$0x3880];
	[tilespmem:s28+$0x60F0] =	vst v24;
	v11 =	vmul.f32 v22, v11  }
0x7a: {  	v12 =	vmul.f32 v21, v12;
	v55 =	vld [tilespmem:s26+$0x1080]  }
0x7b: {  	v13 =	vmul.f32 v20, v13;
	v24 =	vld [tilespmem:s26+$0x10F0];
	[tilespmem:s28+$0x6080] =	vst v11  }
0x7c: {  	v14 =	vmul.f32 v18, v14;
	v11 =	vld [tilespmem:s26+$0x1090];
	[tilespmem:s28+$0x6090] =	vst v12  }
0x7d: {  	v10 =	vperm.xlane v10, v8;
	v16 =	vmul.f32 v23, v16;
	v12 =	vld [tilespmem:s26+$0x10A0];
	[tilespmem:s28+$0x60A0] =	vst v13  }
0x7e: {  	v15 =	vmul.f32 v19, v15;
	v13 =	vld [tilespmem:s26+$0x10B0];
	[tilespmem:s28+$0x60B0] =	vst v14;
	v56 =	vperm.xlane v25, v9  }
0x7f: {  	v10 =	vmul.f32 v10, v17;
	v58 =	vperm.xlane v25, v2;
	v14 =	vld [tilespmem:s26+$0x10C0];
	[tilespmem:s28+$0x60C0] =	vst v16  }
0x80: {  	v59 =	vperm.xlane v25, v3;
	v57 =	vld [tilespmem:s26+$0x10D0];
	[tilespmem:s28+$0x60D0] =	vst v15;
	v16 =	vmul.f32 v56, v24  }
0x81: {  	v61 =	vperm.xlane v25, v4;
	v60 =	vld [tilespmem:s26+$0x10E0];
	[tilespmem:s28+$0x60E0] =	vst v10;
	v10 =	vmul.f32 v58, v55  }
0x82: {  	v62 =	vperm.xlane v25, v5;
	v11 =	vmul.f32 v59, v11;
	[tilespmem:s26+$0x60F0] =	vst v16  }
0x83: {  	v63 =	vperm.xlane v25, v6;
	v12 =	vmul.f32 v61, v12;
	[tilespmem:s26+$0x6080] =	vst v10  }
0x84: {  	v10 =	vperm.xlane v25, v7;
	v13 =	vmul.f32 v62, v13;
	[tilespmem:s26+$0x6090] =	vst v11  }
0x85: {  	v11 =	vperm.xlane v25, v8;
	v14 =	vmul.f32 v63, v14;
	[tilespmem:s26+$0x60A0] =	vst v12  }
0x86: {  	v10 =	vmul.f32 v10, v57;
	[tilespmem:s26+$0x60B0] =	vst v13  }
0x87: {  	s25 =	sadd.s32 $0x1, s25;
	v11 =	vmul.f32 v11, v60;
	[tilespmem:s26+$0x60C0] =	vst v14  }
0x88: {  	p0 =	sne.s32 s25, $0xFA;
	[tilespmem:s26+$0x60D0] =	vst v10  }
.Ltmp2:
0x89: {  	[tilespmem:s26+$0x60E0] =	vst v11;
	(pc) =	sbr.rel @p0 .LBB2_4-.Ltmp2, $4  }
0x8a: {  	[spmem:s2] =	stream.indirect.scatter.add.f32 [tilespmem:s16], [sflag:$0x3], $0x80, s22, s18, $0xb8;
	[tilespmem:$0x12C80] =	vst v63  }
0x8b: {  	_ =	swait.ge [sflag:s17], $0x2800  }
0x8c: {  	[sflag:s17] =	ssyncset.done $0x0  }
0x8d: {  	[sflag:s17] =	ssyncadd.s32 $0xFFFFD800  }
0x8e: {  	s4 =	sadd.s32 $0x1, s4  }
0x8f: {  	s24 =	sshll.u32 s3, $0x6;
	p0 =	sne.s32 s4, s15  }
.Ltmp3:
0x90: {  	[bflag:$0x0] =	sbarrier.arrive $0xFFFF;
	s24 =	sor.u32 $0x1C03, s24;
	(pc) =	sbr.rel @p0 .LBB2_1-.Ltmp3, $4  }
0x91: {  	[hbm:s14], [sflag:s24] =	dma.local [spmem:s23], $0x1400  }
0x92: {  	_ =	swait.ge [sflag:s17], $0x1400  }
0x93: {  	[sflag:s17] =	ssyncset.done $0x0  }
0x94: {  	[sflag:s17] =	ssyncadd.s32 $0xFFFFEC00  }
0x95: {  	_ =	sfence.sel $0x180000  }
0x96: {  	[bflag:$0x0] =	sbarrier.arrive $0xFFFF  }
0x97: {  	p0 =	sne.s32 s3, $0x0;
	_ =	strace $0x9000004A  }
0x98: {  	s0 =	sadd.s32 @!p0 $0x100000, s0;
	[bflag:$0x2] =	sbarrier.arrive $0xFFFF  }
0x99: {  	[sflag:s0] =	ssyncadd.tile.s32 @!p0 $0x1;
	_ =	shalt  }
.Lfunc_end2:
_tile_overlayer_lowered:
.L_overlay_start_2:
0x9a: {  	(tag) =	ssettag $0x2  }
0x9b: {  	s0 =	rddreg [dreg:$0x0];
	s2 =	stileid.u32  }
0x9c: {  	s1 =	rddreg [dreg:$0x1];
	p0 =	sne.s32 s2, $0x0  }
0x9d: {  	s3 =	rddreg [dreg:$0x2];
	[bflag:$0x3] =	sbarrier.arrive $0xFFFF;
	s2 =	simm.s32 @!p0 $0x1C03  }
0x9e: {  	[timem:s3], [sflag:s2] =	dma.local @!p0 [hbm:s0], s1  }
0x9f: {  	s0 =	simm.s32 @!p0 $0x3  }
0xa0: {  	_ =	swait.ge @!p0 [sflag:s0], s1  }
0xa1: {  	s1 =	ssub.s32 @!p0 $0x0, s1;
	[sflag:s0] =	ssyncset.done @!p0 $0x0  }
0xa2: {  	[sflag:s0] =	ssyncadd.s32 @!p0 s1  }
0xa3: {  	[bflag:$0x3] =	sbarrier.arrive $0xFFFF  }
0xa4: {  	_ =	shalt  }

// kernel: kernel.7.cloned.1.call-start
scs
__scs_entry_jumppad:
0x0: {  	(pc) =	sbr.rel $0x88, $3  }
0x1: {  	(tag) =	ssettag $0x0;
	lr =	simm.s32 $0x1  }
0x2: {  	[smem:$0x3F96] =	sst lr;
	_ =	strace $0xD0000000  }
0x3: {  	_ = 	snop  }
0x4: {  	_ = 	snop  }
0x5: {  	_ = 	snop  }
0x6: {  	_ = 	snop  }
0x7: {  	_ = 	snop  }
__scs_overlays_trampoline_lowered:
0x8: {  	[smem:$0x3FA5] =	sst s0  }
0x9: {  	[smem:$0x3FA6] =	sst s1  }
0xa: {  	[smem:$0x3FA7] =	sst s2  }
0xb: {  	[smem:$0x3FA8] =	sst s3  }
0xc: {  	[smem:$0x3FA9] =	sst s4  }
0xd: {  	[smem:$0x3FAA] =	sst s5  }
0xe: {  	[smem:$0x3FAB] =	sst s6  }
0xf: {  	[smem:$0x3FAC] =	sst s7  }
0x10: {  	[smem:$0x3FAD] =	sst s8  }
0x11: {  	[smem:$0x3FAE] =	sst s9;
	s0 =	simm.s32 @!p0 $0x0  }
0x12: {  	s1 =	sld [smem:$0x3F94];
	s0 =	simm.s32 @p0 $0x1  }
0x13: {  	[smem:$0x3FAF] =	sst s0;
	s0 =	simm.s32 @!p1 $0x0  }
0x14: {  	s2 =	sld [smem:$0x3F93];
	s0 =	simm.s32 @p1 $0x1  }
0x15: {  	[smem:$0x3FB0] =	sst s0;
	s0 =	simm.s32 @!p2 $0x0  }
0x16: {  	s3 =	sld [smem:$0x3FDB];
	s0 =	simm.s32 @p2 $0x1  }
0x17: {  	s4 =	simm.s32 $0x1BF5;
	[smem:$0x3FB2] =	sst s0  }
0x18: {  	s0 =	sld [smem:$0x3F95];
	_ =	swait.ge [sflag:s4], $0x0  }
0x19: {  	s7 =	sld [smem:$0x3F96]  }
0x1a: {  	s8 =	sadd.s32 $0xFFFFE003, lr  }
0x1b: {  	s9 =	sadd.s32 $0xFFFFFEF7, lr;
	s5 =	simm.s32 $0xFFFFFFFF;
	p2 =	slt.u32 s8, $0xFFFFF086  }
0x1c: {  	p1 =	slt.u32 s9, $0xF7A;
	s5 =	simm.s32 @!p2 $0x0  }
0x1d: {  	s5 =	simm.s32 @p1 $0x1;
	p0 =	seq.s32 s7, s2  }
0x1e: {  	s7 =	smul.u32 @!p0 $0xF7A, s2;
	p2 =	seq.s32 @!p0 s5, $0x0  }
0x1f: {  	s9 =	smul.u32 $0xF7A, s1;
	s8 =	simm.s32 @!p0 $0x1BF5;
	p2 =	por !p2, p0  }
0x20: {  	[sflag:s8] =	ssyncset.s32 @!p0 $0xFFFFF086;
	s6 =	sadd.s32 @!p0 s3, s7;
	s7 =	simm.s32 @!p0 $0x108  }
0x21: {  	s3 =	sadd.s32 s3, s9;
	s6 =	sadd.s32 @!p0 $0x88, s6;
	s7 =	simm.s32 @p2 $0x1082  }
0x22: {  	[simem:s7], [sflag:s8] =	dma.local @!p0 [hbm:s6], $0xF7A  }
0x23: {  	s9 =	sor.u32 $0xD0000000, s2;
	s6 =	simm.s32 $0x108;
	_ =	swait.ge @!p0 [sflag:s8], $0x0  }
0x24: {  	s3 =	sadd.s32 $0x88, s3;
	s6 =	simm.s32 @!p1 $0x1082;
	[sflag:s4] =	ssyncset.s32 $0xFFFFF086  }
0x25: {  	[simem:s6], [sflag:s4] =	dma.local [hbm:s3], $0xF7A  }
0x26: {  	[smem:$0x3F96] =	sst s1;
	(tag) =	ssettag s2;
	_ =	strace s9  }
0x27: {  	s1 =	sld [smem:$0x3FA6]  }
0x28: {  	s2 =	sld [smem:$0x3FA7]  }
0x29: {  	s4 =	sld [smem:$0x3FA9]  }
0x2a: {  	p0 =	seq.s32 s5, $0x0;
	s5 =	sld [smem:$0x3FAA]  }
0x2b: {  	s6 =	sld [smem:$0x3FAB]  }
0x2c: {  	s7 =	sld [smem:$0x3FAC]  }
0x2d: {  	s3 =	simm.s32 $0x108;
	s8 =	sld [smem:$0x3FAD]  }
0x2e: {  	s3 =	simm.s32 @!p0 $0x1082;
	s9 =	sld [smem:$0x3FAE]  }
0x2f: {  	lr =	sadd.s32 s0, s3;
	s0 =	sld [smem:$0x3FA5]  }
0x30: {  	s3 =	sld [smem:$0x3FA8]  }
0x31: {  	[smem:$0x3FB1] =	sst s10  }
0x32: {  	s10 =	sld [smem:$0x3FAF];
	_ =	sdelay $0x3  }
0x33: {  	p0 =	seq.s32 s10, $0x1;
	s10 =	sld [smem:$0x3FB1];
	_ =	sdelay $0x3  }
0x34: {  	[smem:$0x3FB1] =	sst s10  }
0x35: {  	s10 =	sld [smem:$0x3FB0];
	_ =	sdelay $0x3  }
0x36: {  	p1 =	seq.s32 s10, $0x1;
	s10 =	sld [smem:$0x3FB1];
	_ =	sdelay $0x3  }
0x37: {  	[smem:$0x3FB1] =	sst s10  }
0x38: {  	s10 =	sld [smem:$0x3FB2]  }
0x39: {  	_ = 	snop;
	(pc) =	sbr.ind lr, $3  }
0x3a: {  	_ = 	snop  }
0x3b: {  	_ = 	snop  }
0x3c: {  	p2 =	seq.s32 s10, $0x1;
	s10 =	sld [smem:$0x3FB1]  }
0x3d: {  	_ =	shalt  }
0x3e: {  	_ =	shalt  }
0x3f: {  	_ =	shalt  }
0x40: {  	_ =	shalt  }
0x41: {  	_ =	shalt  }
0x42: {  	_ =	shalt  }
0x43: {  	_ =	shalt  }
0x44: {  	_ =	shalt  }
0x45: {  	_ =	shalt  }
0x46: {  	_ =	shalt  }
0x47: {  	_ =	shalt  }
0x48: {  	_ =	shalt  }
0x49: {  	_ =	shalt  }
0x4a: {  	_ =	shalt  }
0x4b: {  	_ =	shalt  }
0x4c: {  	_ =	shalt  }
0x4d: {  	_ =	shalt  }
0x4e: {  	_ =	shalt  }
0x4f: {  	_ =	shalt  }
0x50: {  	_ =	shalt  }
0x51: {  	_ =	shalt  }
0x52: {  	_ =	shalt  }
0x53: {  	_ =	shalt  }
0x54: {  	_ =	shalt  }
0x55: {  	_ =	shalt  }
0x56: {  	_ =	shalt  }
0x57: {  	_ =	shalt  }
0x58: {  	_ =	shalt  }
0x59: {  	_ =	shalt  }
0x5a: {  	_ =	shalt  }
0x5b: {  	_ =	shalt  }
0x5c: {  	_ =	shalt  }
0x5d: {  	_ =	shalt  }
0x5e: {  	_ =	shalt  }
0x5f: {  	_ =	shalt  }
0x60: {  	_ =	shalt  }
0x61: {  	_ =	shalt  }
0x62: {  	_ =	shalt  }
0x63: {  	_ =	shalt  }
0x64: {  	_ =	shalt  }
0x65: {  	_ =	shalt  }
0x66: {  	_ =	shalt  }
0x67: {  	_ =	shalt  }
0x68: {  	_ =	shalt  }
0x69: {  	_ =	shalt  }
0x6a: {  	_ =	shalt  }
0x6b: {  	_ =	shalt  }
0x6c: {  	_ =	shalt  }
0x6d: {  	_ =	shalt  }
0x6e: {  	_ =	shalt  }
0x6f: {  	_ =	shalt  }
0x70: {  	_ =	shalt  }
0x71: {  	_ =	shalt  }
0x72: {  	_ =	shalt  }
0x73: {  	_ =	shalt  }
0x74: {  	_ =	shalt  }
0x75: {  	_ =	shalt  }
0x76: {  	_ =	shalt  }
0x77: {  	_ =	shalt  }
0x78: {  	_ =	shalt  }
0x79: {  	_ =	shalt  }
0x7a: {  	_ =	shalt  }
0x7b: {  	_ =	shalt  }
0x7c: {  	_ =	shalt  }
0x7d: {  	_ =	shalt  }
0x7e: {  	_ =	shalt  }
0x7f: {  	_ =	shalt  }
0x80: {  	_ =	shalt  }
0x81: {  	_ =	shalt  }
0x82: {  	_ =	shalt  }
0x83: {  	_ =	shalt  }
0x84: {  	_ =	shalt  }
0x85: {  	_ =	shalt  }
0x86: {  	_ =	shalt  }
0x87: {  	_ =	shalt  }
.Lfunc_end0:
.L_simem_size_0:
called_computation_lowered:
.L_overlay_start_0:
0x88: {  	s2 =	sld [smem:$0x3FD9]  }
0x89: {  	s3 =	sld [smem:$0x3FFE];
	_ =	sdelay $0x1  }
0x8a: {  	s1 =	srdreg.scid  }
0x8b: {  	s0 =	sand.u32 $0x1, s1  }
0x8c: {  	s14 =	sshll.u32 s0, $0xA;
	s2 =	sadd.s32 s3, s2  }
0x8d: {  	s2 =	sadd.s32 s2, s14  }
0x8e: {  	[smem:$0x3FBD] =	sst s2  }
0x8f: {  	_ = 	snop  }
0x90: {  	s2 =	sld [smem:$0x3FD0];
	_ =	sdelay $0x2  }
0x91: {  	s15 =	simm.s32 $0xA;
	s4 =	simm.s32 $0x10  }
0x92: {  	[smem:s4], [sflag:s15] =	dma.local [hbm:s2], $0x1  }
0x93: {  	_ =	swait.eq [sflag:s15], $0x1  }
0x94: {  	[sflag:s15] =	ssyncset.done $0x0  }
0x95: {  	[sflag:s15] =	ssyncadd.s32 $0xFFFFFFFF  }
0x96: {  	s16 =	sld [smem:$0x11];
	(tm) =	ssettm $0x1  }
0x97: {  	s17 =	sld [smem:$0x3FFB];
	_ =	sdelay $0x3  }
0x98: {  	_ =	strace s17  }
0x99: {  	s3 =	sld [smem:$0x3FFC];
	_ =	sdelay $0x3  }
0x9a: {  	_ =	strace s3  }
0x9b: {  	s3 =	sld [smem:$0x3FFD];
	_ =	sdelay $0x3  }
0x9c: {  	_ =	strace s3  }
0x9d: {  	_ =	strace $0x8FFFFFFF  }
0x9e: {  	s18 =	sld [smem:$0x3FDB];
	_ =	sdelay $0x1  }
0x9f: {  	s19 =	simm.s32 $_scs_section_size  }
0xa0: {  	s5 =	simm.s32 $_size__tile_overlayer_lowered;
	s6 =	simm.s32 $_tile_overlayer_lowered  }
0xa1: {  	s22 =	simm.s32 $0x1BFF;
	s21 =	sshll.u32 s6, $0x1;
	s3 =	sadd.s32 s19, s18  }
0xa2: {  	s7 =	simm.s32 $0x0;
	s20 =	sshll.u32 s5, $0x1;
	s5 =	sadd.s32 s21, s3  }
0xa3: {  	[timem:s7], [sflag:s22] =	dma.local [hbm:s5], s20  }
0xa4: {  	_ =	swait.ge [sflag:s22], s20  }
0xa5: {  	s4 =	ssub.s32 $0x0, s20;
	[sflag:s22] =	ssyncset.done $0x0  }
0xa6: {  	[sflag:s22] =	ssyncadd.s32 s4;
	_ =	sdelay $0x1  }
0xa7: {  	s23 =	simm.s32 $0x1B8B  }
0xa8: {  	_ =	swait.ge [sflag:s23], $0x1  }
0xa9: {  	[sflag:s23] =	ssyncset.done $0x0  }
0xaa: {  	s25 =	simm.s32 $0x1B8E;
	s24 =	sld [smem:$0x3FFE];
	[sflag:s23] =	ssyncadd.s32 $0xFFFFFFFF  }
0xab: {  	s26 =	simm.s32 $execute0_lowered;
	[smem:$0x3FD2] =	sst s25  }
0xac: {  	s5 =	sshll.u32 s26, $0x1;
	_ =	strace $0x80000046;
	[dreg:$0x1] =	wrdreg $0xFFFFFFFF  }
0xad: {  	s28 =	simm.s32 $_size_execute0_lowered;
	s3 =	sadd.s32 s3, s5;
	[dreg:$0x0] =	wrdreg $0x0  }
0xae: {  	s5 =	sshll.u32 s28, $0x1;
	[dreg:$0x2] =	wrdreg s3  }
0xaf: {  	[dreg:$0x3] =	wrdreg s5  }
0xb0: {  	[dreg:$0x4] =	wrdreg $0xC0  }
0xb1: {  	_ =	task [dreg:s7], $0x5FFFF  }
0xb2: {  	[dreg:$0x1] =	wrdreg $0xFFFFFFFF  }
0xb3: {  	[dreg:$0x0] =	wrdreg $0x60  }
0xb4: {  	[dreg:$0x2] =	wrdreg s24  }
0xb5: {  	[dreg:$0x3] =	wrdreg s16  }
0xb6: {  	[dreg:$0x4] =	wrdreg $0xED000  }
0xb7: {  	[dreg:$0x5] =	wrdreg $0x9  }
0xb8: {  	_ =	task.clear_ibuf [dreg:s7], $0x6FFFF;
	_ =	strace $0x90000046  }
0xb9: {  	s29 =	simm.s32 $0x9;
	_ =	strace $0x80000048  }
0xba: {  	_ =	swait.ge [sflag:s29], $0x1  }
0xbb: {  	[sflag:s29] =	ssyncadd.s32 $0xFFFFFFFF  }
0xbc: {  	_ =	strace $0x90000048  }
0xbd: {  	_ =	sfence  }
0xbe: {  	s30 =	sld [smem:$0x0];
	_ =	sdelay $0x2  }
0xbf: {  	s31 =	sshll.u32 s1, $0xD;
	s1 =	sshrl.u32 s1, $0x2  }
0xc0: {  	s3 =	sand.u32 $0x4000, s31;
	s1 =	sadd.s32 s1, s30  }
0xc1: {  	s0 =	sor.u32 s3, s0;
	s1 =	sshll.u32 s1, $0x11  }
0xc2: {  	s0 =	sor.u32 s1, s0  }
0xc3: {  	s0 =	sadd.s32 $0x8F2B, s0  }
0xc4: {  	[sflag:s0] =	ssyncadd.remote.s32 $0x1  }
0xc5: {  	_ =	sfence.sel $0xFFFF  }
0xc6: {  	[dreg:$0x0] =	wrdreg $0xFFFFFFFF;
	(pc) =	sbr.abs _section_cstart, $3  }
0xc7: {  	[dreg:$0x1] =	wrdreg $0xFFFFFFFF  }
0xc8: {  	_ =	task.clear_ibuf [dreg:s7], $0x2FFFF;
	_ =	strace $0x9FFFFFFF  }
0xc9: {  	(tm) =	ssettm $0x7FFFFFFF  }
tec
execute0_lowered:
.L_overlay_start_1:
0x0: {  	(tag) =	ssettag $0x1  }
0x1: {  	vm0 =	vcmask $0xB08;
	vm1 =	vcmask $0x300;
	v0 =	vimm.s32 $0xEFCDAB89  }
0x2: {  	v3 =	vimm.s32 $0xDCFE98BA;
	vm2 =	vcmask $0x700;
	v4 =	vimm.s32 $0x54761032  }
0x3: {  	v5 =	vimm.s32 $0x32107654;
	v6 =	vimm.s32 $0x76543210;
	vm3 =	vcmask $0xF00  }
0x4: {  	v7 =	vimm.s32 $0xFFFFFFFD;
	v8 =	vimm.s32 $0xFFFFFFFC;
	v9 =	vimm.s32 $0xFFFFFFFB  }
0x5: {  	v10 =	vimm.s32 $0xFFFFFFFA;
	v11 =	vimm.s32 $0xFFFFFFF9;
	vm0 =	vmor vm1, vm0  }
0x6: {  	vm1 =	vcmask $0x1310;
	v1 =	vunpack.c.l.s4.s8 v0;
	v0 =	vimm.s32 $0x67452301  }
0x7: {  	s1 =	rddreg [dreg:$0x0];
	v3 =	vunpack.c.l.s4.s8 v3;
	vm0 =	vmor vm0, vm1;
	vm1 =	vcmask $0x1B18  }
0x8: {  	s0 =	rddreg [dreg:$0x1];
	v2 =	vunpack.c.l.s4.s8 v0;
	vm0 =	vmor vm0, vm1;
	vm1 =	vcmask $0x2320  }
0x9: {  	s2 =	rddreg [dreg:$0x2];
	s4 =	simm.s32 $0x0;
	s3 =	srdreg.scid;
	v1 =	vunpack.c.0.s8.s32 v1;
	vm0 =	vmor vm0, vm1;
	vm1 =	vcmask $0x2B28  }
0xa: {  	s14 =	stileid.u32;
	s15 =	simm.s32 $0xC500;
	s16 =	simm.s32 $0x4;
	v2 =	vunpack.c.0.s8.s32 v2;
	vm0 =	vmor vm0, vm1;
	vm1 =	vcmask $0x3330  }
0xb: {  	s17 =	simm.s32 $0x50;
	s18 =	simm.s32 $0x1100;
	s19 =	simm.s32 $0x3900;
	v5 =	vunpack.c.l.s4.s8 v5;
	v6 =	vunpack.c.l.s4.s8 v6;
	vm0 =	vmor vm0, vm1  }
0xc: {  	s20 =	simm.s32 $0x6100;
	s21 =	simm.s32 $0x1;
	s22 =	simm.s32 $0x1000;
	vm1 =	vcmask $0x3B38;
	v1 =	vcombine.low v2, v1;
	v2 =	vunpack.c.l.s4.s8 v4  }
0xd: {  	s23 =	simm.s32 $0x9D00;
	s24 =	simm.s32 $0x8900;
	[smem:$0x7FF] =	sst s4;
	v3 =	vunpack.c.0.s8.s32 v3;
	v4 =	vimm.s32 $0xBA98FEDC;
	vm0 =	vmor vm0, vm1  }
0xe: {  	s3 =	sand.u32 $0x1, s3;
	s11 =	smul.u32 $0x500, s14;
	s5 =	sadd.s32 $0xC800, s1;
	vm1 =	vcmask $0x1710;
	v4 =	vunpack.c.l.s4.s8 v4;
	v2 =	vunpack.c.0.s8.s32 v2  }
0xf: {  	s6 =	sadd.s32 $0x2A00, s1;
	s7 =	sadd.s32 $0x16600, s1;
	s8 =	sadd.s32 $0x4F8600, s1;
	v0 =	vimm.f32 $0.0e+00;
	vm1 =	vmor vm2, vm1;
	vm2 =	vcmask $0x2720  }
0x10: {  	s9 =	sadd.s32 $0x47800, s1;
	s10 =	sadd.s32 $0x9DA600, s1;
	s13 =	smul.u32 $0xA000, s14;
	v2 =	vcombine.low v2, v3;
	v3 =	vunpack.c.0.s8.s32 v4;
	v4 =	vimm.s32 $0xFEDCBA98  }
0x11: {  	_ =	strace $0x80000047;
	s12 =	smul.u32 $0x5000, s3;
	s28 =	ssub.s32 $0x2, s3;
	vm1 =	vmor vm1, vm2;
	vm2 =	vcmask $0x3730;
	v4 =	vunpack.c.l.s4.s8 v4  }
0x12: {  	s3 =	sshll.u32 s3, $0x4;
	v5 =	vunpack.c.0.s8.s32 v5;
	s29 =	sshrl.u32 s28, $0x1;
	s30 =	sshrl.u32 s13, $0x2;
	vm1 =	vmor vm1, vm2;
	vm2 =	vcmask $0x2F20  }
0x13: {  	s11 =	sadd.s32 s11, s12;
	s12 =	ssub.s32 s28, s29;
	s13 =	sadd.s32 s30, s2;
	v1 =	vand.u32 $0xF, v1;
	vm2 =	vmor vm3, vm2;
	v4 =	vunpack.c.0.s8.s32 v4  }
0x14: {  	s1 =	sadd.s32 s11, s1;
	s31 =	smax.u32 s12, $0x1;
	[dreg:$0x4] =	wrdreg s13;
	vm3 =	vmmov $0xff;
	v3 =	vcombine.low v5, v3;
	v5 =	vunpack.c.0.s8.s32 v6  }
0x15: {  	s3 =	sor.u32 s14, s3;
	s1 =	sadd.s32 $0x3D800, s1;
	[dreg:$0x6] =	wrdreg s31;
	v2 =	vand.u32 $0xF, v2;
	v6 =	vimm.s32 $0xFFFFFFFE;
	v4 =	vand.u32 $0xF, v4  }
0x16: {  	s11 =	smul.u32 $0x2710, s3;
	s3 =	simm.s32 $0x0;
	[dreg:$0x5] =	wrdreg s1;
	v3 =	vand.u32 $0xF, v3;
	v4 =	vcombine.low v4, v5;
	v5 =	vimm.s32 $0xFFFFFFFF  }
.LBB2_1:
0x17: {  	[dreg:$0x7] =	wrdreg s3;
	s1 =	simm.s32 $0x0;
	s3 =	simm.s32 $0x200  }
.LBB2_2:
0x18: {  	p0 =	sne.s32 s3, $0x9E00;
	[tilespmem:s1+$0xC570] =	vst v0  }
0x19: {  	[tilespmem:s1+$0xC500] =	vst v0  }
0x1a: {  	[tilespmem:s1+$0xC510] =	vst v0  }
.Ltmp0:
0x1b: {  	[tilespmem:s1+$0xC520] =	vst v0;
	(pc) =	sbr.rel @p0 .LBB2_2-.Ltmp0, $4  }
0x1c: {  	[tilespmem:s1+$0xC530] =	vst v0  }
0x1d: {  	[tilespmem:s1+$0xC540] =	vst v0  }
0x1e: {  	[tilespmem:s1+$0xC550] =	vst v0  }
0x1f: {  	[tilespmem:s1+$0xC560] =	vst v0;
	s1 =	sshra.s32 s3, $0x2;
	s3 =	sadd.s32 $0x200, s3  }
0x20: {  	[tilespmem:s1+$0xC570] =	vst v0  }
0x21: {  	[tilespmem:s1+$0xC500] =	vst v0  }
0x22: {  	[tilespmem:s1+$0xC510] =	vst v0  }
0x23: {  	[tilespmem:s1+$0xC520] =	vst v0  }
0x24: {  	[tilespmem:s1+$0xC530] =	vst v0  }
0x25: {  	[tilespmem:s1+$0xC540] =	vst v0  }
0x26: {  	[tilespmem:s1+$0xC550] =	vst v0  }
0x27: {  	[tilespmem:s1+$0xC560] =	vst v0  }
0x28: {  	[spmem:s13] =	stream.linear.scatter [tilespmem:s15], [sflag:$0x4], $0x2800, $0x38;
	[tilespmem:$0x11500] =	vst v63  }
0x29: {  	_ =	swait.ge [sflag:s16], $0x2800  }
0x2a: {  	[sflag:s16] =	ssyncset.done $0x0  }
0x2b: {  	[sflag:s16] =	ssyncadd.s32 $0xFFFFD800  }
0x2c: {  	s28 =	simm.s32 $0x0;
	[bflag:$0x0] =	sbarrier.arrive $0xFFFF  }
.LBB2_4:
0x2d: {  	s1 =	smul.u32 $0x29, s28;
	_ =	sdelay $0x1  }
0x2e: {  	s1 =	sshrl.u32 s1, $0xA  }
0x2f: {  	s1 =	sand.u32 $0x3F, s1  }
0x30: {  	s1 =	smul.u32 $0x19, s1;
	_ =	sdelay $0x1  }
0x31: {  	s3 =	smul.u32 $0x50, s28;
	s1 =	ssub.s32 s28, s1  }
0x32: {  	s1 =	sand.u32 $0xFF, s1  }
0x33: {  	s29 =	sadd.s32 s11, s3;
	p0 =	sne.s32 s1, $0x0  }
0x34: {  	s3 =	sshrl.u32 @!p0 s29, $0x3  }
0x35: {  	s13 =	simm.s32 @!p0 $0x0;
	s12 =	sadd.s32 @!p0 s5, s3  }
0x36: {  	[tilespmem:s13], [sflag:$0x2] =	stream.linear.gather @!p0 [hbm4b:s12+s13], $0x7D0, $0x38;
	[tilespmem:$0x11500] =	vst v63  }
0x37: {  	s3 =	sadd.s32 @!p0 s6, s3;
	s12 =	simm.s32 @!p0 $0x800  }
0x38: {  	[tilespmem:s12], [sflag:$0x2] =	stream.linear.gather @!p0 [hbm4b:s3+s13], $0x7D0, $0x38;
	[tilespmem:$0x11500] =	vst v63  }
0x39: {  	s3 =	simm.s32 @!p0 $0x2  }
0x3a: {  	_ =	swait.ge @!p0 [sflag:s3], $0x7D0  }
0x3b: {  	[sflag:s3] =	ssyncset.done @!p0 $0x0  }
0x3c: {  	[sflag:s3] =	ssyncadd.s32 @!p0 $0xFFFFF830  }
0x3d: {  	s1 =	smul.u32 $0x50, s1;
	_ =	swait.ge @!p0 [sflag:s3], $0x7D0  }
0x3e: {  	[sflag:s3] =	ssyncset.done @!p0 $0x0  }
0x3f: {  	s25 =	sadd.s32 $0x800, s1;
	[sflag:s3] =	ssyncadd.s32 @!p0 $0xFFFFF830  }
0x40: {  	[tilespmem:s18], [sflag:$0x1] =	stream.indirect.gather [hbm4b:s0+s17], $0x80, s25, s17, $0xb8;
	[tilespmem:$0x11500] =	vst v63  }
0x41: {  	s30 =	sshll.u32 s29, $0x4;
	p0 =	seq.s32 s28, $0x0  }
0x42: {  	[tilespmem:s19], [sflag:$0x1] =	stream.indirect.gather [hbm4b:s7+s17], $0x80, s1, s17, $0xb8;
	[tilespmem:$0x11500] =	vst v63  }
0x43: {  	s26 =	sadd.s32 s8, s30;
	s3 =	simm.s32 @!p0 $0x3  }
0x44: {  	[tilespmem:s20], [sflag:$0x1] =	stream.linear.gather [hbm4b:s26+s4], $0x2800, $0x38;
	[tilespmem:$0x11500] =	vst v63  }
0x45: {  	_ =	swait.ge @!p0 [sflag:s3], $0x2800  }
0x46: {  	[sflag:s3] =	ssyncset.done @!p0 $0x0  }
0x47: {  	[sflag:s3] =	ssyncadd.s32 @!p0 $0xFFFFD800  }
0x48: {  	_ =	swait.ge @!p0 [sflag:s3], $0x1400  }
0x49: {  	[sflag:s3] =	ssyncset.done @!p0 $0x0  }
0x4a: {  	[sflag:s3] =	ssyncadd.s32 @!p0 $0xFFFFEC00  }
0x4b: {  	v12 =	vld [tilespmem:s1+$0x800];
	_ =	sdelay $0x4  }
0x4c: {  	v13 =	vshrl.u32 v12, $0x3  }
0x4d: {  	v12 =	vand.u32 $0x7, v12;
	[tilespmem:$0x1000] =	vst v13  }
0x4e: {  	[tilespmem:$0x1080] =	vst v12  }
0x4f: {  	v12 =	vld [tilespmem:s1+$0x810];
	_ =	sdelay $0x4  }
0x50: {  	v60 =	vshrl.u32 v12, $0x3  }
0x51: {  	v12 =	vand.u32 $0x7, v12;
	[tilespmem:$0x1010] =	vst v60  }
0x52: {  	[tilespmem:$0x1090] =	vst v12  }
0x53: {  	v12 =	vld [tilespmem:s1+$0x820];
	_ =	sdelay $0x4  }
0x54: {  	v61 =	vshrl.u32 v12, $0x3  }
0x55: {  	v12 =	vand.u32 $0x7, v12;
	[tilespmem:$0x1020] =	vst v61  }
0x56: {  	[tilespmem:$0x10A0] =	vst v12  }
0x57: {  	v12 =	vld [tilespmem:s1+$0x830];
	_ =	sdelay $0x4  }
0x58: {  	v62 =	vshrl.u32 v12, $0x3  }
0x59: {  	v12 =	vand.u32 $0x7, v12;
	[tilespmem:$0x1030] =	vst v62  }
0x5a: {  	[tilespmem:$0x10B0] =	vst v12  }
0x5b: {  	v12 =	vld [tilespmem:s1+$0x840];
	_ =	sdelay $0x4  }
0x5c: {  	v63 =	vshrl.u32 v12, $0x3  }
0x5d: {  	v12 =	vand.u32 $0x7, v12;
	[tilespmem:$0x1040] =	vst v63  }
0x5e: {  	[tilespmem:$0x10C0] =	vst v12  }
0x5f: {  	_ =	swait.ge [sflag:s21], $0x2800  }
0x60: {  	[sflag:s21] =	ssyncset.done $0x0  }
0x61: {  	[sflag:s21] =	ssyncadd.s32 $0xFFFFD800  }
0x62: {  	_ =	swait.ge [sflag:s21], $0x2800  }
0x63: {  	[sflag:s21] =	ssyncset.done $0x0  }
0x64: {  	s31 =	simm.s32 $0x8900;
	[sflag:s21] =	ssyncadd.s32 $0xFFFFD800  }
0x65: {  	s14 =	simm.s32 $0x1180;
	s13 =	simm.s32 $0x3980;
	_ =	swait.ge [sflag:s21], $0x2800  }
0x66: {  	s12 =	simm.s32 $0xC580;
	s25 =	simm.s32 $0x0;
	[sflag:s21] =	ssyncset.done $0x0  }
0x67: {  	s3 =	simm.s32 $0x6180;
	s1 =	simm.s32 $0x9D80;
	[sflag:s21] =	ssyncadd.s32 $0xFFFFD800  }
.LBB2_5:
0x68: {  	v12 =	vld [tilespmem:s14+$0xFFFFFF80]  }
0x69: {  	v13 =	vld [tilespmem:s13+$0xFFFFFF80]  }
0x6a: {  	v14 =	vld [tilespmem:s3+$0xFFFFFF80]  }
0x6b: {  	v15 =	vld [tilespmem:s14+$0xFFFFFF90]  }
0x6c: {  	v16 =	vld [tilespmem:s13+$0xFFFFFF90]  }
0x6d: {  	v17 =	vld [tilespmem:s3+$0xFFFFFF90]  }
0x6e: {  	v18 =	vld [tilespmem:s14+$0xFFFFFFA0]  }
0x6f: {  	v19 =	vld [tilespmem:s13+$0xFFFFFFA0]  }
0x70: {  	v20 =	vld [tilespmem:s3+$0xFFFFFFA0]  }
0x71: {  	v21 =	vld [tilespmem:s14+$0xFFFFFFB0]  }
0x72: {  	v22 =	vld [tilespmem:s13+$0xFFFFFFB0]  }
0x73: {  	v23 =	vld [tilespmem:s3+$0xFFFFFFB0]  }
0x74: {  	v24 =	vld [tilespmem:s14+$0xFFFFFFC0]  }
0x75: {  	v25 =	vld [tilespmem:s13+$0xFFFFFFC0]  }
0x76: {  	v26 =	vld [tilespmem:s3+$0xFFFFFFC0]  }
0x77: {  	v27 =	vld [tilespmem:s14+$0xFFFFFFD0]  }
0x78: {  	v28 =	vld [tilespmem:s13+$0xFFFFFFD0]  }
0x79: {  	v29 =	vld [tilespmem:s3+$0xFFFFFFD0]  }
0x7a: {  	v30 =	vld [tilespmem:s14+$0xFFFFFFE0]  }
0x7b: {  	v31 =	vld [tilespmem:s13+$0xFFFFFFE0]  }
0x7c: {  	v32 =	vld [tilespmem:s3+$0xFFFFFFE0]  }
0x7d: {  	v33 =	vld [tilespmem:s14+$0xFFFFFFF0]  }
0x7e: {  	v34 =	vld [tilespmem:s13+$0xFFFFFFF0]  }
0x7f: {  	v35 =	vld [tilespmem:s3+$0xFFFFFFF0]  }
0x80: {  	v36 =	vld [tilespmem:s14+$0x0]  }
0x81: {  	v37 =	vld [tilespmem:s13+$0x0]  }
0x82: {  	v39 =	vld [tilespmem:s14+$0x10]  }
0x83: {  	v40 =	vld [tilespmem:s13+$0x10]  }
0x84: {  	v42 =	vld [tilespmem:s14+$0x20]  }
0x85: {  	v43 =	vld [tilespmem:s13+$0x20]  }
0x86: {  	v45 =	vld [tilespmem:s14+$0x30]  }
0x87: {  	v46 =	vld [tilespmem:s13+$0x30]  }
0x88: {  	v54 =	vld [tilespmem:s14+$0x60];
	v12 =	vmul.f32 v13, v12;
	v15 =	vmul.f32 v16, v15  }
0x89: {  	v55 =	vld [tilespmem:s13+$0x60];
	v63 =	vmul.f32 v19, v18;
	v22 =	vmul.f32 v22, v21  }
0x8a: {  	v38 =	vld [tilespmem:s3+$0x0];
	v48 =	vmul.f32 v25, v24;
	v50 =	vmul.f32 v28, v27  }
0x8b: {  	v41 =	vld [tilespmem:s3+$0x10];
	v51 =	vmul.f32 v31, v30;
	v53 =	vmul.f32 v34, v33  }
0x8c: {  	v44 =	vld [tilespmem:s3+$0x20];
	v56 =	vmul.f32 v37, v36;
	v58 =	vmul.f32 v40, v39  }
0x8d: {  	v47 =	vld [tilespmem:s3+$0x30];
	v59 =	vmul.f32 v43, v42;
	v61 =	vmul.f32 v46, v45  }
0x8e: {  	v57 =	vld [tilespmem:s14+$0x70];
	v27 =	vmul.f32 v55, v54;
	v12 =	vmul.f32 v14, v12  }
0x8f: {  	v60 =	vld [tilespmem:s13+$0x70];
	v15 =	vmul.f32 v17, v15;
	v16 =	vmul.f32 v20, v63  }
0x90: {  	v62 =	vld [tilespmem:s3+$0x60];
	v14 =	vmul.f32 v23, v22;
	v20 =	vmul.f32 v26, v48  }
0x91: {  	v13 =	vld [tilespmem:s14+$0x40];
	v22 =	vmul.f32 v29, v50;
	v23 =	vmul.f32 v32, v51  }
0x92: {  	v18 =	vld [tilespmem:s13+$0x40];
	v25 =	vmul.f32 v35, v53;
	v28 =	vmul.f32 v38, v56  }
0x93: {  	v49 =	vld [tilespmem:s13+$0x50];
	v30 =	vmul.f32 v41, v58;
	v31 =	vmul.f32 v44, v59  }
0x94: {  	v19 =	vld [tilespmem:s3+$0x40];
	v33 =	vmul.f32 v47, v61;
	v32 =	vmul.f32 v60, v57;
	v36 =	vsel vm0, v15, v12  }
0x95: {  	v17 =	vld [tilespmem:s14+$0x50];
	v37 =	vsel vm0, v14, v16;
	v38 =	vsel vm0, v22, v20;
	v12 =	vsel vm0, v12, v15  }
0x96: {  	v63 =	vld [tilespmem:s3+$0x70];
	v14 =	vsel vm0, v16, v14;
	v40 =	vsel vm0, v20, v22;
	v41 =	vsel vm0, v25, v23  }
0x97: {  	v52 =	vld [tilespmem:s3+$0x50];
	v42 =	vsel vm0, v30, v28;
	v13 =	vmul.f32 v18, v13;
	v18 =	vmul.f32 v62, v27  }
0x98: {  	v43 =	vsel vm0, v33, v31;
	v21 =	vperm.xlane v36, v1;
	v24 =	vperm.xlane v37, v1  }
0x99: {  	v44 =	vsel vm0, v23, v25;
	v39 =	vperm.xlane v38, v1;
	v16 =	vperm.xlane v41, v1  }
0x9a: {  	v45 =	vsel vm0, v28, v30;
	v20 =	vperm.xlane v42, v1;
	v17 =	vmul.f32 v49, v17  }
0x9b: {  	v46 =	vsel vm0, v31, v33;
	v13 =	vmul.f32 v19, v13;
	v19 =	vmul.f32 v63, v32  }
0x9c: {  	v12 =	vadd.f32 v21, v12;
	v14 =	vadd.f32 v24, v14;
	v17 =	vmul.f32 v52, v17  }
0x9d: {  	v15 =	vadd.f32 v39, v40;
	v21 =	vperm.xlane v43, v1;
	v16 =	vadd.f32 v16, v44  }
0x9e: {  	v20 =	vadd.f32 v20, v45;
	v48 =	vsel vm0, v19, v18;
	v47 =	vsel vm0, v17, v13  }
0x9f: {  	v21 =	vadd.f32 v21, v46;
	v23 =	vperm.xlane v48, v1;
	v22 =	vperm.xlane v47, v1  }
0xa0: {  	v24 =	vsel vm1, v14, v12;
	v49 =	vsel vm0, v18, v19;
	v13 =	vsel vm0, v13, v17  }
0xa1: {  	v12 =	vsel vm1, v12, v14;
	v17 =	vadd.f32 v23, v49;
	v13 =	vadd.f32 v22, v13  }
0xa2: {  	v51 =	vsel vm1, v16, v15;
	v15 =	vsel vm1, v15, v16;
	v50 =	vperm.xlane v24, v2  }
0xa3: {  	v14 =	vperm.xlane v51, v2;
	v52 =	vsel vm1, v21, v20;
	v53 =	vsel vm1, v17, v13  }
0xa4: {  	v56 =	vsel vm1, v20, v21;
	v54 =	vperm.xlane v52, v2;
	v55 =	vperm.xlane v53, v2  }
0xa5: {  	v12 =	vadd.f32 v50, v12;
	v14 =	vadd.f32 v14, v15;
	v13 =	vsel vm1, v13, v17  }
0xa6: {  	v15 =	vadd.f32 v54, v56;
	v13 =	vadd.f32 v55, v13;
	_ =	sdelay $0x1  }
0xa7: {  	v57 =	vsel vm2, v14, v12;
	v58 =	vsel vm2, v13, v15  }
0xa8: {  	v16 =	vperm.xlane v57, v3;
	v17 =	vperm.xlane v58, v3  }
0xa9: {  	v12 =	vsel vm2, v12, v14;
	v13 =	vsel vm2, v15, v13  }
0xaa: {  	v12 =	vadd.f32 v16, v12;
	v13 =	vadd.f32 v17, v13;
	_ =	sdelay $0x1  }
0xab: {  	v59 =	vsel vm3, v13, v12  }
0xac: {  	v14 =	vperm.xlane v59, v4  }
0xad: {  	v12 =	vsel vm3, v12, v13  }
0xae: {  	v12 =	vadd.f32 v12, v14;
	_ =	sdelay $0x1  }
0xaf: {  	v60 =	vmul.f32 $2.500000000e-01, v12;
	_ =	sdelay $0x1  }
0xb0: {  	v12 =	vmax.f32 v60, $-5.000000000e+00  }
0xb1: {  	v12 =	vmin.f32 v12, $5.000000000e+00  }
0xb2: {  	v12 =	vmul.f32 $1.442695020e+00, v12;
	_ =	sdelay $0x1  }
0xb3: {  	(erf) = vpow2.f32 v12;
	_ =	sdelay $0x8  }
0xb4: {  	v12 =	vpop (erf)  }
0xb5: {  	[tilespmem:s31+$0x0] =	vst v60;
	v13 =	vperm.xlane v12, v4  }
0xb6: {  	[tilespmem:s1+$0xFFFFFF80] =	vst v12  }
0xb7: {  	s26 =	sand.u32 $0x70, s25;
	[tilespmem:s1+$0x0] =	vst v13  }
0xb8: {  	v61 =	vld [tilespmem:s26+$0x1080];
	_ =	sdelay $0x1  }
0xb9: {  	s26 =	sand.u32 $0xE, s25  }
0xba: {  	v62 =	vmov s26  }
0xbb: {  	v15 =	vor.u32 $0x1, v62  }
0xbc: {  	v63 =	vperm.xlane v61, v62;
	v14 =	vperm.xlane v61, v15;
	_ =	sdelay $0x1  }
0xbd: {  	v23 =	vsub.s32 $0x0, v63;
	v24 =	vsub.s32 $0x0, v14  }
0xbe: {  	v25 =	vadd.s32 v5, v63;
	v27 =	vadd.s32 v5, v14;
	v29 =	vadd.s32 v6, v63  }
0xbf: {  	v31 =	vadd.s32 v6, v14;
	v33 =	vadd.s32 v7, v63;
	v35 =	vadd.s32 v7, v14  }
0xc0: {  	v37 =	vadd.s32 v8, v63;
	v39 =	vadd.s32 v8, v14;
	v41 =	vadd.s32 v9, v63  }
0xc1: {  	v43 =	vadd.s32 v9, v14;
	v45 =	vadd.s32 v10, v63;
	v56 =	vadd.s32 v10, v14  }
0xc2: {  	v16 =	vadd.s32 v11, v63;
	v15 =	vmin.u32 v63, v23;
	v17 =	vmin.u32 v14, v24  }
0xc3: {  	v26 =	vsub.s32 $0x0, v25;
	v28 =	vsub.s32 $0x0, v27;
	v30 =	vsub.s32 $0x0, v29  }
0xc4: {  	v32 =	vsub.s32 $0x0, v31;
	v34 =	vsub.s32 $0x0, v33;
	v36 =	vsub.s32 $0x0, v35  }
0xc5: {  	v38 =	vsub.s32 $0x0, v37;
	v40 =	vsub.s32 $0x0, v39;
	v42 =	vsub.s32 $0x0, v41  }
0xc6: {  	v44 =	vsub.s32 $0x0, v43;
	v46 =	vsub.s32 $0x0, v45;
	v58 =	vsub.s32 $0x0, v56  }
0xc7: {  	v60 =	vsub.s32 $0x0, v16;
	v14 =	vadd.s32 v11, v14;
	vm4 =	vlt.s32 v15, $0x1  }
0xc8: {  	v18 =	vmin.u32 v25, v26;
	v19 =	vmin.u32 v27, v28;
	v20 =	vmin.u32 v29, v30  }
0xc9: {  	v21 =	vmin.u32 v31, v32;
	v22 =	vmin.u32 v33, v34;
	v23 =	vmin.u32 v35, v36  }
0xca: {  	v24 =	vmin.u32 v37, v38;
	v25 =	vmin.u32 v39, v40;
	v26 =	vmin.u32 v41, v42  }
0xcb: {  	v27 =	vmin.u32 v43, v44;
	v49 =	vmin.u32 v45, v46;
	v59 =	vmin.u32 v56, v58  }
0xcc: {  	v16 =	vmin.u32 v16, v60;
	v61 =	vsub.s32 $0x0, v14;
	v15 =	vnsel vm4, $0x1, v15  }
0xcd: {  	vm4 =	vlt.s32 v17, $0x1;
	v14 =	vmin.u32 v14, v61;
	v15 =	vsub.s32 $0x1, v15  }
0xce: {  	v17 =	vnsel vm4, $0x1, v17;
	vm4 =	vlt.s32 v18, $0x1;
	v15 =	vcvt.s32.f32 v15  }
0xcf: {  	v17 =	vsub.s32 $0x1, v17;
	v18 =	vnsel vm4, $0x1, v18;
	vm4 =	vlt.s32 v19, $0x1  }
0xd0: {  	v17 =	vcvt.s32.f32 v17;
	v18 =	vsub.s32 $0x1, v18;
	v19 =	vnsel vm4, $0x1, v19  }
0xd1: {  	vm4 =	vlt.s32 v20, $0x1;
	v15 =	vmul.f32 v15, v12;
	v18 =	vcvt.s32.f32 v18  }
0xd2: {  	v19 =	vsub.s32 $0x1, v19;
	v20 =	vnsel vm4, $0x1, v20;
	vm4 =	vlt.s32 v21, $0x1  }
0xd3: {  	v17 =	vmul.f32 v17, v13;
	v19 =	vcvt.s32.f32 v19;
	v20 =	vsub.s32 $0x1, v20  }
0xd4: {  	v21 =	vnsel vm4, $0x1, v21;
	vm4 =	vlt.s32 v22, $0x1;
	v18 =	vmul.f32 v18, v12  }
0xd5: {  	v20 =	vcvt.s32.f32 v20;
	v21 =	vsub.s32 $0x1, v21;
	v22 =	vnsel vm4, $0x1, v22  }
0xd6: {  	vm4 =	vlt.s32 v23, $0x1;
	v19 =	vmul.f32 v19, v13;
	v21 =	vcvt.s32.f32 v21  }
0xd7: {  	v22 =	vsub.s32 $0x1, v22;
	v23 =	vnsel vm4, $0x1, v23;
	vm4 =	vlt.s32 v24, $0x1  }
0xd8: {  	v20 =	vmul.f32 v20, v12;
	v22 =	vcvt.s32.f32 v22;
	v23 =	vsub.s32 $0x1, v23  }
0xd9: {  	v24 =	vnsel vm4, $0x1, v24;
	vm4 =	vlt.s32 v25, $0x1;
	v21 =	vmul.f32 v21, v13  }
0xda: {  	v23 =	vcvt.s32.f32 v23;
	v24 =	vsub.s32 $0x1, v24;
	v25 =	vnsel vm4, $0x1, v25  }
0xdb: {  	[tilespmem:s12+$0xFFFFFF80] =	vst v15;
	vm4 =	vlt.s32 v26, $0x1;
	v22 =	vmul.f32 v22, v12;
	v24 =	vcvt.s32.f32 v24  }
0xdc: {  	[tilespmem:s12+$0x0] =	vst v17;
	v25 =	vsub.s32 $0x1, v25;
	v26 =	vnsel vm4, $0x1, v26;
	vm4 =	vlt.s32 v27, $0x1  }
0xdd: {  	[tilespmem:s12+$0xFFFFFF90] =	vst v18;
	v23 =	vmul.f32 v23, v13;
	v25 =	vcvt.s32.f32 v25;
	v26 =	vsub.s32 $0x1, v26  }
0xde: {  	[tilespmem:s12+$0x10] =	vst v19;
	v27 =	vnsel vm4, $0x1, v27;
	vm4 =	vlt.s32 v49, $0x1;
	v47 =	vcvt.s32.f32 v26  }
0xdf: {  	[tilespmem:s12+$0xFFFFFFA0] =	vst v20;
	v48 =	vsub.s32 $0x1, v27;
	v50 =	vmul.f32 v24, v12;
	v53 =	vnsel vm4, $0x1, v49  }
0xe0: {  	[tilespmem:s12+$0x20] =	vst v21;
	vm4 =	vlt.s32 v59, $0x1;
	v51 =	vcvt.s32.f32 v48;
	v52 =	vmul.f32 v25, v13  }
0xe1: {  	[tilespmem:s12+$0xFFFFFFB0] =	vst v22;
	v55 =	vsub.s32 $0x1, v53;
	v21 =	vnsel vm4, $0x1, v59;
	vm4 =	vlt.s32 v16, $0x1  }
0xe2: {  	[tilespmem:s12+$0x30] =	vst v23;
	v15 =	vmul.f32 v47, v12;
	v57 =	vcvt.s32.f32 v55;
	v62 =	vsub.s32 $0x1, v21  }
0xe3: {  	[tilespmem:s12+$0xFFFFFFC0] =	vst v50;
	v16 =	vnsel vm4, $0x1, v16;
	vm4 =	vlt.s32 v14, $0x1;
	v54 =	vmul.f32 v51, v13  }
0xe4: {  	[tilespmem:s12+$0x40] =	vst v52;
	v17 =	vcvt.s32.f32 v62;
	v16 =	vsub.s32 $0x1, v16;
	v14 =	vnsel vm4, $0x1, v14  }
0xe5: {  	p0 =	sne.s32 s25, $0x4E;
	[tilespmem:s12+$0xFFFFFFD0] =	vst v15;
	v63 =	vmul.f32 v57, v12;
	v16 =	vcvt.s32.f32 v16;
	v14 =	vsub.s32 $0x1, v14  }
.Ltmp1:
0xe6: {  	[tilespmem:s12+$0x50] =	vst v54;
	v17 =	vmul.f32 v17, v13;
	v14 =	vcvt.s32.f32 v14;
	(pc) =	sbr.rel @p0 .LBB2_5-.Ltmp1, $4  }
0xe7: {  	[tilespmem:s12+$0xFFFFFFE0] =	vst v63;
	v12 =	vmul.f32 v16, v12  }
0xe8: {  	s13 =	sadd.s32 $0x100, s13;
	[tilespmem:s12+$0x60] =	vst v17;
	v13 =	vmul.f32 v14, v13  }
0xe9: {  	s3 =	sadd.s32 $0x100, s3;
	s14 =	sadd.s32 $0x100, s14;
	s31 =	sadd.s32 $0x80, s31;
	[tilespmem:s12+$0xFFFFFFF0] =	vst v12  }
0xea: {  	s1 =	sadd.s32 $0x100, s1;
	s25 =	sadd.s32 $0x2, s25;
	[tilespmem:s12+$0x70] =	vst v13;
	s12 =	sadd.s32 $0x100, s12  }
0xeb: {  	[spmem:s2] =	stream.indirect.scatter.add.f32 [tilespmem:s15], [sflag:$0x4], $0x80, s22, s17, $0xb8;
	[tilespmem:$0x11500] =	vst v63  }
0xec: {  	s28 =	sadd.s32 $0x1, s28  }
0xed: {  	_ =	swait.ge [sflag:s16], $0x2800;
	p0 =	sne.s32 s28, $0x7D  }
.Ltmp2:
0xee: {  	[sflag:s16] =	ssyncset.done $0x0;
	(pc) =	sbr.rel @p0 .LBB2_4-.Ltmp2, $4  }
0xef: {  	s1 =	sadd.s32 s10, s30;
	s31 =	sshll.u32 s29, $0x3;
	[sflag:s16] =	ssyncadd.s32 $0xFFFFD800  }
0xf0: {  	[hbm4b:s1+s4] =	stream.linear.scatter [tilespmem:s23], [sflag:$0x3], $0x2800, $0x38;
	[tilespmem:$0x11500] =	vst v63  }
0xf1: {  	s1 =	sadd.s32 s9, s31  }
0xf2: {  	[hbm4b:s1+s4] =	stream.linear.scatter [tilespmem:s24], [sflag:$0x3], $0x1400, $0x38;
	[tilespmem:$0x11500] =	vst v63  }
0xf3: {  	s1 =	simm.s32 $0x3  }
0xf4: {  	_ =	swait.ge [sflag:s1], $0x2800  }
0xf5: {  	[sflag:s1] =	ssyncset.done $0x0  }
0xf6: {  	[sflag:s1] =	ssyncadd.s32 $0xFFFFD800  }
0xf7: {  	_ =	swait.ge [sflag:s1], $0x1400  }
0xf8: {  	[sflag:s1] =	ssyncset.done $0x0  }
0xf9: {  	[sflag:s1] =	ssyncadd.s32 $0xFFFFEC00  }
0xfa: {  	s29 =	stileid.u32;
	[bflag:$0x0] =	sbarrier.arrive $0xFFFF  }
0xfb: {  	s1 =	sshll.u32 s29, $0x6;
	s13 =	rddreg [dreg:$0x4]  }
0xfc: {  	s1 =	sor.u32 $0x1C04, s1;
	s12 =	rddreg [dreg:$0x5];
	s3 =	sshrl.u32 s13, $0x3  }
0xfd: {  	[hbm:s12], [sflag:s1] =	dma.local [spmem:s3], $0x500  }
0xfe: {  	_ =	swait.ge [sflag:s16], $0x500  }
0xff: {  	s30 =	rddreg [dreg:$0x7]  }
0x100: {  	s31 =	rddreg [dreg:$0x6];
	s3 =	sadd.s32 $0x1, s30  }
0x101: {  	p0 =	sne.s32 s3, s31  }
.Ltmp3:
0x102: {  	_ = 	snop;
	(pc) =	sbr.rel @p0 .LBB2_1-.Ltmp3, $3  }
0x103: {  	_ =	sdelay $0x1  }
0x104: {  	[sflag:s16] =	ssyncset.done $0x0  }
0x105: {  	[sflag:s16] =	ssyncadd.s32 $0xFFFFFB00  }
0x106: {  	_ =	sfence.sel $0x180000  }
0x107: {  	[bflag:$0x0] =	sbarrier.arrive $0xFFFF  }
0x108: {  	_ =	strace $0x90000047  }
0x109: {  	s0 =	stileid.u32;
	[bflag:$0x2] =	sbarrier.arrive $0xFFFF  }
0x10a: {  	p0 =	sne.s32 s0, $0x0;
	s0 =	rddreg [dreg:$0x3]  }
0x10b: {  	s0 =	sadd.s32 @!p0 $0x100000, s0  }
0x10c: {  	[sflag:s0] =	ssyncadd.tile.s32 @!p0 $0x1;
	_ =	shalt  }
.Lfunc_end2:
_tile_overlayer_lowered:
.L_overlay_start_2:
0x10d: {  	(tag) =	ssettag $0x2  }
0x10e: {  	s0 =	rddreg [dreg:$0x0];
	s2 =	stileid.u32  }
0x10f: {  	s1 =	rddreg [dreg:$0x1];
	p0 =	sne.s32 s2, $0x0  }
0x110: {  	s3 =	rddreg [dreg:$0x2];
	[bflag:$0x3] =	sbarrier.arrive $0xFFFF;
	s2 =	simm.s32 @!p0 $0x1C04  }
0x111: {  	[timem:s3], [sflag:s2] =	dma.local @!p0 [hbm:s0], s1  }
0x112: {  	s0 =	simm.s32 @!p0 $0x4  }
0x113: {  	_ =	swait.ge @!p0 [sflag:s0], s1  }
0x114: {  	s1 =	ssub.s32 @!p0 $0x0, s1;
	[sflag:s0] =	ssyncset.done @!p0 $0x0  }
0x115: {  	[sflag:s0] =	ssyncadd.s32 @!p0 s1  }
0x116: {  	[bflag:$0x3] =	sbarrier.arrive $0xFFFF  }
0x117: {  	_ =	shalt  }

</sc_bundles>
